<compile_context>
chip_gen: v7x
topology: tpu7x:2x2x1
jax: 0.10.2.dev20260603
libtpu: 0.0.44.dev20260713+nightly
codegen_flags: <defaults>
</compile_context>

<pallas_src>
import functools

import jax
import jax.numpy as jnp
from jax import lax
from jax.experimental import pallas as pl
from jax.experimental.pallas import tpu as pltpu
from jax.experimental.pallas import tpu_sc as plsc

VOCAB = 100000
D = 128
B = 16384
K = 10
L = 16
NC, NS = 2, 16
NW = NC * NS
NB = B // NW
C = 32
NCHUNK = NB // C
NG = NCHUNK // 2
NJ = D // L

_mesh = plsc.VectorSubcoreMesh(core_axis_name="c", subcore_axis_name="s")


@functools.partial(
    pl.kernel,
    mesh=_mesh,
    compiler_params=pltpu.CompilerParams(needs_layout_passes=False,
                                         use_tc_tiling_on_sc=False),
    out_type=[
        jax.ShapeDtypeStruct((B,), jnp.float32),
        jax.ShapeDtypeStruct((B,), jnp.float32),
    ],
    scratch_types=[
        pltpu.VMEM((NB,), jnp.int32),
        pltpu.VMEM((NB,), jnp.int32),
        pltpu.VMEM((K, NB), jnp.int32),
        pltpu.VMEM((C, D), jnp.float32),
        pltpu.VMEM((C, D), jnp.float32),
        pltpu.VMEM((C, D), jnp.float32),
        pltpu.VMEM((C, D), jnp.float32),
        pltpu.VMEM((K * C, D), jnp.float32),
        pltpu.VMEM((K * C, D), jnp.float32),
        pltpu.VMEM((C, L), jnp.float32),
        pltpu.VMEM((C, L), jnp.float32),
        pltpu.VMEM((C,), jnp.float32),
        pltpu.VMEM((C,), jnp.float32),
        pltpu.SemaphoreType.DMA,
        pltpu.SemaphoreType.DMA,
    ],
)
def _sc_gather_dot(pos_u_hbm, pos_v_hbm, negT_hbm, target_hbm, context_hbm,
                   pos_out, neg_out,
                   uidx, vidx, nidx, t0, t1, v0, v1, n0, n1,
                   ppart, npart, psco, nsco, sem0, sem1):
    wid = lax.axis_index("s") * NC + lax.axis_index("c")
    base = pl.multiple_of(wid * NB, NB)
    lanes = lax.broadcasted_iota(jnp.int32, (L,), 0)

    pltpu.sync_copy(pos_u_hbm.at[pl.ds(base, NB)], uidx)
    pltpu.sync_copy(pos_v_hbm.at[pl.ds(base, NB)], vidx)
    for k in range(K):
        pltpu.sync_copy(negT_hbm.at[k, pl.ds(base, NB)], nidx.at[k])

    def fire(off, tb, vb, nb, sem):
        pltpu.async_copy(target_hbm.at[uidx.at[pl.ds(off, C)]], tb, sem)
        pltpu.async_copy(context_hbm.at[vidx.at[pl.ds(off, C)]], vb, sem)
        for k in range(K):
            pltpu.async_copy(context_hbm.at[nidx.at[k, pl.ds(off, C)]],
                             nb.at[pl.ds(k * C, C)], sem)

    def drain(tb, vb, nb, sem):
        pltpu.make_async_copy(target_hbm.at[pl.ds(0, C), :], tb, sem).wait()
        pltpu.make_async_copy(context_hbm.at[pl.ds(0, C), :], vb, sem).wait()
        pltpu.make_async_copy(context_hbm.at[pl.ds(0, K * C), :], nb, sem).wait()

    def compute(tb, vb, nb, out_off):
        def b_body(b, carry):
            accp = None
            accn = None
            for j in range(NJ):
                sl = pl.ds(j * L, L)
                t = tb[b, sl]
                v = vb[b, sl]
                ns = nb[b, sl]
                for k in range(1, K):
                    ns = ns + nb[k * C + b, sl]
                if accp is None:
                    accp = t * v
                    accn = t * ns
                else:
                    accp = accp + t * v
                    accn = accn + t * ns
            ppart[b, :] = accp
            npart[b, :] = accn
            return carry

        lax.fori_loop(0, C, b_body, 0, unroll=False)

        def g_body(g, carry):
            rows = g * L + lanes
            sp = None
            sn = None
            for j in range(L):
                col = jnp.full((L,), j, jnp.int32)
                cp = plsc.load_gather(ppart, [rows, col])
                cn = plsc.load_gather(npart, [rows, col])
                sp = cp if sp is None else sp + cp
                sn = cn if sn is None else sn + cn
            row0 = pl.multiple_of(g * L, L)
            psco[pl.ds(row0, L)] = sp
            nsco[pl.ds(row0, L)] = sn
            return carry

        lax.fori_loop(0, C // L, g_body, 0, unroll=False)
        pltpu.sync_copy(psco, pos_out.at[pl.ds(out_off, C)])
        pltpu.sync_copy(nsco, neg_out.at[pl.ds(out_off, C)])

    fire(0, t0, v0, n0, sem0)

    def group(g, carry):
        off0 = pl.multiple_of(g * (2 * C), 2 * C)
        fire(off0 + C, t1, v1, n1, sem1)
        drain(t0, v0, n0, sem0)
        compute(t0, v0, n0, base + off0)
        off2 = pl.multiple_of(
            jnp.minimum(off0 + 2 * C, NB - C).astype(jnp.int32), C)
        fire(off2, t0, v0, n0, sem0)
        drain(t1, v1, n1, sem1)
        compute(t1, v1, n1, base + off0 + C)
        return carry

    lax.fori_loop(0, NG, group, 0, unroll=False)
    drain(t0, v0, n0, sem0)


def _loss_body(p_ref, n_ref, o_ref):
    tot = jnp.sum(jnp.log(jax.nn.sigmoid(p_ref[...]))
                  + jnp.log(jax.nn.sigmoid(-n_ref[...])))
    o_ref[0, 0] = -tot / B


_loss_call = pl.pallas_call(
    _loss_body,
    out_shape=jax.ShapeDtypeStruct((1, 1), jnp.float32),
    out_specs=pl.BlockSpec(memory_space=pltpu.SMEM),
)


@jax.jit
def kernel(pos_u, pos_v, neg_v, target_table, context_table):
    negT = jnp.transpose(neg_v)
    pos_s, neg_s = _sc_gather_dot(pos_u, pos_v, negT,
                                  target_table, context_table)
    return _loss_call(pos_s.reshape(D, B // D), neg_s.reshape(D, B // D))[0, 0]

# --- scband reference (transcript-rebuilt; emitter-appended) ---
"""Pipeline reference for scband-skipgram-35974646071836 (READ-ONLY COPY).

The authoritative reference and input builder live on the scoring server;
editing this copy changes nothing except your own understanding.
"""

import jax, jax.numpy as jnp
import numpy as np

VOCAB_SIZE = 100000
EMBED_DIM = 128
BATCH = 16384
NEG_K = 10


def setup_inputs(seed: int = 0) -> dict:
    key = jax.random.key(seed)
    k1, k2, k3, k4, k5 = jax.random.split(key, 5)
    pos_u = jax.random.randint(k1, (BATCH,), 0, VOCAB_SIZE, dtype=jnp.int64 if jax.config.jax_enable_x64 else jnp.int32).astype(jnp.int32)
    pos_v = jax.random.randint(k2, (BATCH,), 0, VOCAB_SIZE).astype(jnp.int32)
    neg_v = jax.random.randint(k3, (BATCH, NEG_K), 0, VOCAB_SIZE).astype(jnp.int32)
    # learned parameters: target/context embedding tables
    # (original inits context table to zeros; we use small uniform for a
    #  non-degenerate benchmark, same math)
    target_table = jax.random.uniform(k4, (VOCAB_SIZE, EMBED_DIM), dtype=jnp.float32, minval=-0.1, maxval=0.1)
    context_table = jax.random.uniform(k5, (VOCAB_SIZE, EMBED_DIM), dtype=jnp.float32, minval=-0.1, maxval=0.1)
    return {
        "pos_u": pos_u,
        "pos_v": pos_v,
        "neg_v": neg_v,
        "target_table": target_table,
        "context_table": context_table,
    }


def reference(pos_u, pos_v, neg_v, target_table, context_table):
    batch_size = pos_u.shape[0]
    # embedding lookups (gathers)
    pos_t_E = jnp.take(target_table, pos_u, axis=0)   # [B, D]
    pos_E = jnp.take(context_table, pos_v, axis=0)    # [B, D]
    pos_score = jnp.sum(pos_t_E * pos_E, axis=1)      # [B]
    pos_score = jnp.log(jax.nn.sigmoid(pos_score))    # [B]
    neg_E = jnp.take(context_table, neg_v, axis=0)    # [B, K, D]
    # torch.bmm(neg_E, pos_t_E.unsqueeze(2)) -> [B, K, 1]
    neg_score = jnp.einsum("bkd,bd->bk", neg_E, pos_t_E)[:, :, None]  # [B, K, 1]
    # sum over dim=1 (the K negatives) BEFORE the sigmoid, as in the original
    neg_score = jnp.sum(neg_score, axis=1)            # [B, 1]
    neg_score = jnp.squeeze(jnp.log(jax.nn.sigmoid(-neg_score)))  # [B]
    return -(jnp.sum(pos_score) + jnp.sum(neg_score)) / batch_size

if __name__ == "__main__":
    import jax
    _d = setup_inputs()
    print(jax.jit(kernel)(*tuple(_d.values())))

</pallas_src>

<mosaic_0001>
#map = affine_map<(d0, d1) -> (0)>
#map1 = affine_map<(d0, d1) -> (0, 0)>
module attributes {stable_mosaic.version = 14 : i64} {
  func.func @_sc_gather_dot(%arg0: i32, %arg1: i32, %arg2: memref<16384xi32, #tpu.memory_space<hbm>>, %arg3: memref<16384xi32, #tpu.memory_space<hbm>>, %arg4: memref<10x16384xi32, #tpu.memory_space<hbm>>, %arg5: memref<100000x128xf32, #tpu.memory_space<hbm>>, %arg6: memref<100000x128xf32, #tpu.memory_space<hbm>>, %arg7: memref<16384xf32, #tpu.memory_space<hbm>>, %arg8: memref<16384xf32, #tpu.memory_space<hbm>>, %arg9: memref<512xi32, #tpu.memory_space<vmem>>, %arg10: memref<512xi32, #tpu.memory_space<vmem>>, %arg11: memref<10x512xi32, #tpu.memory_space<vmem>>, %arg12: memref<32x128xf32, #tpu.memory_space<vmem>>, %arg13: memref<32x128xf32, #tpu.memory_space<vmem>>, %arg14: memref<32x128xf32, #tpu.memory_space<vmem>>, %arg15: memref<32x128xf32, #tpu.memory_space<vmem>>, %arg16: memref<320x128xf32, #tpu.memory_space<vmem>>, %arg17: memref<320x128xf32, #tpu.memory_space<vmem>>, %arg18: memref<32x16xf32, #tpu.memory_space<vmem>>, %arg19: memref<32x16xf32, #tpu.memory_space<vmem>>, %arg20: memref<32xf32, #tpu.memory_space<vmem>>, %arg21: memref<32xf32, #tpu.memory_space<vmem>>, %arg22: memref<!tpu.dma_semaphore, #tpu.memory_space<semaphore_mem>>, %arg23: memref<!tpu.dma_semaphore, #tpu.memory_space<semaphore_mem>>) attributes {dimension_semantics = [#tpu.dimension_semantics<core_parallel>, #tpu.dimension_semantics<subcore_parallel>], iteration_bounds = array<i64: 2, 16>, scalar_prefetch = 0 : i64, scratch_operands = 15 : i64, tpu.core_type = #tpu.core_type<sc_vector_subcore>, window_params = [{transform_indices = #map}, {transform_indices = #map}, {transform_indices = #map1}, {transform_indices = #map1}, {transform_indices = #map1}, {transform_indices = #map}, {transform_indices = #map}]} {
    %mul3A = arith.constant 2 : i32
    %mul3A_0 = arith.muli %arg1, %mul3A : i32
    %add3A = arith.addi %mul3A_0, %arg0 : i32
    %mul3A_1 = arith.constant 512 : i32
    %mul3A_2 = arith.muli %add3A, %mul3A_1 : i32
    %multiple_of3A = tpu.assume_multiple %mul3A_2, 512 : i32
    %iota3A = tpu.iota {dimensions = array<i32: 0>} : vector<16xi32>
    "tpu.region"() ({
      %run_scoped3A_153 = tpu.sem_alloc : memref<!tpu.dma_semaphore, #tpu.memory_space<semaphore_mem>>
      %dma_start3A_154 = tpu.memref_slice %arg2[%multiple_of3A] : memref<16384xi32, #tpu.memory_space<hbm>> -> memref<512xi32, #tpu.memory_space<hbm>>
      %dma_start3A_155 = tpu.memref_slice %arg2[%multiple_of3A] : memref<16384xi32, #tpu.memory_space<hbm>> -> memref<512xi32, #tpu.memory_space<hbm>>
      tpu.enqueue_dma source(%dma_start3A_155 : memref<512xi32, #tpu.memory_space<hbm>>) target(%arg9 : memref<512xi32, #tpu.memory_space<vmem>>) target_semaphore(%run_scoped3A_153 : memref<!tpu.dma_semaphore, #tpu.memory_space<semaphore_mem>>)
      %dma_wait3A_156 = tpu.memref_slice %arg2[%multiple_of3A] : memref<16384xi32, #tpu.memory_space<hbm>> -> memref<512xi32, #tpu.memory_space<hbm>>
      %dma_wait3A_157 = tpu.memref_slice %arg2[%multiple_of3A] : memref<16384xi32, #tpu.memory_space<hbm>> -> memref<512xi32, #tpu.memory_space<hbm>>
      tpu.wait_dma2 semaphore(%run_scoped3A_153 : memref<!tpu.dma_semaphore, #tpu.memory_space<semaphore_mem>>) src(%dma_wait3A_157 : memref<512xi32, #tpu.memory_space<hbm>>) dst(%arg9 : memref<512xi32, #tpu.memory_space<vmem>>)
      tpu.yield
    }) : () -> ()
    "tpu.region"() ({
      %run_scoped3A_153 = tpu.sem_alloc : memref<!tpu.dma_semaphore, #tpu.memory_space<semaphore_mem>>
      %dma_start3A_154 = tpu.memref_slice %arg3[%multiple_of3A] : memref<16384xi32, #tpu.memory_space<hbm>> -> memref<512xi32, #tpu.memory_space<hbm>>
      %dma_start3A_155 = tpu.memref_slice %arg3[%multiple_of3A] : memref<16384xi32, #tpu.memory_space<hbm>> -> memref<512xi32, #tpu.memory_space<hbm>>
      tpu.enqueue_dma source(%dma_start3A_155 : memref<512xi32, #tpu.memory_space<hbm>>) target(%arg10 : memref<512xi32, #tpu.memory_space<vmem>>) target_semaphore(%run_scoped3A_153 : memref<!tpu.dma_semaphore, #tpu.memory_space<semaphore_mem>>)
      %dma_wait3A_156 = tpu.memref_slice %arg3[%multiple_of3A] : memref<16384xi32, #tpu.memory_space<hbm>> -> memref<512xi32, #tpu.memory_space<hbm>>
      %dma_wait3A_157 = tpu.memref_slice %arg3[%multiple_of3A] : memref<16384xi32, #tpu.memory_space<hbm>> -> memref<512xi32, #tpu.memory_space<hbm>>
      tpu.wait_dma2 semaphore(%run_scoped3A_153 : memref<!tpu.dma_semaphore, #tpu.memory_space<semaphore_mem>>) src(%dma_wait3A_157 : memref<512xi32, #tpu.memory_space<hbm>>) dst(%arg10 : memref<512xi32, #tpu.memory_space<vmem>>)
      tpu.yield
    }) : () -> ()
    %run_scoped3A = arith.constant 0 : i32
    %run_scoped3A_3 = arith.constant 0 : i32
    "tpu.region"() ({
      %run_scoped3A_153 = tpu.sem_alloc : memref<!tpu.dma_semaphore, #tpu.memory_space<semaphore_mem>>
      %dma_start3A_154 = arith.constant 0 : i32
      %dma_start3A_155 = tpu.memref_slice %arg11[%run_scoped3A_3, %dma_start3A_154] : memref<10x512xi32, #tpu.memory_space<vmem>> -> memref<1x512xi32, #tpu.memory_space<vmem>>
      %dma_start3A_156 = tpu.memref_squeeze %dma_start3A_155 : memref<1x512xi32, #tpu.memory_space<vmem>> -> memref<512xi32, #tpu.memory_space<vmem>>
      %dma_start3A_157 = tpu.memref_slice %arg4[%run_scoped3A, %multiple_of3A] : memref<10x16384xi32, #tpu.memory_space<hbm>> -> memref<1x512xi32, #tpu.memory_space<hbm>>
      %dma_start3A_158 = tpu.memref_squeeze %dma_start3A_157 : memref<1x512xi32, #tpu.memory_space<hbm>> -> memref<512xi32, #tpu.memory_space<hbm>>
      %dma_start3A_159 = arith.constant 0 : i32
      %dma_start3A_160 = tpu.memref_slice %arg11[%run_scoped3A_3, %dma_start3A_159] : memref<10x512xi32, #tpu.memory_space<vmem>> -> memref<1x512xi32, #tpu.memory_space<vmem>>
      %dma_start3A_161 = tpu.memref_squeeze %dma_start3A_160 : memref<1x512xi32, #tpu.memory_space<vmem>> -> memref<512xi32, #tpu.memory_space<vmem>>
      %dma_start3A_162 = tpu.memref_slice %arg4[%run_scoped3A, %multiple_of3A] : memref<10x16384xi32, #tpu.memory_space<hbm>> -> memref<1x512xi32, #tpu.memory_space<hbm>>
      %dma_start3A_163 = tpu.memref_squeeze %dma_start3A_162 : memref<1x512xi32, #tpu.memory_space<hbm>> -> memref<512xi32, #tpu.memory_space<hbm>>
      tpu.enqueue_dma source(%dma_start3A_163 : memref<512xi32, #tpu.memory_space<hbm>>) target(%dma_start3A_161 : memref<512xi32, #tpu.memory_space<vmem>>) target_semaphore(%run_scoped3A_153 : memref<!tpu.dma_semaphore, #tpu.memory_space<semaphore_mem>>)
      %dma_wait3A_164 = arith.constant 0 : i32
      %dma_wait3A_165 = tpu.memref_slice %arg11[%run_scoped3A_3, %dma_wait3A_164] : memref<10x512xi32, #tpu.memory_space<vmem>> -> memref<1x512xi32, #tpu.memory_space<vmem>>
      %dma_wait3A_166 = tpu.memref_squeeze %dma_wait3A_165 : memref<1x512xi32, #tpu.memory_space<vmem>> -> memref<512xi32, #tpu.memory_space<vmem>>
      %dma_wait3A_167 = tpu.memref_slice %arg4[%run_scoped3A, %multiple_of3A] : memref<10x16384xi32, #tpu.memory_space<hbm>> -> memref<1x512xi32, #tpu.memory_space<hbm>>
      %dma_wait3A_168 = tpu.memref_squeeze %dma_wait3A_167 : memref<1x512xi32, #tpu.memory_space<hbm>> -> memref<512xi32, #tpu.memory_space<hbm>>
      %dma_wait3A_169 = arith.constant 0 : i32
      %dma_wait3A_170 = tpu.memref_slice %arg11[%run_scoped3A_3, %dma_wait3A_169] : memref<10x512xi32, #tpu.memory_space<vmem>> -> memref<1x512xi32, #tpu.memory_space<vmem>>
      %dma_wait3A_171 = tpu.memref_squeeze %dma_wait3A_170 : memref<1x512xi32, #tpu.memory_space<vmem>> -> memref<512xi32, #tpu.memory_space<vmem>>
      %dma_wait3A_172 = tpu.memref_slice %arg4[%run_scoped3A, %multiple_of3A] : memref<10x16384xi32, #tpu.memory_space<hbm>> -> memref<1x512xi32, #tpu.memory_space<hbm>>
      %dma_wait3A_173 = tpu.memref_squeeze %dma_wait3A_172 : memref<1x512xi32, #tpu.memory_space<hbm>> -> memref<512xi32, #tpu.memory_space<hbm>>
      tpu.wait_dma2 semaphore(%run_scoped3A_153 : memref<!tpu.dma_semaphore, #tpu.memory_space<semaphore_mem>>) src(%dma_wait3A_173 : memref<512xi32, #tpu.memory_space<hbm>>) dst(%dma_wait3A_171 : memref<512xi32, #tpu.memory_space<vmem>>)
      tpu.yield
    }) : () -> ()
    %run_scoped3A_4 = arith.constant 1 : i32
    %run_scoped3A_5 = arith.constant 1 : i32
    "tpu.region"() ({
      %run_scoped3A_153 = tpu.sem_alloc : memref<!tpu.dma_semaphore, #tpu.memory_space<semaphore_mem>>
      %dma_start3A_154 = arith.constant 0 : i32
      %dma_start3A_155 = tpu.memref_slice %arg11[%run_scoped3A_5, %dma_start3A_154] : memref<10x512xi32, #tpu.memory_space<vmem>> -> memref<1x512xi32, #tpu.memory_space<vmem>>
      %dma_start3A_156 = tpu.memref_squeeze %dma_start3A_155 : memref<1x512xi32, #tpu.memory_space<vmem>> -> memref<512xi32, #tpu.memory_space<vmem>>
      %dma_start3A_157 = tpu.memref_slice %arg4[%run_scoped3A_4, %multiple_of3A] : memref<10x16384xi32, #tpu.memory_space<hbm>> -> memref<1x512xi32, #tpu.memory_space<hbm>>
      %dma_start3A_158 = tpu.memref_squeeze %dma_start3A_157 : memref<1x512xi32, #tpu.memory_space<hbm>> -> memref<512xi32, #tpu.memory_space<hbm>>
      %dma_start3A_159 = arith.constant 0 : i32
      %dma_start3A_160 = tpu.memref_slice %arg11[%run_scoped3A_5, %dma_start3A_159] : memref<10x512xi32, #tpu.memory_space<vmem>> -> memref<1x512xi32, #tpu.memory_space<vmem>>
      %dma_start3A_161 = tpu.memref_squeeze %dma_start3A_160 : memref<1x512xi32, #tpu.memory_space<vmem>> -> memref<512xi32, #tpu.memory_space<vmem>>
      %dma_start3A_162 = tpu.memref_slice %arg4[%run_scoped3A_4, %multiple_of3A] : memref<10x16384xi32, #tpu.memory_space<hbm>> -> memref<1x512xi32, #tpu.memory_space<hbm>>
      %dma_start3A_163 = tpu.memref_squeeze %dma_start3A_162 : memref<1x512xi32, #tpu.memory_space<hbm>> -> memref<512xi32, #tpu.memory_space<hbm>>
      tpu.enqueue_dma source(%dma_start3A_163 : memref<512xi32, #tpu.memory_space<hbm>>) target(%dma_start3A_161 : memref<512xi32, #tpu.memory_space<vmem>>) target_semaphore(%run_scoped3A_153 : memref<!tpu.dma_semaphore, #tpu.memory_space<semaphore_mem>>)
      %dma_wait3A_164 = arith.constant 0 : i32
      %dma_wait3A_165 = tpu.memref_slice %arg11[%run_scoped3A_5, %dma_wait3A_164] : memref<10x512xi32, #tpu.memory_space<vmem>> -> memref<1x512xi32, #tpu.memory_space<vmem>>
      %dma_wait3A_166 = tpu.memref_squeeze %dma_wait3A_165 : memref<1x512xi32, #tpu.memory_space<vmem>> -> memref<512xi32, #tpu.memory_space<vmem>>
      %dma_wait3A_167 = tpu.memref_slice %arg4[%run_scoped3A_4, %multiple_of3A] : memref<10x16384xi32, #tpu.memory_space<hbm>> -> memref<1x512xi32, #tpu.memory_space<hbm>>
      %dma_wait3A_168 = tpu.memref_squeeze %dma_wait3A_167 : memref<1x512xi32, #tpu.memory_space<hbm>> -> memref<512xi32, #tpu.memory_space<hbm>>
      %dma_wait3A_169 = arith.constant 0 : i32
      %dma_wait3A_170 = tpu.memref_slice %arg11[%run_scoped3A_5, %dma_wait3A_169] : memref<10x512xi32, #tpu.memory_space<vmem>> -> memref<1x512xi32, #tpu.memory_space<vmem>>
      %dma_wait3A_171 = tpu.memref_squeeze %dma_wait3A_170 : memref<1x512xi32, #tpu.memory_space<vmem>> -> memref<512xi32, #tpu.memory_space<vmem>>
      %dma_wait3A_172 = tpu.memref_slice %arg4[%run_scoped3A_4, %multiple_of3A] : memref<10x16384xi32, #tpu.memory_space<hbm>> -> memref<1x512xi32, #tpu.memory_space<hbm>>
      %dma_wait3A_173 = tpu.memref_squeeze %dma_wait3A_172 : memref<1x512xi32, #tpu.memory_space<hbm>> -> memref<512xi32, #tpu.memory_space<hbm>>
      tpu.wait_dma2 semaphore(%run_scoped3A_153 : memref<!tpu.dma_semaphore, #tpu.memory_space<semaphore_mem>>) src(%dma_wait3A_173 : memref<512xi32, #tpu.memory_space<hbm>>) dst(%dma_wait3A_171 : memref<512xi32, #tpu.memory_space<vmem>>)
      tpu.yield
    }) : () -> ()
    %run_scoped3A_6 = arith.constant 2 : i32
    %run_scoped3A_7 = arith.constant 2 : i32
    "tpu.region"() ({
      %run_scoped3A_153 = tpu.sem_alloc : memref<!tpu.dma_semaphore, #tpu.memory_space<semaphore_mem>>
      %dma_start3A_154 = arith.constant 0 : i32
      %dma_start3A_155 = tpu.memref_slice %arg11[%run_scoped3A_7, %dma_start3A_154] : memref<10x512xi32, #tpu.memory_space<vmem>> -> memref<1x512xi32, #tpu.memory_space<vmem>>
      %dma_start3A_156 = tpu.memref_squeeze %dma_start3A_155 : memref<1x512xi32, #tpu.memory_space<vmem>> -> memref<512xi32, #tpu.memory_space<vmem>>
      %dma_start3A_157 = tpu.memref_slice %arg4[%run_scoped3A_6, %multiple_of3A] : memref<10x16384xi32, #tpu.memory_space<hbm>> -> memref<1x512xi32, #tpu.memory_space<hbm>>
      %dma_start3A_158 = tpu.memref_squeeze %dma_start3A_157 : memref<1x512xi32, #tpu.memory_space<hbm>> -> memref<512xi32, #tpu.memory_space<hbm>>
      %dma_start3A_159 = arith.constant 0 : i32
      %dma_start3A_160 = tpu.memref_slice %arg11[%run_scoped3A_7, %dma_start3A_159] : memref<10x512xi32, #tpu.memory_space<vmem>> -> memref<1x512xi32, #tpu.memory_space<vmem>>
      %dma_start3A_161 = tpu.memref_squeeze %dma_start3A_160 : memref<1x512xi32, #tpu.memory_space<vmem>> -> memref<512xi32, #tpu.memory_space<vmem>>
      %dma_start3A_162 = tpu.memref_slice %arg4[%run_scoped3A_6, %multiple_of3A] : memref<10x16384xi32, #tpu.memory_space<hbm>> -> memref<1x512xi32, #tpu.memory_space<hbm>>
      %dma_start3A_163 = tpu.memref_squeeze %dma_start3A_162 : memref<1x512xi32, #tpu.memory_space<hbm>> -> memref<512xi32, #tpu.memory_space<hbm>>
      tpu.enqueue_dma source(%dma_start3A_163 : memref<512xi32, #tpu.memory_space<hbm>>) target(%dma_start3A_161 : memref<512xi32, #tpu.memory_space<vmem>>) target_semaphore(%run_scoped3A_153 : memref<!tpu.dma_semaphore, #tpu.memory_space<semaphore_mem>>)
      %dma_wait3A_164 = arith.constant 0 : i32
      %dma_wait3A_165 = tpu.memref_slice %arg11[%run_scoped3A_7, %dma_wait3A_164] : memref<10x512xi32, #tpu.memory_space<vmem>> -> memref<1x512xi32, #tpu.memory_space<vmem>>
      %dma_wait3A_166 = tpu.memref_squeeze %dma_wait3A_165 : memref<1x512xi32, #tpu.memory_space<vmem>> -> memref<512xi32, #tpu.memory_space<vmem>>
      %dma_wait3A_167 = tpu.memref_slice %arg4[%run_scoped3A_6, %multiple_of3A] : memref<10x16384xi32, #tpu.memory_space<hbm>> -> memref<1x512xi32, #tpu.memory_space<hbm>>
      %dma_wait3A_168 = tpu.memref_squeeze %dma_wait3A_167 : memref<1x512xi32, #tpu.memory_space<hbm>> -> memref<512xi32, #tpu.memory_space<hbm>>
      %dma_wait3A_169 = arith.constant 0 : i32
      %dma_wait3A_170 = tpu.memref_slice %arg11[%run_scoped3A_7, %dma_wait3A_169] : memref<10x512xi32, #tpu.memory_space<vmem>> -> memref<1x512xi32, #tpu.memory_space<vmem>>
      %dma_wait3A_171 = tpu.memref_squeeze %dma_wait3A_170 : memref<1x512xi32, #tpu.memory_space<vmem>> -> memref<512xi32, #tpu.memory_space<vmem>>
      %dma_wait3A_172 = tpu.memref_slice %arg4[%run_scoped3A_6, %multiple_of3A] : memref<10x16384xi32, #tpu.memory_space<hbm>> -> memref<1x512xi32, #tpu.memory_space<hbm>>
      %dma_wait3A_173 = tpu.memref_squeeze %dma_wait3A_172 : memref<1x512xi32, #tpu.memory_space<hbm>> -> memref<512xi32, #tpu.memory_space<hbm>>
      tpu.wait_dma2 semaphore(%run_scoped3A_153 : memref<!tpu.dma_semaphore, #tpu.memory_space<semaphore_mem>>) src(%dma_wait3A_173 : memref<512xi32, #tpu.memory_space<hbm>>) dst(%dma_wait3A_171 : memref<512xi32, #tpu.memory_space<vmem>>)
      tpu.yield
    }) : () -> ()
    %run_scoped3A_8 = arith.constant 3 : i32
    %run_scoped3A_9 = arith.constant 3 : i32
    "tpu.region"() ({
      %run_scoped3A_153 = tpu.sem_alloc : memref<!tpu.dma_semaphore, #tpu.memory_space<semaphore_mem>>
      %dma_start3A_154 = arith.constant 0 : i32
      %dma_start3A_155 = tpu.memref_slice %arg11[%run_scoped3A_9, %dma_start3A_154] : memref<10x512xi32, #tpu.memory_space<vmem>> -> memref<1x512xi32, #tpu.memory_space<vmem>>
      %dma_start3A_156 = tpu.memref_squeeze %dma_start3A_155 : memref<1x512xi32, #tpu.memory_space<vmem>> -> memref<512xi32, #tpu.memory_space<vmem>>
      %dma_start3A_157 = tpu.memref_slice %arg4[%run_scoped3A_8, %multiple_of3A] : memref<10x16384xi32, #tpu.memory_space<hbm>> -> memref<1x512xi32, #tpu.memory_space<hbm>>
      %dma_start3A_158 = tpu.memref_squeeze %dma_start3A_157 : memref<1x512xi32, #tpu.memory_space<hbm>> -> memref<512xi32, #tpu.memory_space<hbm>>
      %dma_start3A_159 = arith.constant 0 : i32
      %dma_start3A_160 = tpu.memref_slice %arg11[%run_scoped3A_9, %dma_start3A_159] : memref<10x512xi32, #tpu.memory_space<vmem>> -> memref<1x512xi32, #tpu.memory_space<vmem>>
      %dma_start3A_161 = tpu.memref_squeeze %dma_start3A_160 : memref<1x512xi32, #tpu.memory_space<vmem>> -> memref<512xi32, #tpu.memory_space<vmem>>
      %dma_start3A_162 = tpu.memref_slice %arg4[%run_scoped3A_8, %multiple_of3A] : memref<10x16384xi32, #tpu.memory_space<hbm>> -> memref<1x512xi32, #tpu.memory_space<hbm>>
      %dma_start3A_163 = tpu.memref_squeeze %dma_start3A_162 : memref<1x512xi32, #tpu.memory_space<hbm>> -> memref<512xi32, #tpu.memory_space<hbm>>
      tpu.enqueue_dma source(%dma_start3A_163 : memref<512xi32, #tpu.memory_space<hbm>>) target(%dma_start3A_161 : memref<512xi32, #tpu.memory_space<vmem>>) target_semaphore(%run_scoped3A_153 : memref<!tpu.dma_semaphore, #tpu.memory_space<semaphore_mem>>)
      %dma_wait3A_164 = arith.constant 0 : i32
      %dma_wait3A_165 = tpu.memref_slice %arg11[%run_scoped3A_9, %dma_wait3A_164] : memref<10x512xi32, #tpu.memory_space<vmem>> -> memref<1x512xi32, #tpu.memory_space<vmem>>
      %dma_wait3A_166 = tpu.memref_squeeze %dma_wait3A_165 : memref<1x512xi32, #tpu.memory_space<vmem>> -> memref<512xi32, #tpu.memory_space<vmem>>
      %dma_wait3A_167 = tpu.memref_slice %arg4[%run_scoped3A_8, %multiple_of3A] : memref<10x16384xi32, #tpu.memory_space<hbm>> -> memref<1x512xi32, #tpu.memory_space<hbm>>
      %dma_wait3A_168 = tpu.memref_squeeze %dma_wait3A_167 : memref<1x512xi32, #tpu.memory_space<hbm>> -> memref<512xi32, #tpu.memory_space<hbm>>
      %dma_wait3A_169 = arith.constant 0 : i32
      %dma_wait3A_170 = tpu.memref_slice %arg11[%run_scoped3A_9, %dma_wait3A_169] : memref<10x512xi32, #tpu.memory_space<vmem>> -> memref<1x512xi32, #tpu.memory_space<vmem>>
      %dma_wait3A_171 = tpu.memref_squeeze %dma_wait3A_170 : memref<1x512xi32, #tpu.memory_space<vmem>> -> memref<512xi32, #tpu.memory_space<vmem>>
      %dma_wait3A_172 = tpu.memref_slice %arg4[%run_scoped3A_8, %multiple_of3A] : memref<10x16384xi32, #tpu.memory_space<hbm>> -> memref<1x512xi32, #tpu.memory_space<hbm>>
      %dma_wait3A_173 = tpu.memref_squeeze %dma_wait3A_172 : memref<1x512xi32, #tpu.memory_space<hbm>> -> memref<512xi32, #tpu.memory_space<hbm>>
      tpu.wait_dma2 semaphore(%run_scoped3A_153 : memref<!tpu.dma_semaphore, #tpu.memory_space<semaphore_mem>>) src(%dma_wait3A_173 : memref<512xi32, #tpu.memory_space<hbm>>) dst(%dma_wait3A_171 : memref<512xi32, #tpu.memory_space<vmem>>)
      tpu.yield
    }) : () -> ()
    %run_scoped3A_10 = arith.constant 4 : i32
    %run_scoped3A_11 = arith.constant 4 : i32
    "tpu.region"() ({
      %run_scoped3A_153 = tpu.sem_alloc : memref<!tpu.dma_semaphore, #tpu.memory_space<semaphore_mem>>
      %dma_start3A_154 = arith.constant 0 : i32
      %dma_start3A_155 = tpu.memref_slice %arg11[%run_scoped3A_11, %dma_start3A_154] : memref<10x512xi32, #tpu.memory_space<vmem>> -> memref<1x512xi32, #tpu.memory_space<vmem>>
      %dma_start3A_156 = tpu.memref_squeeze %dma_start3A_155 : memref<1x512xi32, #tpu.memory_space<vmem>> -> memref<512xi32, #tpu.memory_space<vmem>>
      %dma_start3A_157 = tpu.memref_slice %arg4[%run_scoped3A_10, %multiple_of3A] : memref<10x16384xi32, #tpu.memory_space<hbm>> -> memref<1x512xi32, #tpu.memory_space<hbm>>
      %dma_start3A_158 = tpu.memref_squeeze %dma_start3A_157 : memref<1x512xi32, #tpu.memory_space<hbm>> -> memref<512xi32, #tpu.memory_space<hbm>>
      %dma_start3A_159 = arith.constant 0 : i32
      %dma_start3A_160 = tpu.memref_slice %arg11[%run_scoped3A_11, %dma_start3A_159] : memref<10x512xi32, #tpu.memory_space<vmem>> -> memref<1x512xi32, #tpu.memory_space<vmem>>
      %dma_start3A_161 = tpu.memref_squeeze %dma_start3A_160 : memref<1x512xi32, #tpu.memory_space<vmem>> -> memref<512xi32, #tpu.memory_space<vmem>>
      %dma_start3A_162 = tpu.memref_slice %arg4[%run_scoped3A_10, %multiple_of3A] : memref<10x16384xi32, #tpu.memory_space<hbm>> -> memref<1x512xi32, #tpu.memory_space<hbm>>
      %dma_start3A_163 = tpu.memref_squeeze %dma_start3A_162 : memref<1x512xi32, #tpu.memory_space<hbm>> -> memref<512xi32, #tpu.memory_space<hbm>>
      tpu.enqueue_dma source(%dma_start3A_163 : memref<512xi32, #tpu.memory_space<hbm>>) target(%dma_start3A_161 : memref<512xi32, #tpu.memory_space<vmem>>) target_semaphore(%run_scoped3A_153 : memref<!tpu.dma_semaphore, #tpu.memory_space<semaphore_mem>>)
      %dma_wait3A_164 = arith.constant 0 : i32
      %dma_wait3A_165 = tpu.memref_slice %arg11[%run_scoped3A_11, %dma_wait3A_164] : memref<10x512xi32, #tpu.memory_space<vmem>> -> memref<1x512xi32, #tpu.memory_space<vmem>>
      %dma_wait3A_166 = tpu.memref_squeeze %dma_wait3A_165 : memref<1x512xi32, #tpu.memory_space<vmem>> -> memref<512xi32, #tpu.memory_space<vmem>>
      %dma_wait3A_167 = tpu.memref_slice %arg4[%run_scoped3A_10, %multiple_of3A] : memref<10x16384xi32, #tpu.memory_space<hbm>> -> memref<1x512xi32, #tpu.memory_space<hbm>>
      %dma_wait3A_168 = tpu.memref_squeeze %dma_wait3A_167 : memref<1x512xi32, #tpu.memory_space<hbm>> -> memref<512xi32, #tpu.memory_space<hbm>>
      %dma_wait3A_169 = arith.constant 0 : i32
      %dma_wait3A_170 = tpu.memref_slice %arg11[%run_scoped3A_11, %dma_wait3A_169] : memref<10x512xi32, #tpu.memory_space<vmem>> -> memref<1x512xi32, #tpu.memory_space<vmem>>
      %dma_wait3A_171 = tpu.memref_squeeze %dma_wait3A_170 : memref<1x512xi32, #tpu.memory_space<vmem>> -> memref<512xi32, #tpu.memory_space<vmem>>
      %dma_wait3A_172 = tpu.memref_slice %arg4[%run_scoped3A_10, %multiple_of3A] : memref<10x16384xi32, #tpu.memory_space<hbm>> -> memref<1x512xi32, #tpu.memory_space<hbm>>
      %dma_wait3A_173 = tpu.memref_squeeze %dma_wait3A_172 : memref<1x512xi32, #tpu.memory_space<hbm>> -> memref<512xi32, #tpu.memory_space<hbm>>
      tpu.wait_dma2 semaphore(%run_scoped3A_153 : memref<!tpu.dma_semaphore, #tpu.memory_space<semaphore_mem>>) src(%dma_wait3A_173 : memref<512xi32, #tpu.memory_space<hbm>>) dst(%dma_wait3A_171 : memref<512xi32, #tpu.memory_space<vmem>>)
      tpu.yield
    }) : () -> ()
    %run_scoped3A_12 = arith.constant 5 : i32
    %run_scoped3A_13 = arith.constant 5 : i32
    "tpu.region"() ({
      %run_scoped3A_153 = tpu.sem_alloc : memref<!tpu.dma_semaphore, #tpu.memory_space<semaphore_mem>>
      %dma_start3A_154 = arith.constant 0 : i32
      %dma_start3A_155 = tpu.memref_slice %arg11[%run_scoped3A_13, %dma_start3A_154] : memref<10x512xi32, #tpu.memory_space<vmem>> -> memref<1x512xi32, #tpu.memory_space<vmem>>
      %dma_start3A_156 = tpu.memref_squeeze %dma_start3A_155 : memref<1x512xi32, #tpu.memory_space<vmem>> -> memref<512xi32, #tpu.memory_space<vmem>>
      %dma_start3A_157 = tpu.memref_slice %arg4[%run_scoped3A_12, %multiple_of3A] : memref<10x16384xi32, #tpu.memory_space<hbm>> -> memref<1x512xi32, #tpu.memory_space<hbm>>
      %dma_start3A_158 = tpu.memref_squeeze %dma_start3A_157 : memref<1x512xi32, #tpu.memory_space<hbm>> -> memref<512xi32, #tpu.memory_space<hbm>>
      %dma_start3A_159 = arith.constant 0 : i32
      %dma_start3A_160 = tpu.memref_slice %arg11[%run_scoped3A_13, %dma_start3A_159] : memref<10x512xi32, #tpu.memory_space<vmem>> -> memref<1x512xi32, #tpu.memory_space<vmem>>
      %dma_start3A_161 = tpu.memref_squeeze %dma_start3A_160 : memref<1x512xi32, #tpu.memory_space<vmem>> -> memref<512xi32, #tpu.memory_space<vmem>>
      %dma_start3A_162 = tpu.memref_slice %arg4[%run_scoped3A_12, %multiple_of3A] : memref<10x16384xi32, #tpu.memory_space<hbm>> -> memref<1x512xi32, #tpu.memory_space<hbm>>
      %dma_start3A_163 = tpu.memref_squeeze %dma_start3A_162 : memref<1x512xi32, #tpu.memory_space<hbm>> -> memref<512xi32, #tpu.memory_space<hbm>>
      tpu.enqueue_dma source(%dma_start3A_163 : memref<512xi32, #tpu.memory_space<hbm>>) target(%dma_start3A_161 : memref<512xi32, #tpu.memory_space<vmem>>) target_semaphore(%run_scoped3A_153 : memref<!tpu.dma_semaphore, #tpu.memory_space<semaphore_mem>>)
      %dma_wait3A_164 = arith.constant 0 : i32
      %dma_wait3A_165 = tpu.memref_slice %arg11[%run_scoped3A_13, %dma_wait3A_164] : memref<10x512xi32, #tpu.memory_space<vmem>> -> memref<1x512xi32, #tpu.memory_space<vmem>>
      %dma_wait3A_166 = tpu.memref_squeeze %dma_wait3A_165 : memref<1x512xi32, #tpu.memory_space<vmem>> -> memref<512xi32, #tpu.memory_space<vmem>>
      %dma_wait3A_167 = tpu.memref_slice %arg4[%run_scoped3A_12, %multiple_of3A] : memref<10x16384xi32, #tpu.memory_space<hbm>> -> memref<1x512xi32, #tpu.memory_space<hbm>>
      %dma_wait3A_168 = tpu.memref_squeeze %dma_wait3A_167 : memref<1x512xi32, #tpu.memory_space<hbm>> -> memref<512xi32, #tpu.memory_space<hbm>>
      %dma_wait3A_169 = arith.constant 0 : i32
      %dma_wait3A_170 = tpu.memref_slice %arg11[%run_scoped3A_13, %dma_wait3A_169] : memref<10x512xi32, #tpu.memory_space<vmem>> -> memref<1x512xi32, #tpu.memory_space<vmem>>
      %dma_wait3A_171 = tpu.memref_squeeze %dma_wait3A_170 : memref<1x512xi32, #tpu.memory_space<vmem>> -> memref<512xi32, #tpu.memory_space<vmem>>
      %dma_wait3A_172 = tpu.memref_slice %arg4[%run_scoped3A_12, %multiple_of3A] : memref<10x16384xi32, #tpu.memory_space<hbm>> -> memref<1x512xi32, #tpu.memory_space<hbm>>
      %dma_wait3A_173 = tpu.memref_squeeze %dma_wait3A_172 : memref<1x512xi32, #tpu.memory_space<hbm>> -> memref<512xi32, #tpu.memory_space<hbm>>
      tpu.wait_dma2 semaphore(%run_scoped3A_153 : memref<!tpu.dma_semaphore, #tpu.memory_space<semaphore_mem>>) src(%dma_wait3A_173 : memref<512xi32, #tpu.memory_space<hbm>>) dst(%dma_wait3A_171 : memref<512xi32, #tpu.memory_space<vmem>>)
      tpu.yield
    }) : () -> ()
    %run_scoped3A_14 = arith.constant 6 : i32
    %run_scoped3A_15 = arith.constant 6 : i32
    "tpu.region"() ({
      %run_scoped3A_153 = tpu.sem_alloc : memref<!tpu.dma_semaphore, #tpu.memory_space<semaphore_mem>>
      %dma_start3A_154 = arith.constant 0 : i32
      %dma_start3A_155 = tpu.memref_slice %arg11[%run_scoped3A_15, %dma_start3A_154] : memref<10x512xi32, #tpu.memory_space<vmem>> -> memref<1x512xi32, #tpu.memory_space<vmem>>
      %dma_start3A_156 = tpu.memref_squeeze %dma_start3A_155 : memref<1x512xi32, #tpu.memory_space<vmem>> -> memref<512xi32, #tpu.memory_space<vmem>>
      %dma_start3A_157 = tpu.memref_slice %arg4[%run_scoped3A_14, %multiple_of3A] : memref<10x16384xi32, #tpu.memory_space<hbm>> -> memref<1x512xi32, #tpu.memory_space<hbm>>
      %dma_start3A_158 = tpu.memref_squeeze %dma_start3A_157 : memref<1x512xi32, #tpu.memory_space<hbm>> -> memref<512xi32, #tpu.memory_space<hbm>>
      %dma_start3A_159 = arith.constant 0 : i32
      %dma_start3A_160 = tpu.memref_slice %arg11[%run_scoped3A_15, %dma_start3A_159] : memref<10x512xi32, #tpu.memory_space<vmem>> -> memref<1x512xi32, #tpu.memory_space<vmem>>
      %dma_start3A_161 = tpu.memref_squeeze %dma_start3A_160 : memref<1x512xi32, #tpu.memory_space<vmem>> -> memref<512xi32, #tpu.memory_space<vmem>>
      %dma_start3A_162 = tpu.memref_slice %arg4[%run_scoped3A_14, %multiple_of3A] : memref<10x16384xi32, #tpu.memory_space<hbm>> -> memref<1x512xi32, #tpu.memory_space<hbm>>
      %dma_start3A_163 = tpu.memref_squeeze %dma_start3A_162 : memref<1x512xi32, #tpu.memory_space<hbm>> -> memref<512xi32, #tpu.memory_space<hbm>>
      tpu.enqueue_dma source(%dma_start3A_163 : memref<512xi32, #tpu.memory_space<hbm>>) target(%dma_start3A_161 : memref<512xi32, #tpu.memory_space<vmem>>) target_semaphore(%run_scoped3A_153 : memref<!tpu.dma_semaphore, #tpu.memory_space<semaphore_mem>>)
      %dma_wait3A_164 = arith.constant 0 : i32
      %dma_wait3A_165 = tpu.memref_slice %arg11[%run_scoped3A_15, %dma_wait3A_164] : memref<10x512xi32, #tpu.memory_space<vmem>> -> memref<1x512xi32, #tpu.memory_space<vmem>>
      %dma_wait3A_166 = tpu.memref_squeeze %dma_wait3A_165 : memref<1x512xi32, #tpu.memory_space<vmem>> -> memref<512xi32, #tpu.memory_space<vmem>>
      %dma_wait3A_167 = tpu.memref_slice %arg4[%run_scoped3A_14, %multiple_of3A] : memref<10x16384xi32, #tpu.memory_space<hbm>> -> memref<1x512xi32, #tpu.memory_space<hbm>>
      %dma_wait3A_168 = tpu.memref_squeeze %dma_wait3A_167 : memref<1x512xi32, #tpu.memory_space<hbm>> -> memref<512xi32, #tpu.memory_space<hbm>>
      %dma_wait3A_169 = arith.constant 0 : i32
      %dma_wait3A_170 = tpu.memref_slice %arg11[%run_scoped3A_15, %dma_wait3A_169] : memref<10x512xi32, #tpu.memory_space<vmem>> -> memref<1x512xi32, #tpu.memory_space<vmem>>
      %dma_wait3A_171 = tpu.memref_squeeze %dma_wait3A_170 : memref<1x512xi32, #tpu.memory_space<vmem>> -> memref<512xi32, #tpu.memory_space<vmem>>
      %dma_wait3A_172 = tpu.memref_slice %arg4[%run_scoped3A_14, %multiple_of3A] : memref<10x16384xi32, #tpu.memory_space<hbm>> -> memref<1x512xi32, #tpu.memory_space<hbm>>
      %dma_wait3A_173 = tpu.memref_squeeze %dma_wait3A_172 : memref<1x512xi32, #tpu.memory_space<hbm>> -> memref<512xi32, #tpu.memory_space<hbm>>
      tpu.wait_dma2 semaphore(%run_scoped3A_153 : memref<!tpu.dma_semaphore, #tpu.memory_space<semaphore_mem>>) src(%dma_wait3A_173 : memref<512xi32, #tpu.memory_space<hbm>>) dst(%dma_wait3A_171 : memref<512xi32, #tpu.memory_space<vmem>>)
      tpu.yield
    }) : () -> ()
    %run_scoped3A_16 = arith.constant 7 : i32
    %run_scoped3A_17 = arith.constant 7 : i32
    "tpu.region"() ({
      %run_scoped3A_153 = tpu.sem_alloc : memref<!tpu.dma_semaphore, #tpu.memory_space<semaphore_mem>>
      %dma_start3A_154 = arith.constant 0 : i32
      %dma_start3A_155 = tpu.memref_slice %arg11[%run_scoped3A_17, %dma_start3A_154] : memref<10x512xi32, #tpu.memory_space<vmem>> -> memref<1x512xi32, #tpu.memory_space<vmem>>
      %dma_start3A_156 = tpu.memref_squeeze %dma_start3A_155 : memref<1x512xi32, #tpu.memory_space<vmem>> -> memref<512xi32, #tpu.memory_space<vmem>>
      %dma_start3A_157 = tpu.memref_slice %arg4[%run_scoped3A_16, %multiple_of3A] : memref<10x16384xi32, #tpu.memory_space<hbm>> -> memref<1x512xi32, #tpu.memory_space<hbm>>
      %dma_start3A_158 = tpu.memref_squeeze %dma_start3A_157 : memref<1x512xi32, #tpu.memory_space<hbm>> -> memref<512xi32, #tpu.memory_space<hbm>>
      %dma_start3A_159 = arith.constant 0 : i32
      %dma_start3A_160 = tpu.memref_slice %arg11[%run_scoped3A_17, %dma_start3A_159] : memref<10x512xi32, #tpu.memory_space<vmem>> -> memref<1x512xi32, #tpu.memory_space<vmem>>
      %dma_start3A_161 = tpu.memref_squeeze %dma_start3A_160 : memref<1x512xi32, #tpu.memory_space<vmem>> -> memref<512xi32, #tpu.memory_space<vmem>>
      %dma_start3A_162 = tpu.memref_slice %arg4[%run_scoped3A_16, %multiple_of3A] : memref<10x16384xi32, #tpu.memory_space<hbm>> -> memref<1x512xi32, #tpu.memory_space<hbm>>
      %dma_start3A_163 = tpu.memref_squeeze %dma_start3A_162 : memref<1x512xi32, #tpu.memory_space<hbm>> -> memref<512xi32, #tpu.memory_space<hbm>>
      tpu.enqueue_dma source(%dma_start3A_163 : memref<512xi32, #tpu.memory_space<hbm>>) target(%dma_start3A_161 : memref<512xi32, #tpu.memory_space<vmem>>) target_semaphore(%run_scoped3A_153 : memref<!tpu.dma_semaphore, #tpu.memory_space<semaphore_mem>>)
      %dma_wait3A_164 = arith.constant 0 : i32
      %dma_wait3A_165 = tpu.memref_slice %arg11[%run_scoped3A_17, %dma_wait3A_164] : memref<10x512xi32, #tpu.memory_space<vmem>> -> memref<1x512xi32, #tpu.memory_space<vmem>>
      %dma_wait3A_166 = tpu.memref_squeeze %dma_wait3A_165 : memref<1x512xi32, #tpu.memory_space<vmem>> -> memref<512xi32, #tpu.memory_space<vmem>>
      %dma_wait3A_167 = tpu.memref_slice %arg4[%run_scoped3A_16, %multiple_of3A] : memref<10x16384xi32, #tpu.memory_space<hbm>> -> memref<1x512xi32, #tpu.memory_space<hbm>>
      %dma_wait3A_168 = tpu.memref_squeeze %dma_wait3A_167 : memref<1x512xi32, #tpu.memory_space<hbm>> -> memref<512xi32, #tpu.memory_space<hbm>>
      %dma_wait3A_169 = arith.constant 0 : i32
      %dma_wait3A_170 = tpu.memref_slice %arg11[%run_scoped3A_17, %dma_wait3A_169] : memref<10x512xi32, #tpu.memory_space<vmem>> -> memref<1x512xi32, #tpu.memory_space<vmem>>
      %dma_wait3A_171 = tpu.memref_squeeze %dma_wait3A_170 : memref<1x512xi32, #tpu.memory_space<vmem>> -> memref<512xi32, #tpu.memory_space<vmem>>
      %dma_wait3A_172 = tpu.memref_slice %arg4[%run_scoped3A_16, %multiple_of3A] : memref<10x16384xi32, #tpu.memory_space<hbm>> -> memref<1x512xi32, #tpu.memory_space<hbm>>
      %dma_wait3A_173 = tpu.memref_squeeze %dma_wait3A_172 : memref<1x512xi32, #tpu.memory_space<hbm>> -> memref<512xi32, #tpu.memory_space<hbm>>
      tpu.wait_dma2 semaphore(%run_scoped3A_153 : memref<!tpu.dma_semaphore, #tpu.memory_space<semaphore_mem>>) src(%dma_wait3A_173 : memref<512xi32, #tpu.memory_space<hbm>>) dst(%dma_wait3A_171 : memref<512xi32, #tpu.memory_space<vmem>>)
      tpu.yield
    }) : () -> ()
    %run_scoped3A_18 = arith.constant 8 : i32
    %run_scoped3A_19 = arith.constant 8 : i32
    "tpu.region"() ({
      %run_scoped3A_153 = tpu.sem_alloc : memref<!tpu.dma_semaphore, #tpu.memory_space<semaphore_mem>>
      %dma_start3A_154 = arith.constant 0 : i32
      %dma_start3A_155 = tpu.memref_slice %arg11[%run_scoped3A_19, %dma_start3A_154] : memref<10x512xi32, #tpu.memory_space<vmem>> -> memref<1x512xi32, #tpu.memory_space<vmem>>
      %dma_start3A_156 = tpu.memref_squeeze %dma_start3A_155 : memref<1x512xi32, #tpu.memory_space<vmem>> -> memref<512xi32, #tpu.memory_space<vmem>>
      %dma_start3A_157 = tpu.memref_slice %arg4[%run_scoped3A_18, %multiple_of3A] : memref<10x16384xi32, #tpu.memory_space<hbm>> -> memref<1x512xi32, #tpu.memory_space<hbm>>
      %dma_start3A_158 = tpu.memref_squeeze %dma_start3A_157 : memref<1x512xi32, #tpu.memory_space<hbm>> -> memref<512xi32, #tpu.memory_space<hbm>>
      %dma_start3A_159 = arith.constant 0 : i32
      %dma_start3A_160 = tpu.memref_slice %arg11[%run_scoped3A_19, %dma_start3A_159] : memref<10x512xi32, #tpu.memory_space<vmem>> -> memref<1x512xi32, #tpu.memory_space<vmem>>
      %dma_start3A_161 = tpu.memref_squeeze %dma_start3A_160 : memref<1x512xi32, #tpu.memory_space<vmem>> -> memref<512xi32, #tpu.memory_space<vmem>>
      %dma_start3A_162 = tpu.memref_slice %arg4[%run_scoped3A_18, %multiple_of3A] : memref<10x16384xi32, #tpu.memory_space<hbm>> -> memref<1x512xi32, #tpu.memory_space<hbm>>
      %dma_start3A_163 = tpu.memref_squeeze %dma_start3A_162 : memref<1x512xi32, #tpu.memory_space<hbm>> -> memref<512xi32, #tpu.memory_space<hbm>>
      tpu.enqueue_dma source(%dma_start3A_163 : memref<512xi32, #tpu.memory_space<hbm>>) target(%dma_start3A_161 : memref<512xi32, #tpu.memory_space<vmem>>) target_semaphore(%run_scoped3A_153 : memref<!tpu.dma_semaphore, #tpu.memory_space<semaphore_mem>>)
      %dma_wait3A_164 = arith.constant 0 : i32
      %dma_wait3A_165 = tpu.memref_slice %arg11[%run_scoped3A_19, %dma_wait3A_164] : memref<10x512xi32, #tpu.memory_space<vmem>> -> memref<1x512xi32, #tpu.memory_space<vmem>>
      %dma_wait3A_166 = tpu.memref_squeeze %dma_wait3A_165 : memref<1x512xi32, #tpu.memory_space<vmem>> -> memref<512xi32, #tpu.memory_space<vmem>>
      %dma_wait3A_167 = tpu.memref_slice %arg4[%run_scoped3A_18, %multiple_of3A] : memref<10x16384xi32, #tpu.memory_space<hbm>> -> memref<1x512xi32, #tpu.memory_space<hbm>>
      %dma_wait3A_168 = tpu.memref_squeeze %dma_wait3A_167 : memref<1x512xi32, #tpu.memory_space<hbm>> -> memref<512xi32, #tpu.memory_space<hbm>>
      %dma_wait3A_169 = arith.constant 0 : i32
      %dma_wait3A_170 = tpu.memref_slice %arg11[%run_scoped3A_19, %dma_wait3A_169] : memref<10x512xi32, #tpu.memory_space<vmem>> -> memref<1x512xi32, #tpu.memory_space<vmem>>
      %dma_wait3A_171 = tpu.memref_squeeze %dma_wait3A_170 : memref<1x512xi32, #tpu.memory_space<vmem>> -> memref<512xi32, #tpu.memory_space<vmem>>
      %dma_wait3A_172 = tpu.memref_slice %arg4[%run_scoped3A_18, %multiple_of3A] : memref<10x16384xi32, #tpu.memory_space<hbm>> -> memref<1x512xi32, #tpu.memory_space<hbm>>
      %dma_wait3A_173 = tpu.memref_squeeze %dma_wait3A_172 : memref<1x512xi32, #tpu.memory_space<hbm>> -> memref<512xi32, #tpu.memory_space<hbm>>
      tpu.wait_dma2 semaphore(%run_scoped3A_153 : memref<!tpu.dma_semaphore, #tpu.memory_space<semaphore_mem>>) src(%dma_wait3A_173 : memref<512xi32, #tpu.memory_space<hbm>>) dst(%dma_wait3A_171 : memref<512xi32, #tpu.memory_space<vmem>>)
      tpu.yield
    }) : () -> ()
    %run_scoped3A_20 = arith.constant 9 : i32
    %run_scoped3A_21 = arith.constant 9 : i32
    "tpu.region"() ({
      %run_scoped3A_153 = tpu.sem_alloc : memref<!tpu.dma_semaphore, #tpu.memory_space<semaphore_mem>>
      %dma_start3A_154 = arith.constant 0 : i32
      %dma_start3A_155 = tpu.memref_slice %arg11[%run_scoped3A_21, %dma_start3A_154] : memref<10x512xi32, #tpu.memory_space<vmem>> -> memref<1x512xi32, #tpu.memory_space<vmem>>
      %dma_start3A_156 = tpu.memref_squeeze %dma_start3A_155 : memref<1x512xi32, #tpu.memory_space<vmem>> -> memref<512xi32, #tpu.memory_space<vmem>>
      %dma_start3A_157 = tpu.memref_slice %arg4[%run_scoped3A_20, %multiple_of3A] : memref<10x16384xi32, #tpu.memory_space<hbm>> -> memref<1x512xi32, #tpu.memory_space<hbm>>
      %dma_start3A_158 = tpu.memref_squeeze %dma_start3A_157 : memref<1x512xi32, #tpu.memory_space<hbm>> -> memref<512xi32, #tpu.memory_space<hbm>>
      %dma_start3A_159 = arith.constant 0 : i32
      %dma_start3A_160 = tpu.memref_slice %arg11[%run_scoped3A_21, %dma_start3A_159] : memref<10x512xi32, #tpu.memory_space<vmem>> -> memref<1x512xi32, #tpu.memory_space<vmem>>
      %dma_start3A_161 = tpu.memref_squeeze %dma_start3A_160 : memref<1x512xi32, #tpu.memory_space<vmem>> -> memref<512xi32, #tpu.memory_space<vmem>>
      %dma_start3A_162 = tpu.memref_slice %arg4[%run_scoped3A_20, %multiple_of3A] : memref<10x16384xi32, #tpu.memory_space<hbm>> -> memref<1x512xi32, #tpu.memory_space<hbm>>
      %dma_start3A_163 = tpu.memref_squeeze %dma_start3A_162 : memref<1x512xi32, #tpu.memory_space<hbm>> -> memref<512xi32, #tpu.memory_space<hbm>>
      tpu.enqueue_dma source(%dma_start3A_163 : memref<512xi32, #tpu.memory_space<hbm>>) target(%dma_start3A_161 : memref<512xi32, #tpu.memory_space<vmem>>) target_semaphore(%run_scoped3A_153 : memref<!tpu.dma_semaphore, #tpu.memory_space<semaphore_mem>>)
      %dma_wait3A_164 = arith.constant 0 : i32
      %dma_wait3A_165 = tpu.memref_slice %arg11[%run_scoped3A_21, %dma_wait3A_164] : memref<10x512xi32, #tpu.memory_space<vmem>> -> memref<1x512xi32, #tpu.memory_space<vmem>>
      %dma_wait3A_166 = tpu.memref_squeeze %dma_wait3A_165 : memref<1x512xi32, #tpu.memory_space<vmem>> -> memref<512xi32, #tpu.memory_space<vmem>>
      %dma_wait3A_167 = tpu.memref_slice %arg4[%run_scoped3A_20, %multiple_of3A] : memref<10x16384xi32, #tpu.memory_space<hbm>> -> memref<1x512xi32, #tpu.memory_space<hbm>>
      %dma_wait3A_168 = tpu.memref_squeeze %dma_wait3A_167 : memref<1x512xi32, #tpu.memory_space<hbm>> -> memref<512xi32, #tpu.memory_space<hbm>>
      %dma_wait3A_169 = arith.constant 0 : i32
      %dma_wait3A_170 = tpu.memref_slice %arg11[%run_scoped3A_21, %dma_wait3A_169] : memref<10x512xi32, #tpu.memory_space<vmem>> -> memref<1x512xi32, #tpu.memory_space<vmem>>
      %dma_wait3A_171 = tpu.memref_squeeze %dma_wait3A_170 : memref<1x512xi32, #tpu.memory_space<vmem>> -> memref<512xi32, #tpu.memory_space<vmem>>
      %dma_wait3A_172 = tpu.memref_slice %arg4[%run_scoped3A_20, %multiple_of3A] : memref<10x16384xi32, #tpu.memory_space<hbm>> -> memref<1x512xi32, #tpu.memory_space<hbm>>
      %dma_wait3A_173 = tpu.memref_squeeze %dma_wait3A_172 : memref<1x512xi32, #tpu.memory_space<hbm>> -> memref<512xi32, #tpu.memory_space<hbm>>
      tpu.wait_dma2 semaphore(%run_scoped3A_153 : memref<!tpu.dma_semaphore, #tpu.memory_space<semaphore_mem>>) src(%dma_wait3A_173 : memref<512xi32, #tpu.memory_space<hbm>>) dst(%dma_wait3A_171 : memref<512xi32, #tpu.memory_space<vmem>>)
      tpu.yield
    }) : () -> ()
    %dma_start3A = arith.constant 0 : i32
    %dma_start3A_22 = tpu.memref_slice %arg9[%dma_start3A] : memref<512xi32, #tpu.memory_space<vmem>> -> memref<32xi32, #tpu.memory_space<vmem>>
    %dma_start3A_23 = arith.constant 0 : i32
    %dma_start3A_24 = arith.constant 0 : i32
    %dma_start3A_25 = tpu.memref_slice %arg5[%dma_start3A_23, %dma_start3A_24] : memref<100000x128xf32, #tpu.memory_space<hbm>> -> memref<100000x128xf32, #tpu.memory_space<hbm>>
    tpu.enqueue_indirect_dma source(%dma_start3A_25 : memref<100000x128xf32, #tpu.memory_space<hbm>>) target(%arg12 : memref<32x128xf32, #tpu.memory_space<vmem>>) offsets(%dma_start3A_22 : memref<32xi32, #tpu.memory_space<vmem>>) semaphore(%arg22 : memref<!tpu.dma_semaphore, #tpu.memory_space<semaphore_mem>>)
    %dma_start3A_26 = arith.constant 0 : i32
    %dma_start3A_27 = tpu.memref_slice %arg10[%dma_start3A_26] : memref<512xi32, #tpu.memory_space<vmem>> -> memref<32xi32, #tpu.memory_space<vmem>>
    %dma_start3A_28 = arith.constant 0 : i32
    %dma_start3A_29 = arith.constant 0 : i32
    %dma_start3A_30 = tpu.memref_slice %arg6[%dma_start3A_28, %dma_start3A_29] : memref<100000x128xf32, #tpu.memory_space<hbm>> -> memref<100000x128xf32, #tpu.memory_space<hbm>>
    tpu.enqueue_indirect_dma source(%dma_start3A_30 : memref<100000x128xf32, #tpu.memory_space<hbm>>) target(%arg14 : memref<32x128xf32, #tpu.memory_space<vmem>>) offsets(%dma_start3A_27 : memref<32xi32, #tpu.memory_space<vmem>>) semaphore(%arg22 : memref<!tpu.dma_semaphore, #tpu.memory_space<semaphore_mem>>)
    %dma_start3A_31 = arith.constant 0 : i32
    %dma_start3A_32 = arith.constant 0 : i32
    %dma_start3A_33 = arith.constant 0 : i32
    %dma_start3A_34 = tpu.memref_slice %arg16[%dma_start3A_32, %dma_start3A_33] : memref<320x128xf32, #tpu.memory_space<vmem>> -> memref<32x128xf32, #tpu.memory_space<vmem>>
    %dma_start3A_35 = arith.constant 0 : i32
    %dma_start3A_36 = tpu.memref_slice %arg11[%dma_start3A_31, %dma_start3A_35] : memref<10x512xi32, #tpu.memory_space<vmem>> -> memref<1x32xi32, #tpu.memory_space<vmem>>
    %dma_start3A_37 = tpu.memref_squeeze %dma_start3A_36 : memref<1x32xi32, #tpu.memory_space<vmem>> -> memref<32xi32, #tpu.memory_space<vmem>>
    %dma_start3A_38 = arith.constant 0 : i32
    %dma_start3A_39 = arith.constant 0 : i32
    %dma_start3A_40 = tpu.memref_slice %arg6[%dma_start3A_38, %dma_start3A_39] : memref<100000x128xf32, #tpu.memory_space<hbm>> -> memref<100000x128xf32, #tpu.memory_space<hbm>>
    tpu.enqueue_indirect_dma source(%dma_start3A_40 : memref<100000x128xf32, #tpu.memory_space<hbm>>) target(%dma_start3A_34 : memref<32x128xf32, #tpu.memory_space<vmem>>) offsets(%dma_start3A_37 : memref<32xi32, #tpu.memory_space<vmem>>) semaphore(%arg22 : memref<!tpu.dma_semaphore, #tpu.memory_space<semaphore_mem>>)
    %dma_start3A_41 = arith.constant 1 : i32
    %dma_start3A_42 = arith.constant 32 : i32
    %dma_start3A_43 = arith.constant 0 : i32
    %dma_start3A_44 = tpu.memref_slice %arg16[%dma_start3A_42, %dma_start3A_43] : memref<320x128xf32, #tpu.memory_space<vmem>> -> memref<32x128xf32, #tpu.memory_space<vmem>>
    %dma_start3A_45 = arith.constant 0 : i32
    %dma_start3A_46 = tpu.memref_slice %arg11[%dma_start3A_41, %dma_start3A_45] : memref<10x512xi32, #tpu.memory_space<vmem>> -> memref<1x32xi32, #tpu.memory_space<vmem>>
    %dma_start3A_47 = tpu.memref_squeeze %dma_start3A_46 : memref<1x32xi32, #tpu.memory_space<vmem>> -> memref<32xi32, #tpu.memory_space<vmem>>
    %dma_start3A_48 = arith.constant 0 : i32
    %dma_start3A_49 = arith.constant 0 : i32
    %dma_start3A_50 = tpu.memref_slice %arg6[%dma_start3A_48, %dma_start3A_49] : memref<100000x128xf32, #tpu.memory_space<hbm>> -> memref<100000x128xf32, #tpu.memory_space<hbm>>
    tpu.enqueue_indirect_dma source(%dma_start3A_50 : memref<100000x128xf32, #tpu.memory_space<hbm>>) target(%dma_start3A_44 : memref<32x128xf32, #tpu.memory_space<vmem>>) offsets(%dma_start3A_47 : memref<32xi32, #tpu.memory_space<vmem>>) semaphore(%arg22 : memref<!tpu.dma_semaphore, #tpu.memory_space<semaphore_mem>>)
    %dma_start3A_51 = arith.constant 2 : i32
    %dma_start3A_52 = arith.constant 64 : i32
    %dma_start3A_53 = arith.constant 0 : i32
    %dma_start3A_54 = tpu.memref_slice %arg16[%dma_start3A_52, %dma_start3A_53] : memref<320x128xf32, #tpu.memory_space<vmem>> -> memref<32x128xf32, #tpu.memory_space<vmem>>
    %dma_start3A_55 = arith.constant 0 : i32
    %dma_start3A_56 = tpu.memref_slice %arg11[%dma_start3A_51, %dma_start3A_55] : memref<10x512xi32, #tpu.memory_space<vmem>> -> memref<1x32xi32, #tpu.memory_space<vmem>>
    %dma_start3A_57 = tpu.memref_squeeze %dma_start3A_56 : memref<1x32xi32, #tpu.memory_space<vmem>> -> memref<32xi32, #tpu.memory_space<vmem>>
    %dma_start3A_58 = arith.constant 0 : i32
    %dma_start3A_59 = arith.constant 0 : i32
    %dma_start3A_60 = tpu.memref_slice %arg6[%dma_start3A_58, %dma_start3A_59] : memref<100000x128xf32, #tpu.memory_space<hbm>> -> memref<100000x128xf32, #tpu.memory_space<hbm>>
    tpu.enqueue_indirect_dma source(%dma_start3A_60 : memref<100000x128xf32, #tpu.memory_space<hbm>>) target(%dma_start3A_54 : memref<32x128xf32, #tpu.memory_space<vmem>>) offsets(%dma_start3A_57 : memref<32xi32, #tpu.memory_space<vmem>>) semaphore(%arg22 : memref<!tpu.dma_semaphore, #tpu.memory_space<semaphore_mem>>)
    %dma_start3A_61 = arith.constant 3 : i32
    %dma_start3A_62 = arith.constant 96 : i32
    %dma_start3A_63 = arith.constant 0 : i32
    %dma_start3A_64 = tpu.memref_slice %arg16[%dma_start3A_62, %dma_start3A_63] : memref<320x128xf32, #tpu.memory_space<vmem>> -> memref<32x128xf32, #tpu.memory_space<vmem>>
    %dma_start3A_65 = arith.constant 0 : i32
    %dma_start3A_66 = tpu.memref_slice %arg11[%dma_start3A_61, %dma_start3A_65] : memref<10x512xi32, #tpu.memory_space<vmem>> -> memref<1x32xi32, #tpu.memory_space<vmem>>
    %dma_start3A_67 = tpu.memref_squeeze %dma_start3A_66 : memref<1x32xi32, #tpu.memory_space<vmem>> -> memref<32xi32, #tpu.memory_space<vmem>>
    %dma_start3A_68 = arith.constant 0 : i32
    %dma_start3A_69 = arith.constant 0 : i32
    %dma_start3A_70 = tpu.memref_slice %arg6[%dma_start3A_68, %dma_start3A_69] : memref<100000x128xf32, #tpu.memory_space<hbm>> -> memref<100000x128xf32, #tpu.memory_space<hbm>>
    tpu.enqueue_indirect_dma source(%dma_start3A_70 : memref<100000x128xf32, #tpu.memory_space<hbm>>) target(%dma_start3A_64 : memref<32x128xf32, #tpu.memory_space<vmem>>) offsets(%dma_start3A_67 : memref<32xi32, #tpu.memory_space<vmem>>) semaphore(%arg22 : memref<!tpu.dma_semaphore, #tpu.memory_space<semaphore_mem>>)
    %dma_start3A_71 = arith.constant 4 : i32
    %dma_start3A_72 = arith.constant 128 : i32
    %dma_start3A_73 = arith.constant 0 : i32
    %dma_start3A_74 = tpu.memref_slice %arg16[%dma_start3A_72, %dma_start3A_73] : memref<320x128xf32, #tpu.memory_space<vmem>> -> memref<32x128xf32, #tpu.memory_space<vmem>>
    %dma_start3A_75 = arith.constant 0 : i32
    %dma_start3A_76 = tpu.memref_slice %arg11[%dma_start3A_71, %dma_start3A_75] : memref<10x512xi32, #tpu.memory_space<vmem>> -> memref<1x32xi32, #tpu.memory_space<vmem>>
    %dma_start3A_77 = tpu.memref_squeeze %dma_start3A_76 : memref<1x32xi32, #tpu.memory_space<vmem>> -> memref<32xi32, #tpu.memory_space<vmem>>
    %dma_start3A_78 = arith.constant 0 : i32
    %dma_start3A_79 = arith.constant 0 : i32
    %dma_start3A_80 = tpu.memref_slice %arg6[%dma_start3A_78, %dma_start3A_79] : memref<100000x128xf32, #tpu.memory_space<hbm>> -> memref<100000x128xf32, #tpu.memory_space<hbm>>
    tpu.enqueue_indirect_dma source(%dma_start3A_80 : memref<100000x128xf32, #tpu.memory_space<hbm>>) target(%dma_start3A_74 : memref<32x128xf32, #tpu.memory_space<vmem>>) offsets(%dma_start3A_77 : memref<32xi32, #tpu.memory_space<vmem>>) semaphore(%arg22 : memref<!tpu.dma_semaphore, #tpu.memory_space<semaphore_mem>>)
    %dma_start3A_81 = arith.constant 5 : i32
    %dma_start3A_82 = arith.constant 160 : i32
    %dma_start3A_83 = arith.constant 0 : i32
    %dma_start3A_84 = tpu.memref_slice %arg16[%dma_start3A_82, %dma_start3A_83] : memref<320x128xf32, #tpu.memory_space<vmem>> -> memref<32x128xf32, #tpu.memory_space<vmem>>
    %dma_start3A_85 = arith.constant 0 : i32
    %dma_start3A_86 = tpu.memref_slice %arg11[%dma_start3A_81, %dma_start3A_85] : memref<10x512xi32, #tpu.memory_space<vmem>> -> memref<1x32xi32, #tpu.memory_space<vmem>>
    %dma_start3A_87 = tpu.memref_squeeze %dma_start3A_86 : memref<1x32xi32, #tpu.memory_space<vmem>> -> memref<32xi32, #tpu.memory_space<vmem>>
    %dma_start3A_88 = arith.constant 0 : i32
    %dma_start3A_89 = arith.constant 0 : i32
    %dma_start3A_90 = tpu.memref_slice %arg6[%dma_start3A_88, %dma_start3A_89] : memref<100000x128xf32, #tpu.memory_space<hbm>> -> memref<100000x128xf32, #tpu.memory_space<hbm>>
    tpu.enqueue_indirect_dma source(%dma_start3A_90 : memref<100000x128xf32, #tpu.memory_space<hbm>>) target(%dma_start3A_84 : memref<32x128xf32, #tpu.memory_space<vmem>>) offsets(%dma_start3A_87 : memref<32xi32, #tpu.memory_space<vmem>>) semaphore(%arg22 : memref<!tpu.dma_semaphore, #tpu.memory_space<semaphore_mem>>)
    %dma_start3A_91 = arith.constant 6 : i32
    %dma_start3A_92 = arith.constant 192 : i32
    %dma_start3A_93 = arith.constant 0 : i32
    %dma_start3A_94 = tpu.memref_slice %arg16[%dma_start3A_92, %dma_start3A_93] : memref<320x128xf32, #tpu.memory_space<vmem>> -> memref<32x128xf32, #tpu.memory_space<vmem>>
    %dma_start3A_95 = arith.constant 0 : i32
    %dma_start3A_96 = tpu.memref_slice %arg11[%dma_start3A_91, %dma_start3A_95] : memref<10x512xi32, #tpu.memory_space<vmem>> -> memref<1x32xi32, #tpu.memory_space<vmem>>
    %dma_start3A_97 = tpu.memref_squeeze %dma_start3A_96 : memref<1x32xi32, #tpu.memory_space<vmem>> -> memref<32xi32, #tpu.memory_space<vmem>>
    %dma_start3A_98 = arith.constant 0 : i32
    %dma_start3A_99 = arith.constant 0 : i32
    %dma_start3A_100 = tpu.memref_slice %arg6[%dma_start3A_98, %dma_start3A_99] : memref<100000x128xf32, #tpu.memory_space<hbm>> -> memref<100000x128xf32, #tpu.memory_space<hbm>>
    tpu.enqueue_indirect_dma source(%dma_start3A_100 : memref<100000x128xf32, #tpu.memory_space<hbm>>) target(%dma_start3A_94 : memref<32x128xf32, #tpu.memory_space<vmem>>) offsets(%dma_start3A_97 : memref<32xi32, #tpu.memory_space<vmem>>) semaphore(%arg22 : memref<!tpu.dma_semaphore, #tpu.memory_space<semaphore_mem>>)
    %dma_start3A_101 = arith.constant 7 : i32
    %dma_start3A_102 = arith.constant 224 : i32
    %dma_start3A_103 = arith.constant 0 : i32
    %dma_start3A_104 = tpu.memref_slice %arg16[%dma_start3A_102, %dma_start3A_103] : memref<320x128xf32, #tpu.memory_space<vmem>> -> memref<32x128xf32, #tpu.memory_space<vmem>>
    %dma_start3A_105 = arith.constant 0 : i32
    %dma_start3A_106 = tpu.memref_slice %arg11[%dma_start3A_101, %dma_start3A_105] : memref<10x512xi32, #tpu.memory_space<vmem>> -> memref<1x32xi32, #tpu.memory_space<vmem>>
    %dma_start3A_107 = tpu.memref_squeeze %dma_start3A_106 : memref<1x32xi32, #tpu.memory_space<vmem>> -> memref<32xi32, #tpu.memory_space<vmem>>
    %dma_start3A_108 = arith.constant 0 : i32
    %dma_start3A_109 = arith.constant 0 : i32
    %dma_start3A_110 = tpu.memref_slice %arg6[%dma_start3A_108, %dma_start3A_109] : memref<100000x128xf32, #tpu.memory_space<hbm>> -> memref<100000x128xf32, #tpu.memory_space<hbm>>
    tpu.enqueue_indirect_dma source(%dma_start3A_110 : memref<100000x128xf32, #tpu.memory_space<hbm>>) target(%dma_start3A_104 : memref<32x128xf32, #tpu.memory_space<vmem>>) offsets(%dma_start3A_107 : memref<32xi32, #tpu.memory_space<vmem>>) semaphore(%arg22 : memref<!tpu.dma_semaphore, #tpu.memory_space<semaphore_mem>>)
    %dma_start3A_111 = arith.constant 8 : i32
    %dma_start3A_112 = arith.constant 256 : i32
    %dma_start3A_113 = arith.constant 0 : i32
    %dma_start3A_114 = tpu.memref_slice %arg16[%dma_start3A_112, %dma_start3A_113] : memref<320x128xf32, #tpu.memory_space<vmem>> -> memref<32x128xf32, #tpu.memory_space<vmem>>
    %dma_start3A_115 = arith.constant 0 : i32
    %dma_start3A_116 = tpu.memref_slice %arg11[%dma_start3A_111, %dma_start3A_115] : memref<10x512xi32, #tpu.memory_space<vmem>> -> memref<1x32xi32, #tpu.memory_space<vmem>>
    %dma_start3A_117 = tpu.memref_squeeze %dma_start3A_116 : memref<1x32xi32, #tpu.memory_space<vmem>> -> memref<32xi32, #tpu.memory_space<vmem>>
    %dma_start3A_118 = arith.constant 0 : i32
    %dma_start3A_119 = arith.constant 0 : i32
    %dma_start3A_120 = tpu.memref_slice %arg6[%dma_start3A_118, %dma_start3A_119] : memref<100000x128xf32, #tpu.memory_space<hbm>> -> memref<100000x128xf32, #tpu.memory_space<hbm>>
    tpu.enqueue_indirect_dma source(%dma_start3A_120 : memref<100000x128xf32, #tpu.memory_space<hbm>>) target(%dma_start3A_114 : memref<32x128xf32, #tpu.memory_space<vmem>>) offsets(%dma_start3A_117 : memref<32xi32, #tpu.memory_space<vmem>>) semaphore(%arg22 : memref<!tpu.dma_semaphore, #tpu.memory_space<semaphore_mem>>)
    %dma_start3A_121 = arith.constant 9 : i32
    %dma_start3A_122 = arith.constant 288 : i32
    %dma_start3A_123 = arith.constant 0 : i32
    %dma_start3A_124 = tpu.memref_slice %arg16[%dma_start3A_122, %dma_start3A_123] : memref<320x128xf32, #tpu.memory_space<vmem>> -> memref<32x128xf32, #tpu.memory_space<vmem>>
    %dma_start3A_125 = arith.constant 0 : i32
    %dma_start3A_126 = tpu.memref_slice %arg11[%dma_start3A_121, %dma_start3A_125] : memref<10x512xi32, #tpu.memory_space<vmem>> -> memref<1x32xi32, #tpu.memory_space<vmem>>
    %dma_start3A_127 = tpu.memref_squeeze %dma_start3A_126 : memref<1x32xi32, #tpu.memory_space<vmem>> -> memref<32xi32, #tpu.memory_space<vmem>>
    %dma_start3A_128 = arith.constant 0 : i32
    %dma_start3A_129 = arith.constant 0 : i32
    %dma_start3A_130 = tpu.memref_slice %arg6[%dma_start3A_128, %dma_start3A_129] : memref<100000x128xf32, #tpu.memory_space<hbm>> -> memref<100000x128xf32, #tpu.memory_space<hbm>>
    tpu.enqueue_indirect_dma source(%dma_start3A_130 : memref<100000x128xf32, #tpu.memory_space<hbm>>) target(%dma_start3A_124 : memref<32x128xf32, #tpu.memory_space<vmem>>) offsets(%dma_start3A_127 : memref<32xi32, #tpu.memory_space<vmem>>) semaphore(%arg22 : memref<!tpu.dma_semaphore, #tpu.memory_space<semaphore_mem>>)
    %scan3A = arith.constant 0 : i32
    %scan3A_131 = arith.constant 0 : i32
    %scan3A_132 = arith.constant 8 : i32
    %scan3A_133 = arith.addi %scan3A_131, %scan3A_132 : i32
    %scan3A_134 = arith.constant 1 : i32
    scf.for %scan3A_153 = %scan3A_131 to %scan3A_133 step %scan3A_134  : i32 {
      %mul3A_154 = arith.constant 64 : i32
      %mul3A_155 = arith.muli %scan3A_153, %mul3A_154 : i32
      %multiple_of3A_156 = tpu.assume_multiple %mul3A_155, 64 : i32
      %add3A_157 = arith.constant 32 : i32
      %add3A_158 = arith.addi %multiple_of3A_156, %add3A_157 : i32
      %dma_start3A_159 = tpu.memref_slice %arg9[%add3A_158] : memref<512xi32, #tpu.memory_space<vmem>> -> memref<32xi32, #tpu.memory_space<vmem>>
      %dma_start3A_160 = arith.constant 0 : i32
      %dma_start3A_161 = arith.constant 0 : i32
      %dma_start3A_162 = tpu.memref_slice %arg5[%dma_start3A_160, %dma_start3A_161] : memref<100000x128xf32, #tpu.memory_space<hbm>> -> memref<100000x128xf32, #tpu.memory_space<hbm>>
      tpu.enqueue_indirect_dma source(%dma_start3A_162 : memref<100000x128xf32, #tpu.memory_space<hbm>>) target(%arg13 : memref<32x128xf32, #tpu.memory_space<vmem>>) offsets(%dma_start3A_159 : memref<32xi32, #tpu.memory_space<vmem>>) semaphore(%arg23 : memref<!tpu.dma_semaphore, #tpu.memory_space<semaphore_mem>>)
      %dma_start3A_163 = tpu.memref_slice %arg10[%add3A_158] : memref<512xi32, #tpu.memory_space<vmem>> -> memref<32xi32, #tpu.memory_space<vmem>>
      %dma_start3A_164 = arith.constant 0 : i32
      %dma_start3A_165 = arith.constant 0 : i32
      %dma_start3A_166 = tpu.memref_slice %arg6[%dma_start3A_164, %dma_start3A_165] : memref<100000x128xf32, #tpu.memory_space<hbm>> -> memref<100000x128xf32, #tpu.memory_space<hbm>>
      tpu.enqueue_indirect_dma source(%dma_start3A_166 : memref<100000x128xf32, #tpu.memory_space<hbm>>) target(%arg15 : memref<32x128xf32, #tpu.memory_space<vmem>>) offsets(%dma_start3A_163 : memref<32xi32, #tpu.memory_space<vmem>>) semaphore(%arg23 : memref<!tpu.dma_semaphore, #tpu.memory_space<semaphore_mem>>)
      %dma_start3A_167 = arith.constant 0 : i32
      %dma_start3A_168 = arith.constant 0 : i32
      %dma_start3A_169 = arith.constant 0 : i32
      %dma_start3A_170 = tpu.memref_slice %arg17[%dma_start3A_168, %dma_start3A_169] : memref<320x128xf32, #tpu.memory_space<vmem>> -> memref<32x128xf32, #tpu.memory_space<vmem>>
      %dma_start3A_171 = tpu.memref_slice %arg11[%dma_start3A_167, %add3A_158] : memref<10x512xi32, #tpu.memory_space<vmem>> -> memref<1x32xi32, #tpu.memory_space<vmem>>
      %dma_start3A_172 = tpu.memref_squeeze %dma_start3A_171 : memref<1x32xi32, #tpu.memory_space<vmem>> -> memref<32xi32, #tpu.memory_space<vmem>>
      %dma_start3A_173 = arith.constant 0 : i32
      %dma_start3A_174 = arith.constant 0 : i32
      %dma_start3A_175 = tpu.memref_slice %arg6[%dma_start3A_173, %dma_start3A_174] : memref<100000x128xf32, #tpu.memory_space<hbm>> -> memref<100000x128xf32, #tpu.memory_space<hbm>>
      tpu.enqueue_indirect_dma source(%dma_start3A_175 : memref<100000x128xf32, #tpu.memory_space<hbm>>) target(%dma_start3A_170 : memref<32x128xf32, #tpu.memory_space<vmem>>) offsets(%dma_start3A_172 : memref<32xi32, #tpu.memory_space<vmem>>) semaphore(%arg23 : memref<!tpu.dma_semaphore, #tpu.memory_space<semaphore_mem>>)
      %dma_start3A_176 = arith.constant 1 : i32
      %dma_start3A_177 = arith.constant 32 : i32
      %dma_start3A_178 = arith.constant 0 : i32
      %dma_start3A_179 = tpu.memref_slice %arg17[%dma_start3A_177, %dma_start3A_178] : memref<320x128xf32, #tpu.memory_space<vmem>> -> memref<32x128xf32, #tpu.memory_space<vmem>>
      %dma_start3A_180 = tpu.memref_slice %arg11[%dma_start3A_176, %add3A_158] : memref<10x512xi32, #tpu.memory_space<vmem>> -> memref<1x32xi32, #tpu.memory_space<vmem>>
      %dma_start3A_181 = tpu.memref_squeeze %dma_start3A_180 : memref<1x32xi32, #tpu.memory_space<vmem>> -> memref<32xi32, #tpu.memory_space<vmem>>
      %dma_start3A_182 = arith.constant 0 : i32
      %dma_start3A_183 = arith.constant 0 : i32
      %dma_start3A_184 = tpu.memref_slice %arg6[%dma_start3A_182, %dma_start3A_183] : memref<100000x128xf32, #tpu.memory_space<hbm>> -> memref<100000x128xf32, #tpu.memory_space<hbm>>
      tpu.enqueue_indirect_dma source(%dma_start3A_184 : memref<100000x128xf32, #tpu.memory_space<hbm>>) target(%dma_start3A_179 : memref<32x128xf32, #tpu.memory_space<vmem>>) offsets(%dma_start3A_181 : memref<32xi32, #tpu.memory_space<vmem>>) semaphore(%arg23 : memref<!tpu.dma_semaphore, #tpu.memory_space<semaphore_mem>>)
      %dma_start3A_185 = arith.constant 2 : i32
      %dma_start3A_186 = arith.constant 64 : i32
      %dma_start3A_187 = arith.constant 0 : i32
      %dma_start3A_188 = tpu.memref_slice %arg17[%dma_start3A_186, %dma_start3A_187] : memref<320x128xf32, #tpu.memory_space<vmem>> -> memref<32x128xf32, #tpu.memory_space<vmem>>
      %dma_start3A_189 = tpu.memref_slice %arg11[%dma_start3A_185, %add3A_158] : memref<10x512xi32, #tpu.memory_space<vmem>> -> memref<1x32xi32, #tpu.memory_space<vmem>>
      %dma_start3A_190 = tpu.memref_squeeze %dma_start3A_189 : memref<1x32xi32, #tpu.memory_space<vmem>> -> memref<32xi32, #tpu.memory_space<vmem>>
      %dma_start3A_191 = arith.constant 0 : i32
      %dma_start3A_192 = arith.constant 0 : i32
      %dma_start3A_193 = tpu.memref_slice %arg6[%dma_start3A_191, %dma_start3A_192] : memref<100000x128xf32, #tpu.memory_space<hbm>> -> memref<100000x128xf32, #tpu.memory_space<hbm>>
      tpu.enqueue_indirect_dma source(%dma_start3A_193 : memref<100000x128xf32, #tpu.memory_space<hbm>>) target(%dma_start3A_188 : memref<32x128xf32, #tpu.memory_space<vmem>>) offsets(%dma_start3A_190 : memref<32xi32, #tpu.memory_space<vmem>>) semaphore(%arg23 : memref<!tpu.dma_semaphore, #tpu.memory_space<semaphore_mem>>)
      %dma_start3A_194 = arith.constant 3 : i32
      %dma_start3A_195 = arith.constant 96 : i32
      %dma_start3A_196 = arith.constant 0 : i32
      %dma_start3A_197 = tpu.memref_slice %arg17[%dma_start3A_195, %dma_start3A_196] : memref<320x128xf32, #tpu.memory_space<vmem>> -> memref<32x128xf32, #tpu.memory_space<vmem>>
      %dma_start3A_198 = tpu.memref_slice %arg11[%dma_start3A_194, %add3A_158] : memref<10x512xi32, #tpu.memory_space<vmem>> -> memref<1x32xi32, #tpu.memory_space<vmem>>
      %dma_start3A_199 = tpu.memref_squeeze %dma_start3A_198 : memref<1x32xi32, #tpu.memory_space<vmem>> -> memref<32xi32, #tpu.memory_space<vmem>>
      %dma_start3A_200 = arith.constant 0 : i32
      %dma_start3A_201 = arith.constant 0 : i32
      %dma_start3A_202 = tpu.memref_slice %arg6[%dma_start3A_200, %dma_start3A_201] : memref<100000x128xf32, #tpu.memory_space<hbm>> -> memref<100000x128xf32, #tpu.memory_space<hbm>>
      tpu.enqueue_indirect_dma source(%dma_start3A_202 : memref<100000x128xf32, #tpu.memory_space<hbm>>) target(%dma_start3A_197 : memref<32x128xf32, #tpu.memory_space<vmem>>) offsets(%dma_start3A_199 : memref<32xi32, #tpu.memory_space<vmem>>) semaphore(%arg23 : memref<!tpu.dma_semaphore, #tpu.memory_space<semaphore_mem>>)
      %dma_start3A_203 = arith.constant 4 : i32
      %dma_start3A_204 = arith.constant 128 : i32
      %dma_start3A_205 = arith.constant 0 : i32
      %dma_start3A_206 = tpu.memref_slice %arg17[%dma_start3A_204, %dma_start3A_205] : memref<320x128xf32, #tpu.memory_space<vmem>> -> memref<32x128xf32, #tpu.memory_space<vmem>>
      %dma_start3A_207 = tpu.memref_slice %arg11[%dma_start3A_203, %add3A_158] : memref<10x512xi32, #tpu.memory_space<vmem>> -> memref<1x32xi32, #tpu.memory_space<vmem>>
      %dma_start3A_208 = tpu.memref_squeeze %dma_start3A_207 : memref<1x32xi32, #tpu.memory_space<vmem>> -> memref<32xi32, #tpu.memory_space<vmem>>
      %dma_start3A_209 = arith.constant 0 : i32
      %dma_start3A_210 = arith.constant 0 : i32
      %dma_start3A_211 = tpu.memref_slice %arg6[%dma_start3A_209, %dma_start3A_210] : memref<100000x128xf32, #tpu.memory_space<hbm>> -> memref<100000x128xf32, #tpu.memory_space<hbm>>
      tpu.enqueue_indirect_dma source(%dma_start3A_211 : memref<100000x128xf32, #tpu.memory_space<hbm>>) target(%dma_start3A_206 : memref<32x128xf32, #tpu.memory_space<vmem>>) offsets(%dma_start3A_208 : memref<32xi32, #tpu.memory_space<vmem>>) semaphore(%arg23 : memref<!tpu.dma_semaphore, #tpu.memory_space<semaphore_mem>>)
      %dma_start3A_212 = arith.constant 5 : i32
      %dma_start3A_213 = arith.constant 160 : i32
      %dma_start3A_214 = arith.constant 0 : i32
      %dma_start3A_215 = tpu.memref_slice %arg17[%dma_start3A_213, %dma_start3A_214] : memref<320x128xf32, #tpu.memory_space<vmem>> -> memref<32x128xf32, #tpu.memory_space<vmem>>
      %dma_start3A_216 = tpu.memref_slice %arg11[%dma_start3A_212, %add3A_158] : memref<10x512xi32, #tpu.memory_space<vmem>> -> memref<1x32xi32, #tpu.memory_space<vmem>>
      %dma_start3A_217 = tpu.memref_squeeze %dma_start3A_216 : memref<1x32xi32, #tpu.memory_space<vmem>> -> memref<32xi32, #tpu.memory_space<vmem>>
      %dma_start3A_218 = arith.constant 0 : i32
      %dma_start3A_219 = arith.constant 0 : i32
      %dma_start3A_220 = tpu.memref_slice %arg6[%dma_start3A_218, %dma_start3A_219] : memref<100000x128xf32, #tpu.memory_space<hbm>> -> memref<100000x128xf32, #tpu.memory_space<hbm>>
      tpu.enqueue_indirect_dma source(%dma_start3A_220 : memref<100000x128xf32, #tpu.memory_space<hbm>>) target(%dma_start3A_215 : memref<32x128xf32, #tpu.memory_space<vmem>>) offsets(%dma_start3A_217 : memref<32xi32, #tpu.memory_space<vmem>>) semaphore(%arg23 : memref<!tpu.dma_semaphore, #tpu.memory_space<semaphore_mem>>)
      %dma_start3A_221 = arith.constant 6 : i32
      %dma_start3A_222 = arith.constant 192 : i32
      %dma_start3A_223 = arith.constant 0 : i32
      %dma_start3A_224 = tpu.memref_slice %arg17[%dma_start3A_222, %dma_start3A_223] : memref<320x128xf32, #tpu.memory_space<vmem>> -> memref<32x128xf32, #tpu.memory_space<vmem>>
      %dma_start3A_225 = tpu.memref_slice %arg11[%dma_start3A_221, %add3A_158] : memref<10x512xi32, #tpu.memory_space<vmem>> -> memref<1x32xi32, #tpu.memory_space<vmem>>
      %dma_start3A_226 = tpu.memref_squeeze %dma_start3A_225 : memref<1x32xi32, #tpu.memory_space<vmem>> -> memref<32xi32, #tpu.memory_space<vmem>>
      %dma_start3A_227 = arith.constant 0 : i32
      %dma_start3A_228 = arith.constant 0 : i32
      %dma_start3A_229 = tpu.memref_slice %arg6[%dma_start3A_227, %dma_start3A_228] : memref<100000x128xf32, #tpu.memory_space<hbm>> -> memref<100000x128xf32, #tpu.memory_space<hbm>>
      tpu.enqueue_indirect_dma source(%dma_start3A_229 : memref<100000x128xf32, #tpu.memory_space<hbm>>) target(%dma_start3A_224 : memref<32x128xf32, #tpu.memory_space<vmem>>) offsets(%dma_start3A_226 : memref<32xi32, #tpu.memory_space<vmem>>) semaphore(%arg23 : memref<!tpu.dma_semaphore, #tpu.memory_space<semaphore_mem>>)
      %dma_start3A_230 = arith.constant 7 : i32
      %dma_start3A_231 = arith.constant 224 : i32
      %dma_start3A_232 = arith.constant 0 : i32
      %dma_start3A_233 = tpu.memref_slice %arg17[%dma_start3A_231, %dma_start3A_232] : memref<320x128xf32, #tpu.memory_space<vmem>> -> memref<32x128xf32, #tpu.memory_space<vmem>>
      %dma_start3A_234 = tpu.memref_slice %arg11[%dma_start3A_230, %add3A_158] : memref<10x512xi32, #tpu.memory_space<vmem>> -> memref<1x32xi32, #tpu.memory_space<vmem>>
      %dma_start3A_235 = tpu.memref_squeeze %dma_start3A_234 : memref<1x32xi32, #tpu.memory_space<vmem>> -> memref<32xi32, #tpu.memory_space<vmem>>
      %dma_start3A_236 = arith.constant 0 : i32
      %dma_start3A_237 = arith.constant 0 : i32
      %dma_start3A_238 = tpu.memref_slice %arg6[%dma_start3A_236, %dma_start3A_237] : memref<100000x128xf32, #tpu.memory_space<hbm>> -> memref<100000x128xf32, #tpu.memory_space<hbm>>
      tpu.enqueue_indirect_dma source(%dma_start3A_238 : memref<100000x128xf32, #tpu.memory_space<hbm>>) target(%dma_start3A_233 : memref<32x128xf32, #tpu.memory_space<vmem>>) offsets(%dma_start3A_235 : memref<32xi32, #tpu.memory_space<vmem>>) semaphore(%arg23 : memref<!tpu.dma_semaphore, #tpu.memory_space<semaphore_mem>>)
      %dma_start3A_239 = arith.constant 8 : i32
      %dma_start3A_240 = arith.constant 256 : i32
      %dma_start3A_241 = arith.constant 0 : i32
      %dma_start3A_242 = tpu.memref_slice %arg17[%dma_start3A_240, %dma_start3A_241] : memref<320x128xf32, #tpu.memory_space<vmem>> -> memref<32x128xf32, #tpu.memory_space<vmem>>
      %dma_start3A_243 = tpu.memref_slice %arg11[%dma_start3A_239, %add3A_158] : memref<10x512xi32, #tpu.memory_space<vmem>> -> memref<1x32xi32, #tpu.memory_space<vmem>>
      %dma_start3A_244 = tpu.memref_squeeze %dma_start3A_243 : memref<1x32xi32, #tpu.memory_space<vmem>> -> memref<32xi32, #tpu.memory_space<vmem>>
      %dma_start3A_245 = arith.constant 0 : i32
      %dma_start3A_246 = arith.constant 0 : i32
      %dma_start3A_247 = tpu.memref_slice %arg6[%dma_start3A_245, %dma_start3A_246] : memref<100000x128xf32, #tpu.memory_space<hbm>> -> memref<100000x128xf32, #tpu.memory_space<hbm>>
      tpu.enqueue_indirect_dma source(%dma_start3A_247 : memref<100000x128xf32, #tpu.memory_space<hbm>>) target(%dma_start3A_242 : memref<32x128xf32, #tpu.memory_space<vmem>>) offsets(%dma_start3A_244 : memref<32xi32, #tpu.memory_space<vmem>>) semaphore(%arg23 : memref<!tpu.dma_semaphore, #tpu.memory_space<semaphore_mem>>)
      %dma_start3A_248 = arith.constant 9 : i32
      %dma_start3A_249 = arith.constant 288 : i32
      %dma_start3A_250 = arith.constant 0 : i32
      %dma_start3A_251 = tpu.memref_slice %arg17[%dma_start3A_249, %dma_start3A_250] : memref<320x128xf32, #tpu.memory_space<vmem>> -> memref<32x128xf32, #tpu.memory_space<vmem>>
      %dma_start3A_252 = tpu.memref_slice %arg11[%dma_start3A_248, %add3A_158] : memref<10x512xi32, #tpu.memory_space<vmem>> -> memref<1x32xi32, #tpu.memory_space<vmem>>
      %dma_start3A_253 = tpu.memref_squeeze %dma_start3A_252 : memref<1x32xi32, #tpu.memory_space<vmem>> -> memref<32xi32, #tpu.memory_space<vmem>>
      %dma_start3A_254 = arith.constant 0 : i32
      %dma_start3A_255 = arith.constant 0 : i32
      %dma_start3A_256 = tpu.memref_slice %arg6[%dma_start3A_254, %dma_start3A_255] : memref<100000x128xf32, #tpu.memory_space<hbm>> -> memref<100000x128xf32, #tpu.memory_space<hbm>>
      tpu.enqueue_indirect_dma source(%dma_start3A_256 : memref<100000x128xf32, #tpu.memory_space<hbm>>) target(%dma_start3A_251 : memref<32x128xf32, #tpu.memory_space<vmem>>) offsets(%dma_start3A_253 : memref<32xi32, #tpu.memory_space<vmem>>) semaphore(%arg23 : memref<!tpu.dma_semaphore, #tpu.memory_space<semaphore_mem>>)
      %dma_wait3A_257 = arith.constant 0 : i32
      %dma_wait3A_258 = arith.constant 0 : i32
      %dma_wait3A_259 = tpu.memref_slice %arg5[%dma_wait3A_257, %dma_wait3A_258] : memref<100000x128xf32, #tpu.memory_space<hbm>> -> memref<32x128xf32, #tpu.memory_space<hbm>>
      %dma_wait3A_260 = arith.constant 0 : i32
      %dma_wait3A_261 = arith.constant 0 : i32
      %dma_wait3A_262 = tpu.memref_slice %arg5[%dma_wait3A_260, %dma_wait3A_261] : memref<100000x128xf32, #tpu.memory_space<hbm>> -> memref<32x128xf32, #tpu.memory_space<hbm>>
      tpu.wait_dma2 semaphore(%arg22 : memref<!tpu.dma_semaphore, #tpu.memory_space<semaphore_mem>>) src(%dma_wait3A_262 : memref<32x128xf32, #tpu.memory_space<hbm>>) dst(%arg12 : memref<32x128xf32, #tpu.memory_space<vmem>>)
      %dma_wait3A_263 = arith.constant 0 : i32
      %dma_wait3A_264 = arith.constant 0 : i32
      %dma_wait3A_265 = tpu.memref_slice %arg6[%dma_wait3A_263, %dma_wait3A_264] : memref<100000x128xf32, #tpu.memory_space<hbm>> -> memref<32x128xf32, #tpu.memory_space<hbm>>
      %dma_wait3A_266 = arith.constant 0 : i32
      %dma_wait3A_267 = arith.constant 0 : i32
      %dma_wait3A_268 = tpu.memref_slice %arg6[%dma_wait3A_266, %dma_wait3A_267] : memref<100000x128xf32, #tpu.memory_space<hbm>> -> memref<32x128xf32, #tpu.memory_space<hbm>>
      tpu.wait_dma2 semaphore(%arg22 : memref<!tpu.dma_semaphore, #tpu.memory_space<semaphore_mem>>) src(%dma_wait3A_268 : memref<32x128xf32, #tpu.memory_space<hbm>>) dst(%arg14 : memref<32x128xf32, #tpu.memory_space<vmem>>)
      %dma_wait3A_269 = arith.constant 0 : i32
      %dma_wait3A_270 = arith.constant 0 : i32
      %dma_wait3A_271 = tpu.memref_slice %arg6[%dma_wait3A_269, %dma_wait3A_270] : memref<100000x128xf32, #tpu.memory_space<hbm>> -> memref<320x128xf32, #tpu.memory_space<hbm>>
      %dma_wait3A_272 = arith.constant 0 : i32
      %dma_wait3A_273 = arith.constant 0 : i32
      %dma_wait3A_274 = tpu.memref_slice %arg6[%dma_wait3A_272, %dma_wait3A_273] : memref<100000x128xf32, #tpu.memory_space<hbm>> -> memref<320x128xf32, #tpu.memory_space<hbm>>
      tpu.wait_dma2 semaphore(%arg22 : memref<!tpu.dma_semaphore, #tpu.memory_space<semaphore_mem>>) src(%dma_wait3A_274 : memref<320x128xf32, #tpu.memory_space<hbm>>) dst(%arg16 : memref<320x128xf32, #tpu.memory_space<vmem>>)
      %add3A_275 = arith.addi %multiple_of3A, %multiple_of3A_156 : i32
      %scan3A_276 = arith.constant 0 : i32
      %scan3A_277 = arith.constant 0 : i32
      %scan3A_278 = arith.constant 32 : i32
      %scan3A_279 = arith.addi %scan3A_277, %scan3A_278 : i32
      %scan3A_280 = arith.constant 1 : i32
      scf.for %scan3A_423 = %scan3A_277 to %scan3A_279 step %scan3A_280  : i32 {
        %get3A = arith.index_cast %scan3A_423 : i32 to index
        %get3A_424 = arith.constant 0 : index
        %get3A_425 = tpu.vector_load %arg12[%get3A, %get3A_424] {strides = array<i32>} : memref<32x128xf32, #tpu.memory_space<vmem>>, vector<16xf32>,
        %get3A_426 = arith.index_cast %scan3A_423 : i32 to index
        %get3A_427 = arith.constant 0 : index
        %get3A_428 = tpu.vector_load %arg14[%get3A_426, %get3A_427] {strides = array<i32>} : memref<32x128xf32, #tpu.memory_space<vmem>>, vector<16xf32>,
        %get3A_429 = arith.index_cast %scan3A_423 : i32 to index
        %get3A_430 = arith.constant 0 : index
        %get3A_431 = tpu.vector_load %arg16[%get3A_429, %get3A_430] {strides = array<i32>} : memref<320x128xf32, #tpu.memory_space<vmem>>, vector<16xf32>,
        %add3A_432 = arith.constant 32 : i32
        %add3A_433 = arith.addi %add3A_432, %scan3A_423 : i32
        %get3A_434 = arith.index_cast %add3A_433 : i32 to index
        %get3A_435 = arith.constant 0 : index
        %get3A_436 = tpu.vector_load %arg16[%get3A_434, %get3A_435] {strides = array<i32>} : memref<320x128xf32, #tpu.memory_space<vmem>>, vector<16xf32>,
        %add3A_437 = arith.addf %get3A_431, %get3A_436 : vector<16xf32>
        %add3A_438 = arith.constant 64 : i32
        %add3A_439 = arith.addi %add3A_438, %scan3A_423 : i32
        %get3A_440 = arith.index_cast %add3A_439 : i32 to index
        %get3A_441 = arith.constant 0 : index
        %get3A_442 = tpu.vector_load %arg16[%get3A_440, %get3A_441] {strides = array<i32>} : memref<320x128xf32, #tpu.memory_space<vmem>>, vector<16xf32>,
        %add3A_443 = arith.addf %add3A_437, %get3A_442 : vector<16xf32>
        %add3A_444 = arith.constant 96 : i32
        %add3A_445 = arith.addi %add3A_444, %scan3A_423 : i32
        %get3A_446 = arith.index_cast %add3A_445 : i32 to index
        %get3A_447 = arith.constant 0 : index
        %get3A_448 = tpu.vector_load %arg16[%get3A_446, %get3A_447] {strides = array<i32>} : memref<320x128xf32, #tpu.memory_space<vmem>>, vector<16xf32>,
        %add3A_449 = arith.addf %add3A_443, %get3A_448 : vector<16xf32>
        %add3A_450 = arith.constant 128 : i32
        %add3A_451 = arith.addi %add3A_450, %scan3A_423 : i32
        %get3A_452 = arith.index_cast %add3A_451 : i32 to index
        %get3A_453 = arith.constant 0 : index
        %get3A_454 = tpu.vector_load %arg16[%get3A_452, %get3A_453] {strides = array<i32>} : memref<320x128xf32, #tpu.memory_space<vmem>>, vector<16xf32>,
        %add3A_455 = arith.addf %add3A_449, %get3A_454 : vector<16xf32>
        %add3A_456 = arith.constant 160 : i32
        %add3A_457 = arith.addi %add3A_456, %scan3A_423 : i32
        %get3A_458 = arith.index_cast %add3A_457 : i32 to index
        %get3A_459 = arith.constant 0 : index
        %get3A_460 = tpu.vector_load %arg16[%get3A_458, %get3A_459] {strides = array<i32>} : memref<320x128xf32, #tpu.memory_space<vmem>>, vector<16xf32>,
        %add3A_461 = arith.addf %add3A_455, %get3A_460 : vector<16xf32>
        %add3A_462 = arith.constant 192 : i32
        %add3A_463 = arith.addi %add3A_462, %scan3A_423 : i32
        %get3A_464 = arith.index_cast %add3A_463 : i32 to index
        %get3A_465 = arith.constant 0 : index
        %get3A_466 = tpu.vector_load %arg16[%get3A_464, %get3A_465] {strides = array<i32>} : memref<320x128xf32, #tpu.memory_space<vmem>>, vector<16xf32>,
        %add3A_467 = arith.addf %add3A_461, %get3A_466 : vector<16xf32>
        %add3A_468 = arith.constant 224 : i32
        %add3A_469 = arith.addi %add3A_468, %scan3A_423 : i32
        %get3A_470 = arith.index_cast %add3A_469 : i32 to index
        %get3A_471 = arith.constant 0 : index
        %get3A_472 = tpu.vector_load %arg16[%get3A_470, %get3A_471] {strides = array<i32>} : memref<320x128xf32, #tpu.memory_space<vmem>>, vector<16xf32>,
        %add3A_473 = arith.addf %add3A_467, %get3A_472 : vector<16xf32>
        %add3A_474 = arith.constant 256 : i32
        %add3A_475 = arith.addi %add3A_474, %scan3A_423 : i32
        %get3A_476 = arith.index_cast %add3A_475 : i32 to index
        %get3A_477 = arith.constant 0 : index
        %get3A_478 = tpu.vector_load %arg16[%get3A_476, %get3A_477] {strides = array<i32>} : memref<320x128xf32, #tpu.memory_space<vmem>>, vector<16xf32>,
        %add3A_479 = arith.addf %add3A_473, %get3A_478 : vector<16xf32>
        %add3A_480 = arith.constant 288 : i32
        %add3A_481 = arith.addi %add3A_480, %scan3A_423 : i32
        %get3A_482 = arith.index_cast %add3A_481 : i32 to index
        %get3A_483 = arith.constant 0 : index
        %get3A_484 = tpu.vector_load %arg16[%get3A_482, %get3A_483] {strides = array<i32>} : memref<320x128xf32, #tpu.memory_space<vmem>>, vector<16xf32>,
        %add3A_485 = arith.addf %add3A_479, %get3A_484 : vector<16xf32>
        %mul3A_486 = arith.mulf %get3A_425, %get3A_428 : vector<16xf32>
        %mul3A_487 = arith.mulf %get3A_425, %add3A_485 : vector<16xf32>
        %get3A_488 = arith.index_cast %scan3A_423 : i32 to index
        %get3A_489 = arith.constant 16 : index
        %get3A_490 = tpu.vector_load %arg12[%get3A_488, %get3A_489] {strides = array<i32>} : memref<32x128xf32, #tpu.memory_space<vmem>>, vector<16xf32>,
        %get3A_491 = arith.index_cast %scan3A_423 : i32 to index
        %get3A_492 = arith.constant 16 : index
        %get3A_493 = tpu.vector_load %arg14[%get3A_491, %get3A_492] {strides = array<i32>} : memref<32x128xf32, #tpu.memory_space<vmem>>, vector<16xf32>,
        %get3A_494 = arith.index_cast %scan3A_423 : i32 to index
        %get3A_495 = arith.constant 16 : index
        %get3A_496 = tpu.vector_load %arg16[%get3A_494, %get3A_495] {strides = array<i32>} : memref<320x128xf32, #tpu.memory_space<vmem>>, vector<16xf32>,
        %add3A_497 = arith.constant 32 : i32
        %add3A_498 = arith.addi %add3A_497, %scan3A_423 : i32
        %get3A_499 = arith.index_cast %add3A_498 : i32 to index
        %get3A_500 = arith.constant 16 : index
        %get3A_501 = tpu.vector_load %arg16[%get3A_499, %get3A_500] {strides = array<i32>} : memref<320x128xf32, #tpu.memory_space<vmem>>, vector<16xf32>,
        %add3A_502 = arith.addf %get3A_496, %get3A_501 : vector<16xf32>
        %add3A_503 = arith.constant 64 : i32
        %add3A_504 = arith.addi %add3A_503, %scan3A_423 : i32
        %get3A_505 = arith.index_cast %add3A_504 : i32 to index
        %get3A_506 = arith.constant 16 : index
        %get3A_507 = tpu.vector_load %arg16[%get3A_505, %get3A_506] {strides = array<i32>} : memref<320x128xf32, #tpu.memory_space<vmem>>, vector<16xf32>,
        %add3A_508 = arith.addf %add3A_502, %get3A_507 : vector<16xf32>
        %add3A_509 = arith.constant 96 : i32
        %add3A_510 = arith.addi %add3A_509, %scan3A_423 : i32
        %get3A_511 = arith.index_cast %add3A_510 : i32 to index
        %get3A_512 = arith.constant 16 : index
        %get3A_513 = tpu.vector_load %arg16[%get3A_511, %get3A_512] {strides = array<i32>} : memref<320x128xf32, #tpu.memory_space<vmem>>, vector<16xf32>,
        %add3A_514 = arith.addf %add3A_508, %get3A_513 : vector<16xf32>
        %add3A_515 = arith.constant 128 : i32
        %add3A_516 = arith.addi %add3A_515, %scan3A_423 : i32
        %get3A_517 = arith.index_cast %add3A_516 : i32 to index
        %get3A_518 = arith.constant 16 : index
        %get3A_519 = tpu.vector_load %arg16[%get3A_517, %get3A_518] {strides = array<i32>} : memref<320x128xf32, #tpu.memory_space<vmem>>, vector<16xf32>,
        %add3A_520 = arith.addf %add3A_514, %get3A_519 : vector<16xf32>
        %add3A_521 = arith.constant 160 : i32
        %add3A_522 = arith.addi %add3A_521, %scan3A_423 : i32
        %get3A_523 = arith.index_cast %add3A_522 : i32 to index
        %get3A_524 = arith.constant 16 : index
        %get3A_525 = tpu.vector_load %arg16[%get3A_523, %get3A_524] {strides = array<i32>} : memref<320x128xf32, #tpu.memory_space<vmem>>, vector<16xf32>,
        %add3A_526 = arith.addf %add3A_520, %get3A_525 : vector<16xf32>
        %add3A_527 = arith.constant 192 : i32
        %add3A_528 = arith.addi %add3A_527, %scan3A_423 : i32
        %get3A_529 = arith.index_cast %add3A_528 : i32 to index
        %get3A_530 = arith.constant 16 : index
        %get3A_531 = tpu.vector_load %arg16[%get3A_529, %get3A_530] {strides = array<i32>} : memref<320x128xf32, #tpu.memory_space<vmem>>, vector<16xf32>,
        %add3A_532 = arith.addf %add3A_526, %get3A_531 : vector<16xf32>
        %add3A_533 = arith.constant 224 : i32
        %add3A_534 = arith.addi %add3A_533, %scan3A_423 : i32
        %get3A_535 = arith.index_cast %add3A_534 : i32 to index
        %get3A_536 = arith.constant 16 : index
        %get3A_537 = tpu.vector_load %arg16[%get3A_535, %get3A_536] {strides = array<i32>} : memref<320x128xf32, #tpu.memory_space<vmem>>, vector<16xf32>,
        %add3A_538 = arith.addf %add3A_532, %get3A_537 : vector<16xf32>
        %add3A_539 = arith.constant 256 : i32
        %add3A_540 = arith.addi %add3A_539, %scan3A_423 : i32
        %get3A_541 = arith.index_cast %add3A_540 : i32 to index
        %get3A_542 = arith.constant 16 : index
        %get3A_543 = tpu.vector_load %arg16[%get3A_541, %get3A_542] {strides = array<i32>} : memref<320x128xf32, #tpu.memory_space<vmem>>, vector<16xf32>,
        %add3A_544 = arith.addf %add3A_538, %get3A_543 : vector<16xf32>
        %add3A_545 = arith.constant 288 : i32
        %add3A_546 = arith.addi %add3A_545, %scan3A_423 : i32
        %get3A_547 = arith.index_cast %add3A_546 : i32 to index
        %get3A_548 = arith.constant 16 : index
        %get3A_549 = tpu.vector_load %arg16[%get3A_547, %get3A_548] {strides = array<i32>} : memref<320x128xf32, #tpu.memory_space<vmem>>, vector<16xf32>,
        %add3A_550 = arith.addf %add3A_544, %get3A_549 : vector<16xf32>
        %mul3A_551 = arith.mulf %get3A_490, %get3A_493 : vector<16xf32>
        %add3A_552 = arith.addf %mul3A_486, %mul3A_551 : vector<16xf32>
        %mul3A_553 = arith.mulf %get3A_490, %add3A_550 : vector<16xf32>
        %add3A_554 = arith.addf %mul3A_487, %mul3A_553 : vector<16xf32>
        %get3A_555 = arith.index_cast %scan3A_423 : i32 to index
        %get3A_556 = arith.constant 32 : index
        %get3A_557 = tpu.vector_load %arg12[%get3A_555, %get3A_556] {strides = array<i32>} : memref<32x128xf32, #tpu.memory_space<vmem>>, vector<16xf32>,
        %get3A_558 = arith.index_cast %scan3A_423 : i32 to index
        %get3A_559 = arith.constant 32 : index
        %get3A_560 = tpu.vector_load %arg14[%get3A_558, %get3A_559] {strides = array<i32>} : memref<32x128xf32, #tpu.memory_space<vmem>>, vector<16xf32>,
        %get3A_561 = arith.index_cast %scan3A_423 : i32 to index
        %get3A_562 = arith.constant 32 : index
        %get3A_563 = tpu.vector_load %arg16[%get3A_561, %get3A_562] {strides = array<i32>} : memref<320x128xf32, #tpu.memory_space<vmem>>, vector<16xf32>,
        %add3A_564 = arith.constant 32 : i32
        %add3A_565 = arith.addi %add3A_564, %scan3A_423 : i32
        %get3A_566 = arith.index_cast %add3A_565 : i32 to index
        %get3A_567 = arith.constant 32 : index
        %get3A_568 = tpu.vector_load %arg16[%get3A_566, %get3A_567] {strides = array<i32>} : memref<320x128xf32, #tpu.memory_space<vmem>>, vector<16xf32>,
        %add3A_569 = arith.addf %get3A_563, %get3A_568 : vector<16xf32>
        %add3A_570 = arith.constant 64 : i32
        %add3A_571 = arith.addi %add3A_570, %scan3A_423 : i32
        %get3A_572 = arith.index_cast %add3A_571 : i32 to index
        %get3A_573 = arith.constant 32 : index
        %get3A_574 = tpu.vector_load %arg16[%get3A_572, %get3A_573] {strides = array<i32>} : memref<320x128xf32, #tpu.memory_space<vmem>>, vector<16xf32>,
        %add3A_575 = arith.addf %add3A_569, %get3A_574 : vector<16xf32>
        %add3A_576 = arith.constant 96 : i32
        %add3A_577 = arith.addi %add3A_576, %scan3A_423 : i32
        %get3A_578 = arith.index_cast %add3A_577 : i32 to index
        %get3A_579 = arith.constant 32 : index
        %get3A_580 = tpu.vector_load %arg16[%get3A_578, %get3A_579] {strides = array<i32>} : memref<320x128xf32, #tpu.memory_space<vmem>>, vector<16xf32>,
        %add3A_581 = arith.addf %add3A_575, %get3A_580 : vector<16xf32>
        %add3A_582 = arith.constant 128 : i32
        %add3A_583 = arith.addi %add3A_582, %scan3A_423 : i32
        %get3A_584 = arith.index_cast %add3A_583 : i32 to index
        %get3A_585 = arith.constant 32 : index
        %get3A_586 = tpu.vector_load %arg16[%get3A_584, %get3A_585] {strides = array<i32>} : memref<320x128xf32, #tpu.memory_space<vmem>>, vector<16xf32>,
        %add3A_587 = arith.addf %add3A_581, %get3A_586 : vector<16xf32>
        %add3A_588 = arith.constant 160 : i32
        %add3A_589 = arith.addi %add3A_588, %scan3A_423 : i32
        %get3A_590 = arith.index_cast %add3A_589 : i32 to index
        %get3A_591 = arith.constant 32 : index
        %get3A_592 = tpu.vector_load %arg16[%get3A_590, %get3A_591] {strides = array<i32>} : memref<320x128xf32, #tpu.memory_space<vmem>>, vector<16xf32>,
        %add3A_593 = arith.addf %add3A_587, %get3A_592 : vector<16xf32>
        %add3A_594 = arith.constant 192 : i32
        %add3A_595 = arith.addi %add3A_594, %scan3A_423 : i32
        %get3A_596 = arith.index_cast %add3A_595 : i32 to index
        %get3A_597 = arith.constant 32 : index
        %get3A_598 = tpu.vector_load %arg16[%get3A_596, %get3A_597] {strides = array<i32>} : memref<320x128xf32, #tpu.memory_space<vmem>>, vector<16xf32>,
        %add3A_599 = arith.addf %add3A_593, %get3A_598 : vector<16xf32>
        %add3A_600 = arith.constant 224 : i32
        %add3A_601 = arith.addi %add3A_600, %scan3A_423 : i32
        %get3A_602 = arith.index_cast %add3A_601 : i32 to index
        %get3A_603 = arith.constant 32 : index
        %get3A_604 = tpu.vector_load %arg16[%get3A_602, %get3A_603] {strides = array<i32>} : memref<320x128xf32, #tpu.memory_space<vmem>>, vector<16xf32>,
        %add3A_605 = arith.addf %add3A_599, %get3A_604 : vector<16xf32>
        %add3A_606 = arith.constant 256 : i32
        %add3A_607 = arith.addi %add3A_606, %scan3A_423 : i32
        %get3A_608 = arith.index_cast %add3A_607 : i32 to index
        %get3A_609 = arith.constant 32 : index
        %get3A_610 = tpu.vector_load %arg16[%get3A_608, %get3A_609] {strides = array<i32>} : memref<320x128xf32, #tpu.memory_space<vmem>>, vector<16xf32>,
        %add3A_611 = arith.addf %add3A_605, %get3A_610 : vector<16xf32>
        %add3A_612 = arith.constant 288 : i32
        %add3A_613 = arith.addi %add3A_612, %scan3A_423 : i32
        %get3A_614 = arith.index_cast %add3A_613 : i32 to index
        %get3A_615 = arith.constant 32 : index
        %get3A_616 = tpu.vector_load %arg16[%get3A_614, %get3A_615] {strides = array<i32>} : memref<320x128xf32, #tpu.memory_space<vmem>>, vector<16xf32>,
        %add3A_617 = arith.addf %add3A_611, %get3A_616 : vector<16xf32>
        %mul3A_618 = arith.mulf %get3A_557, %get3A_560 : vector<16xf32>
        %add3A_619 = arith.addf %add3A_552, %mul3A_618 : vector<16xf32>
        %mul3A_620 = arith.mulf %get3A_557, %add3A_617 : vector<16xf32>
        %add3A_621 = arith.addf %add3A_554, %mul3A_620 : vector<16xf32>
        %get3A_622 = arith.index_cast %scan3A_423 : i32 to index
        %get3A_623 = arith.constant 48 : index
        %get3A_624 = tpu.vector_load %arg12[%get3A_622, %get3A_623] {strides = array<i32>} : memref<32x128xf32, #tpu.memory_space<vmem>>, vector<16xf32>,
        %get3A_625 = arith.index_cast %scan3A_423 : i32 to index
        %get3A_626 = arith.constant 48 : index
        %get3A_627 = tpu.vector_load %arg14[%get3A_625, %get3A_626] {strides = array<i32>} : memref<32x128xf32, #tpu.memory_space<vmem>>, vector<16xf32>,
        %get3A_628 = arith.index_cast %scan3A_423 : i32 to index
        %get3A_629 = arith.constant 48 : index
        %get3A_630 = tpu.vector_load %arg16[%get3A_628, %get3A_629] {strides = array<i32>} : memref<320x128xf32, #tpu.memory_space<vmem>>, vector<16xf32>,
        %add3A_631 = arith.constant 32 : i32
        %add3A_632 = arith.addi %add3A_631, %scan3A_423 : i32
        %get3A_633 = arith.index_cast %add3A_632 : i32 to index
        %get3A_634 = arith.constant 48 : index
        %get3A_635 = tpu.vector_load %arg16[%get3A_633, %get3A_634] {strides = array<i32>} : memref<320x128xf32, #tpu.memory_space<vmem>>, vector<16xf32>,
        %add3A_636 = arith.addf %get3A_630, %get3A_635 : vector<16xf32>
        %add3A_637 = arith.constant 64 : i32
        %add3A_638 = arith.addi %add3A_637, %scan3A_423 : i32
        %get3A_639 = arith.index_cast %add3A_638 : i32 to index
        %get3A_640 = arith.constant 48 : index
        %get3A_641 = tpu.vector_load %arg16[%get3A_639, %get3A_640] {strides = array<i32>} : memref<320x128xf32, #tpu.memory_space<vmem>>, vector<16xf32>,
        %add3A_642 = arith.addf %add3A_636, %get3A_641 : vector<16xf32>
        %add3A_643 = arith.constant 96 : i32
        %add3A_644 = arith.addi %add3A_643, %scan3A_423 : i32
        %get3A_645 = arith.index_cast %add3A_644 : i32 to index
        %get3A_646 = arith.constant 48 : index
        %get3A_647 = tpu.vector_load %arg16[%get3A_645, %get3A_646] {strides = array<i32>} : memref<320x128xf32, #tpu.memory_space<vmem>>, vector<16xf32>,
        %add3A_648 = arith.addf %add3A_642, %get3A_647 : vector<16xf32>
        %add3A_649 = arith.constant 128 : i32
        %add3A_650 = arith.addi %add3A_649, %scan3A_423 : i32
        %get3A_651 = arith.index_cast %add3A_650 : i32 to index
        %get3A_652 = arith.constant 48 : index
        %get3A_653 = tpu.vector_load %arg16[%get3A_651, %get3A_652] {strides = array<i32>} : memref<320x128xf32, #tpu.memory_space<vmem>>, vector<16xf32>,
        %add3A_654 = arith.addf %add3A_648, %get3A_653 : vector<16xf32>
        %add3A_655 = arith.constant 160 : i32
        %add3A_656 = arith.addi %add3A_655, %scan3A_423 : i32
        %get3A_657 = arith.index_cast %add3A_656 : i32 to index
        %get3A_658 = arith.constant 48 : index
        %get3A_659 = tpu.vector_load %arg16[%get3A_657, %get3A_658] {strides = array<i32>} : memref<320x128xf32, #tpu.memory_space<vmem>>, vector<16xf32>,
        %add3A_660 = arith.addf %add3A_654, %get3A_659 : vector<16xf32>
        %add3A_661 = arith.constant 192 : i32
        %add3A_662 = arith.addi %add3A_661, %scan3A_423 : i32
        %get3A_663 = arith.index_cast %add3A_662 : i32 to index
        %get3A_664 = arith.constant 48 : index
        %get3A_665 = tpu.vector_load %arg16[%get3A_663, %get3A_664] {strides = array<i32>} : memref<320x128xf32, #tpu.memory_space<vmem>>, vector<16xf32>,
        %add3A_666 = arith.addf %add3A_660, %get3A_665 : vector<16xf32>
        %add3A_667 = arith.constant 224 : i32
        %add3A_668 = arith.addi %add3A_667, %scan3A_423 : i32
        %get3A_669 = arith.index_cast %add3A_668 : i32 to index
        %get3A_670 = arith.constant 48 : index
        %get3A_671 = tpu.vector_load %arg16[%get3A_669, %get3A_670] {strides = array<i32>} : memref<320x128xf32, #tpu.memory_space<vmem>>, vector<16xf32>,
        %add3A_672 = arith.addf %add3A_666, %get3A_671 : vector<16xf32>
        %add3A_673 = arith.constant 256 : i32
        %add3A_674 = arith.addi %add3A_673, %scan3A_423 : i32
        %get3A_675 = arith.index_cast %add3A_674 : i32 to index
        %get3A_676 = arith.constant 48 : index
        %get3A_677 = tpu.vector_load %arg16[%get3A_675, %get3A_676] {strides = array<i32>} : memref<320x128xf32, #tpu.memory_space<vmem>>, vector<16xf32>,
        %add3A_678 = arith.addf %add3A_672, %get3A_677 : vector<16xf32>
        %add3A_679 = arith.constant 288 : i32
        %add3A_680 = arith.addi %add3A_679, %scan3A_423 : i32
        %get3A_681 = arith.index_cast %add3A_680 : i32 to index
        %get3A_682 = arith.constant 48 : index
        %get3A_683 = tpu.vector_load %arg16[%get3A_681, %get3A_682] {strides = array<i32>} : memref<320x128xf32, #tpu.memory_space<vmem>>, vector<16xf32>,
        %add3A_684 = arith.addf %add3A_678, %get3A_683 : vector<16xf32>
        %mul3A_685 = arith.mulf %get3A_624, %get3A_627 : vector<16xf32>
        %add3A_686 = arith.addf %add3A_619, %mul3A_685 : vector<16xf32>
        %mul3A_687 = arith.mulf %get3A_624, %add3A_684 : vector<16xf32>
        %add3A_688 = arith.addf %add3A_621, %mul3A_687 : vector<16xf32>
        %get3A_689 = arith.index_cast %scan3A_423 : i32 to index
        %get3A_690 = arith.constant 64 : index
        %get3A_691 = tpu.vector_load %arg12[%get3A_689, %get3A_690] {strides = array<i32>} : memref<32x128xf32, #tpu.memory_space<vmem>>, vector<16xf32>,
        %get3A_692 = arith.index_cast %scan3A_423 : i32 to index
        %get3A_693 = arith.constant 64 : index
        %get3A_694 = tpu.vector_load %arg14[%get3A_692, %get3A_693] {strides = array<i32>} : memref<32x128xf32, #tpu.memory_space<vmem>>, vector<16xf32>,
        %get3A_695 = arith.index_cast %scan3A_423 : i32 to index
        %get3A_696 = arith.constant 64 : index
        %get3A_697 = tpu.vector_load %arg16[%get3A_695, %get3A_696] {strides = array<i32>} : memref<320x128xf32, #tpu.memory_space<vmem>>, vector<16xf32>,
        %add3A_698 = arith.constant 32 : i32
        %add3A_699 = arith.addi %add3A_698, %scan3A_423 : i32
        %get3A_700 = arith.index_cast %add3A_699 : i32 to index
        %get3A_701 = arith.constant 64 : index
        %get3A_702 = tpu.vector_load %arg16[%get3A_700, %get3A_701] {strides = array<i32>} : memref<320x128xf32, #tpu.memory_space<vmem>>, vector<16xf32>,
        %add3A_703 = arith.addf %get3A_697, %get3A_702 : vector<16xf32>
        %add3A_704 = arith.constant 64 : i32
        %add3A_705 = arith.addi %add3A_704, %scan3A_423 : i32
        %get3A_706 = arith.index_cast %add3A_705 : i32 to index
        %get3A_707 = arith.constant 64 : index
        %get3A_708 = tpu.vector_load %arg16[%get3A_706, %get3A_707] {strides = array<i32>} : memref<320x128xf32, #tpu.memory_space<vmem>>, vector<16xf32>,
        %add3A_709 = arith.addf %add3A_703, %get3A_708 : vector<16xf32>
        %add3A_710 = arith.constant 96 : i32
        %add3A_711 = arith.addi %add3A_710, %scan3A_423 : i32
        %get3A_712 = arith.index_cast %add3A_711 : i32 to index
        %get3A_713 = arith.constant 64 : index
        %get3A_714 = tpu.vector_load %arg16[%get3A_712, %get3A_713] {strides = array<i32>} : memref<320x128xf32, #tpu.memory_space<vmem>>, vector<16xf32>,
        %add3A_715 = arith.addf %add3A_709, %get3A_714 : vector<16xf32>
        %add3A_716 = arith.constant 128 : i32
        %add3A_717 = arith.addi %add3A_716, %scan3A_423 : i32
        %get3A_718 = arith.index_cast %add3A_717 : i32 to index
        %get3A_719 = arith.constant 64 : index
        %get3A_720 = tpu.vector_load %arg16[%get3A_718, %get3A_719] {strides = array<i32>} : memref<320x128xf32, #tpu.memory_space<vmem>>, vector<16xf32>,
        %add3A_721 = arith.addf %add3A_715, %get3A_720 : vector<16xf32>
        %add3A_722 = arith.constant 160 : i32
        %add3A_723 = arith.addi %add3A_722, %scan3A_423 : i32
        %get3A_724 = arith.index_cast %add3A_723 : i32 to index
        %get3A_725 = arith.constant 64 : index
        %get3A_726 = tpu.vector_load %arg16[%get3A_724, %get3A_725] {strides = array<i32>} : memref<320x128xf32, #tpu.memory_space<vmem>>, vector<16xf32>,
        %add3A_727 = arith.addf %add3A_721, %get3A_726 : vector<16xf32>
        %add3A_728 = arith.constant 192 : i32
        %add3A_729 = arith.addi %add3A_728, %scan3A_423 : i32
        %get3A_730 = arith.index_cast %add3A_729 : i32 to index
        %get3A_731 = arith.constant 64 : index
        %get3A_732 = tpu.vector_load %arg16[%get3A_730, %get3A_731] {strides = array<i32>} : memref<320x128xf32, #tpu.memory_space<vmem>>, vector<16xf32>,
        %add3A_733 = arith.addf %add3A_727, %get3A_732 : vector<16xf32>
        %add3A_734 = arith.constant 224 : i32
        %add3A_735 = arith.addi %add3A_734, %scan3A_423 : i32
        %get3A_736 = arith.index_cast %add3A_735 : i32 to index
        %get3A_737 = arith.constant 64 : index
        %get3A_738 = tpu.vector_load %arg16[%get3A_736, %get3A_737] {strides = array<i32>} : memref<320x128xf32, #tpu.memory_space<vmem>>, vector<16xf32>,
        %add3A_739 = arith.addf %add3A_733, %get3A_738 : vector<16xf32>
        %add3A_740 = arith.constant 256 : i32
        %add3A_741 = arith.addi %add3A_740, %scan3A_423 : i32
        %get3A_742 = arith.index_cast %add3A_741 : i32 to index
        %get3A_743 = arith.constant 64 : index
        %get3A_744 = tpu.vector_load %arg16[%get3A_742, %get3A_743] {strides = array<i32>} : memref<320x128xf32, #tpu.memory_space<vmem>>, vector<16xf32>,
        %add3A_745 = arith.addf %add3A_739, %get3A_744 : vector<16xf32>
        %add3A_746 = arith.constant 288 : i32
        %add3A_747 = arith.addi %add3A_746, %scan3A_423 : i32
        %get3A_748 = arith.index_cast %add3A_747 : i32 to index
        %get3A_749 = arith.constant 64 : index
        %get3A_750 = tpu.vector_load %arg16[%get3A_748, %get3A_749] {strides = array<i32>} : memref<320x128xf32, #tpu.memory_space<vmem>>, vector<16xf32>,
        %add3A_751 = arith.addf %add3A_745, %get3A_750 : vector<16xf32>
        %mul3A_752 = arith.mulf %get3A_691, %get3A_694 : vector<16xf32>
        %add3A_753 = arith.addf %add3A_686, %mul3A_752 : vector<16xf32>
        %mul3A_754 = arith.mulf %get3A_691, %add3A_751 : vector<16xf32>
        %add3A_755 = arith.addf %add3A_688, %mul3A_754 : vector<16xf32>
        %get3A_756 = arith.index_cast %scan3A_423 : i32 to index
        %get3A_757 = arith.constant 80 : index
        %get3A_758 = tpu.vector_load %arg12[%get3A_756, %get3A_757] {strides = array<i32>} : memref<32x128xf32, #tpu.memory_space<vmem>>, vector<16xf32>,
        %get3A_759 = arith.index_cast %scan3A_423 : i32 to index
        %get3A_760 = arith.constant 80 : index
        %get3A_761 = tpu.vector_load %arg14[%get3A_759, %get3A_760] {strides = array<i32>} : memref<32x128xf32, #tpu.memory_space<vmem>>, vector<16xf32>,
        %get3A_762 = arith.index_cast %scan3A_423 : i32 to index
        %get3A_763 = arith.constant 80 : index
        %get3A_764 = tpu.vector_load %arg16[%get3A_762, %get3A_763] {strides = array<i32>} : memref<320x128xf32, #tpu.memory_space<vmem>>, vector<16xf32>,
        %add3A_765 = arith.constant 32 : i32
        %add3A_766 = arith.addi %add3A_765, %scan3A_423 : i32
        %get3A_767 = arith.index_cast %add3A_766 : i32 to index
        %get3A_768 = arith.constant 80 : index
        %get3A_769 = tpu.vector_load %arg16[%get3A_767, %get3A_768] {strides = array<i32>} : memref<320x128xf32, #tpu.memory_space<vmem>>, vector<16xf32>,
        %add3A_770 = arith.addf %get3A_764, %get3A_769 : vector<16xf32>
        %add3A_771 = arith.constant 64 : i32
        %add3A_772 = arith.addi %add3A_771, %scan3A_423 : i32
        %get3A_773 = arith.index_cast %add3A_772 : i32 to index
        %get3A_774 = arith.constant 80 : index
        %get3A_775 = tpu.vector_load %arg16[%get3A_773, %get3A_774] {strides = array<i32>} : memref<320x128xf32, #tpu.memory_space<vmem>>, vector<16xf32>,
        %add3A_776 = arith.addf %add3A_770, %get3A_775 : vector<16xf32>
        %add3A_777 = arith.constant 96 : i32
        %add3A_778 = arith.addi %add3A_777, %scan3A_423 : i32
        %get3A_779 = arith.index_cast %add3A_778 : i32 to index
        %get3A_780 = arith.constant 80 : index
        %get3A_781 = tpu.vector_load %arg16[%get3A_779, %get3A_780] {strides = array<i32>} : memref<320x128xf32, #tpu.memory_space<vmem>>, vector<16xf32>,
        %add3A_782 = arith.addf %add3A_776, %get3A_781 : vector<16xf32>
        %add3A_783 = arith.constant 128 : i32
        %add3A_784 = arith.addi %add3A_783, %scan3A_423 : i32
        %get3A_785 = arith.index_cast %add3A_784 : i32 to index
        %get3A_786 = arith.constant 80 : index
        %get3A_787 = tpu.vector_load %arg16[%get3A_785, %get3A_786] {strides = array<i32>} : memref<320x128xf32, #tpu.memory_space<vmem>>, vector<16xf32>,
        %add3A_788 = arith.addf %add3A_782, %get3A_787 : vector<16xf32>
        %add3A_789 = arith.constant 160 : i32
        %add3A_790 = arith.addi %add3A_789, %scan3A_423 : i32
        %get3A_791 = arith.index_cast %add3A_790 : i32 to index
        %get3A_792 = arith.constant 80 : index
        %get3A_793 = tpu.vector_load %arg16[%get3A_791, %get3A_792] {strides = array<i32>} : memref<320x128xf32, #tpu.memory_space<vmem>>, vector<16xf32>,
        %add3A_794 = arith.addf %add3A_788, %get3A_793 : vector<16xf32>
        %add3A_795 = arith.constant 192 : i32
        %add3A_796 = arith.addi %add3A_795, %scan3A_423 : i32
        %get3A_797 = arith.index_cast %add3A_796 : i32 to index
        %get3A_798 = arith.constant 80 : index
        %get3A_799 = tpu.vector_load %arg16[%get3A_797, %get3A_798] {strides = array<i32>} : memref<320x128xf32, #tpu.memory_space<vmem>>, vector<16xf32>,
        %add3A_800 = arith.addf %add3A_794, %get3A_799 : vector<16xf32>
        %add3A_801 = arith.constant 224 : i32
        %add3A_802 = arith.addi %add3A_801, %scan3A_423 : i32
        %get3A_803 = arith.index_cast %add3A_802 : i32 to index
        %get3A_804 = arith.constant 80 : index
        %get3A_805 = tpu.vector_load %arg16[%get3A_803, %get3A_804] {strides = array<i32>} : memref<320x128xf32, #tpu.memory_space<vmem>>, vector<16xf32>,
        %add3A_806 = arith.addf %add3A_800, %get3A_805 : vector<16xf32>
        %add3A_807 = arith.constant 256 : i32
        %add3A_808 = arith.addi %add3A_807, %scan3A_423 : i32
        %get3A_809 = arith.index_cast %add3A_808 : i32 to index
        %get3A_810 = arith.constant 80 : index
        %get3A_811 = tpu.vector_load %arg16[%get3A_809, %get3A_810] {strides = array<i32>} : memref<320x128xf32, #tpu.memory_space<vmem>>, vector<16xf32>,
        %add3A_812 = arith.addf %add3A_806, %get3A_811 : vector<16xf32>
        %add3A_813 = arith.constant 288 : i32
        %add3A_814 = arith.addi %add3A_813, %scan3A_423 : i32
        %get3A_815 = arith.index_cast %add3A_814 : i32 to index
        %get3A_816 = arith.constant 80 : index
        %get3A_817 = tpu.vector_load %arg16[%get3A_815, %get3A_816] {strides = array<i32>} : memref<320x128xf32, #tpu.memory_space<vmem>>, vector<16xf32>,
        %add3A_818 = arith.addf %add3A_812, %get3A_817 : vector<16xf32>
        %mul3A_819 = arith.mulf %get3A_758, %get3A_761 : vector<16xf32>
        %add3A_820 = arith.addf %add3A_753, %mul3A_819 : vector<16xf32>
        %mul3A_821 = arith.mulf %get3A_758, %add3A_818 : vector<16xf32>
        %add3A_822 = arith.addf %add3A_755, %mul3A_821 : vector<16xf32>
        %get3A_823 = arith.index_cast %scan3A_423 : i32 to index
        %get3A_824 = arith.constant 96 : index
        %get3A_825 = tpu.vector_load %arg12[%get3A_823, %get3A_824] {strides = array<i32>} : memref<32x128xf32, #tpu.memory_space<vmem>>, vector<16xf32>,
        %get3A_826 = arith.index_cast %scan3A_423 : i32 to index
        %get3A_827 = arith.constant 96 : index
        %get3A_828 = tpu.vector_load %arg14[%get3A_826, %get3A_827] {strides = array<i32>} : memref<32x128xf32, #tpu.memory_space<vmem>>, vector<16xf32>,
        %get3A_829 = arith.index_cast %scan3A_423 : i32 to index
        %get3A_830 = arith.constant 96 : index
        %get3A_831 = tpu.vector_load %arg16[%get3A_829, %get3A_830] {strides = array<i32>} : memref<320x128xf32, #tpu.memory_space<vmem>>, vector<16xf32>,
        %add3A_832 = arith.constant 32 : i32
        %add3A_833 = arith.addi %add3A_832, %scan3A_423 : i32
        %get3A_834 = arith.index_cast %add3A_833 : i32 to index
        %get3A_835 = arith.constant 96 : index
        %get3A_836 = tpu.vector_load %arg16[%get3A_834, %get3A_835] {strides = array<i32>} : memref<320x128xf32, #tpu.memory_space<vmem>>, vector<16xf32>,
        %add3A_837 = arith.addf %get3A_831, %get3A_836 : vector<16xf32>
        %add3A_838 = arith.constant 64 : i32
        %add3A_839 = arith.addi %add3A_838, %scan3A_423 : i32
        %get3A_840 = arith.index_cast %add3A_839 : i32 to index
        %get3A_841 = arith.constant 96 : index
        %get3A_842 = tpu.vector_load %arg16[%get3A_840, %get3A_841] {strides = array<i32>} : memref<320x128xf32, #tpu.memory_space<vmem>>, vector<16xf32>,
        %add3A_843 = arith.addf %add3A_837, %get3A_842 : vector<16xf32>
        %add3A_844 = arith.constant 96 : i32
        %add3A_845 = arith.addi %add3A_844, %scan3A_423 : i32
        %get3A_846 = arith.index_cast %add3A_845 : i32 to index
        %get3A_847 = arith.constant 96 : index
        %get3A_848 = tpu.vector_load %arg16[%get3A_846, %get3A_847] {strides = array<i32>} : memref<320x128xf32, #tpu.memory_space<vmem>>, vector<16xf32>,
        %add3A_849 = arith.addf %add3A_843, %get3A_848 : vector<16xf32>
        %add3A_850 = arith.constant 128 : i32
        %add3A_851 = arith.addi %add3A_850, %scan3A_423 : i32
        %get3A_852 = arith.index_cast %add3A_851 : i32 to index
        %get3A_853 = arith.constant 96 : index
        %get3A_854 = tpu.vector_load %arg16[%get3A_852, %get3A_853] {strides = array<i32>} : memref<320x128xf32, #tpu.memory_space<vmem>>, vector<16xf32>,
        %add3A_855 = arith.addf %add3A_849, %get3A_854 : vector<16xf32>
        %add3A_856 = arith.constant 160 : i32
        %add3A_857 = arith.addi %add3A_856, %scan3A_423 : i32
        %get3A_858 = arith.index_cast %add3A_857 : i32 to index
        %get3A_859 = arith.constant 96 : index
        %get3A_860 = tpu.vector_load %arg16[%get3A_858, %get3A_859] {strides = array<i32>} : memref<320x128xf32, #tpu.memory_space<vmem>>, vector<16xf32>,
        %add3A_861 = arith.addf %add3A_855, %get3A_860 : vector<16xf32>
        %add3A_862 = arith.constant 192 : i32
        %add3A_863 = arith.addi %add3A_862, %scan3A_423 : i32
        %get3A_864 = arith.index_cast %add3A_863 : i32 to index
        %get3A_865 = arith.constant 96 : index
        %get3A_866 = tpu.vector_load %arg16[%get3A_864, %get3A_865] {strides = array<i32>} : memref<320x128xf32, #tpu.memory_space<vmem>>, vector<16xf32>,
        %add3A_867 = arith.addf %add3A_861, %get3A_866 : vector<16xf32>
        %add3A_868 = arith.constant 224 : i32
        %add3A_869 = arith.addi %add3A_868, %scan3A_423 : i32
        %get3A_870 = arith.index_cast %add3A_869 : i32 to index
        %get3A_871 = arith.constant 96 : index
        %get3A_872 = tpu.vector_load %arg16[%get3A_870, %get3A_871] {strides = array<i32>} : memref<320x128xf32, #tpu.memory_space<vmem>>, vector<16xf32>,
        %add3A_873 = arith.addf %add3A_867, %get3A_872 : vector<16xf32>
        %add3A_874 = arith.constant 256 : i32
        %add3A_875 = arith.addi %add3A_874, %scan3A_423 : i32
        %get3A_876 = arith.index_cast %add3A_875 : i32 to index
        %get3A_877 = arith.constant 96 : index
        %get3A_878 = tpu.vector_load %arg16[%get3A_876, %get3A_877] {strides = array<i32>} : memref<320x128xf32, #tpu.memory_space<vmem>>, vector<16xf32>,
        %add3A_879 = arith.addf %add3A_873, %get3A_878 : vector<16xf32>
        %add3A_880 = arith.constant 288 : i32
        %add3A_881 = arith.addi %add3A_880, %scan3A_423 : i32
        %get3A_882 = arith.index_cast %add3A_881 : i32 to index
        %get3A_883 = arith.constant 96 : index
        %get3A_884 = tpu.vector_load %arg16[%get3A_882, %get3A_883] {strides = array<i32>} : memref<320x128xf32, #tpu.memory_space<vmem>>, vector<16xf32>,
        %add3A_885 = arith.addf %add3A_879, %get3A_884 : vector<16xf32>
        %mul3A_886 = arith.mulf %get3A_825, %get3A_828 : vector<16xf32>
        %add3A_887 = arith.addf %add3A_820, %mul3A_886 : vector<16xf32>
        %mul3A_888 = arith.mulf %get3A_825, %add3A_885 : vector<16xf32>
        %add3A_889 = arith.addf %add3A_822, %mul3A_888 : vector<16xf32>
        %get3A_890 = arith.index_cast %scan3A_423 : i32 to index
        %get3A_891 = arith.constant 112 : index
        %get3A_892 = tpu.vector_load %arg12[%get3A_890, %get3A_891] {strides = array<i32>} : memref<32x128xf32, #tpu.memory_space<vmem>>, vector<16xf32>,
        %get3A_893 = arith.index_cast %scan3A_423 : i32 to index
        %get3A_894 = arith.constant 112 : index
        %get3A_895 = tpu.vector_load %arg14[%get3A_893, %get3A_894] {strides = array<i32>} : memref<32x128xf32, #tpu.memory_space<vmem>>, vector<16xf32>,
        %get3A_896 = arith.index_cast %scan3A_423 : i32 to index
        %get3A_897 = arith.constant 112 : index
        %get3A_898 = tpu.vector_load %arg16[%get3A_896, %get3A_897] {strides = array<i32>} : memref<320x128xf32, #tpu.memory_space<vmem>>, vector<16xf32>,
        %add3A_899 = arith.constant 32 : i32
        %add3A_900 = arith.addi %add3A_899, %scan3A_423 : i32
        %get3A_901 = arith.index_cast %add3A_900 : i32 to index
        %get3A_902 = arith.constant 112 : index
        %get3A_903 = tpu.vector_load %arg16[%get3A_901, %get3A_902] {strides = array<i32>} : memref<320x128xf32, #tpu.memory_space<vmem>>, vector<16xf32>,
        %add3A_904 = arith.addf %get3A_898, %get3A_903 : vector<16xf32>
        %add3A_905 = arith.constant 64 : i32
        %add3A_906 = arith.addi %add3A_905, %scan3A_423 : i32
        %get3A_907 = arith.index_cast %add3A_906 : i32 to index
        %get3A_908 = arith.constant 112 : index
        %get3A_909 = tpu.vector_load %arg16[%get3A_907, %get3A_908] {strides = array<i32>} : memref<320x128xf32, #tpu.memory_space<vmem>>, vector<16xf32>,
        %add3A_910 = arith.addf %add3A_904, %get3A_909 : vector<16xf32>
        %add3A_911 = arith.constant 96 : i32
        %add3A_912 = arith.addi %add3A_911, %scan3A_423 : i32
        %get3A_913 = arith.index_cast %add3A_912 : i32 to index
        %get3A_914 = arith.constant 112 : index
        %get3A_915 = tpu.vector_load %arg16[%get3A_913, %get3A_914] {strides = array<i32>} : memref<320x128xf32, #tpu.memory_space<vmem>>, vector<16xf32>,
        %add3A_916 = arith.addf %add3A_910, %get3A_915 : vector<16xf32>
        %add3A_917 = arith.constant 128 : i32
        %add3A_918 = arith.addi %add3A_917, %scan3A_423 : i32
        %get3A_919 = arith.index_cast %add3A_918 : i32 to index
        %get3A_920 = arith.constant 112 : index
        %get3A_921 = tpu.vector_load %arg16[%get3A_919, %get3A_920] {strides = array<i32>} : memref<320x128xf32, #tpu.memory_space<vmem>>, vector<16xf32>,
        %add3A_922 = arith.addf %add3A_916, %get3A_921 : vector<16xf32>
        %add3A_923 = arith.constant 160 : i32
        %add3A_924 = arith.addi %add3A_923, %scan3A_423 : i32
        %get3A_925 = arith.index_cast %add3A_924 : i32 to index
        %get3A_926 = arith.constant 112 : index
        %get3A_927 = tpu.vector_load %arg16[%get3A_925, %get3A_926] {strides = array<i32>} : memref<320x128xf32, #tpu.memory_space<vmem>>, vector<16xf32>,
        %add3A_928 = arith.addf %add3A_922, %get3A_927 : vector<16xf32>
        %add3A_929 = arith.constant 192 : i32
        %add3A_930 = arith.addi %add3A_929, %scan3A_423 : i32
        %get3A_931 = arith.index_cast %add3A_930 : i32 to index
        %get3A_932 = arith.constant 112 : index
        %get3A_933 = tpu.vector_load %arg16[%get3A_931, %get3A_932] {strides = array<i32>} : memref<320x128xf32, #tpu.memory_space<vmem>>, vector<16xf32>,
        %add3A_934 = arith.addf %add3A_928, %get3A_933 : vector<16xf32>
        %add3A_935 = arith.constant 224 : i32
        %add3A_936 = arith.addi %add3A_935, %scan3A_423 : i32
        %get3A_937 = arith.index_cast %add3A_936 : i32 to index
        %get3A_938 = arith.constant 112 : index
        %get3A_939 = tpu.vector_load %arg16[%get3A_937, %get3A_938] {strides = array<i32>} : memref<320x128xf32, #tpu.memory_space<vmem>>, vector<16xf32>,
        %add3A_940 = arith.addf %add3A_934, %get3A_939 : vector<16xf32>
        %add3A_941 = arith.constant 256 : i32
        %add3A_942 = arith.addi %add3A_941, %scan3A_423 : i32
        %get3A_943 = arith.index_cast %add3A_942 : i32 to index
        %get3A_944 = arith.constant 112 : index
        %get3A_945 = tpu.vector_load %arg16[%get3A_943, %get3A_944] {strides = array<i32>} : memref<320x128xf32, #tpu.memory_space<vmem>>, vector<16xf32>,
        %add3A_946 = arith.addf %add3A_940, %get3A_945 : vector<16xf32>
        %add3A_947 = arith.constant 288 : i32
        %add3A_948 = arith.addi %add3A_947, %scan3A_423 : i32
        %get3A_949 = arith.index_cast %add3A_948 : i32 to index
        %get3A_950 = arith.constant 112 : index
        %get3A_951 = tpu.vector_load %arg16[%get3A_949, %get3A_950] {strides = array<i32>} : memref<320x128xf32, #tpu.memory_space<vmem>>, vector<16xf32>,
        %add3A_952 = arith.addf %add3A_946, %get3A_951 : vector<16xf32>
        %mul3A_953 = arith.mulf %get3A_892, %get3A_895 : vector<16xf32>
        %add3A_954 = arith.addf %add3A_887, %mul3A_953 : vector<16xf32>
        %mul3A_955 = arith.mulf %get3A_892, %add3A_952 : vector<16xf32>
        %add3A_956 = arith.addf %add3A_889, %mul3A_955 : vector<16xf32>
        %swap3A = arith.index_cast %scan3A_423 : i32 to index
        %swap3A_957 = arith.constant 0 : index
        %swap3A_958 = tpu.vector_load %arg18[%swap3A, %swap3A_957] {strides = array<i32>} : memref<32x16xf32, #tpu.memory_space<vmem>>, vector<16xf32>,
        tpu.vector_store %arg18[%swap3A, %swap3A_957], %add3A_954 {strides = array<i32>} : memref<32x16xf32, #tpu.memory_space<vmem>>, vector<16xf32>,
        %swap3A_959 = arith.index_cast %scan3A_423 : i32 to index
        %swap3A_960 = arith.constant 0 : index
        %swap3A_961 = tpu.vector_load %arg19[%swap3A_959, %swap3A_960] {strides = array<i32>} : memref<32x16xf32, #tpu.memory_space<vmem>>, vector<16xf32>,
        tpu.vector_store %arg19[%swap3A_959, %swap3A_960], %add3A_956 {strides = array<i32>} : memref<32x16xf32, #tpu.memory_space<vmem>>, vector<16xf32>,
      }
      %scan3A_281 = arith.constant 32 : i32
      %scan3A_282 = arith.constant 0 : i32
      %scan3A_283 = arith.constant 0 : i32
      %scan3A_284 = arith.constant 2 : i32
      %scan3A_285 = arith.addi %scan3A_283, %scan3A_284 : i32
      %scan3A_286 = arith.constant 1 : i32
      scf.for %scan3A_423 = %scan3A_283 to %scan3A_285 step %scan3A_286  : i32 {
        %mul3A_424 = arith.constant 16 : i32
        %mul3A_425 = arith.muli %scan3A_423, %mul3A_424 : i32
        %add3A_426 = vector.broadcast %mul3A_425 : i32 to vector<16xi32>
        %add3A_427 = arith.addi %add3A_426, %iota3A : vector<16xi32>
        %broadcast_in_dim3A = arith.constant 0 : i32
        %broadcast_in_dim3A_428 = vector.broadcast %broadcast_in_dim3A : i32 to vector<16xi32>
        %gather3A = tpu.vector_load_idx %arg18[%add3A_427, %broadcast_in_dim3A_428] : memref<32x16xf32, #tpu.memory_space<vmem>>[vector<16xi32>, vector<16xi32>], vector<16xf32>,
        %gather3A_429 = tpu.vector_load_idx %arg19[%add3A_427, %broadcast_in_dim3A_428] : memref<32x16xf32, #tpu.memory_space<vmem>>[vector<16xi32>, vector<16xi32>], vector<16xf32>,
        %broadcast_in_dim3A_430 = arith.constant 1 : i32
        %broadcast_in_dim3A_431 = vector.broadcast %broadcast_in_dim3A_430 : i32 to vector<16xi32>
        %gather3A_432 = tpu.vector_load_idx %arg18[%add3A_427, %broadcast_in_dim3A_431] : memref<32x16xf32, #tpu.memory_space<vmem>>[vector<16xi32>, vector<16xi32>], vector<16xf32>,
        %gather3A_433 = tpu.vector_load_idx %arg19[%add3A_427, %broadcast_in_dim3A_431] : memref<32x16xf32, #tpu.memory_space<vmem>>[vector<16xi32>, vector<16xi32>], vector<16xf32>,
        %add3A_434 = arith.addf %gather3A, %gather3A_432 : vector<16xf32>
        %add3A_435 = arith.addf %gather3A_429, %gather3A_433 : vector<16xf32>
        %broadcast_in_dim3A_436 = arith.constant 2 : i32
        %broadcast_in_dim3A_437 = vector.broadcast %broadcast_in_dim3A_436 : i32 to vector<16xi32>
        %gather3A_438 = tpu.vector_load_idx %arg18[%add3A_427, %broadcast_in_dim3A_437] : memref<32x16xf32, #tpu.memory_space<vmem>>[vector<16xi32>, vector<16xi32>], vector<16xf32>,
        %gather3A_439 = tpu.vector_load_idx %arg19[%add3A_427, %broadcast_in_dim3A_437] : memref<32x16xf32, #tpu.memory_space<vmem>>[vector<16xi32>, vector<16xi32>], vector<16xf32>,
        %add3A_440 = arith.addf %add3A_434, %gather3A_438 : vector<16xf32>
        %add3A_441 = arith.addf %add3A_435, %gather3A_439 : vector<16xf32>
        %broadcast_in_dim3A_442 = arith.constant 3 : i32
        %broadcast_in_dim3A_443 = vector.broadcast %broadcast_in_dim3A_442 : i32 to vector<16xi32>
        %gather3A_444 = tpu.vector_load_idx %arg18[%add3A_427, %broadcast_in_dim3A_443] : memref<32x16xf32, #tpu.memory_space<vmem>>[vector<16xi32>, vector<16xi32>], vector<16xf32>,
        %gather3A_445 = tpu.vector_load_idx %arg19[%add3A_427, %broadcast_in_dim3A_443] : memref<32x16xf32, #tpu.memory_space<vmem>>[vector<16xi32>, vector<16xi32>], vector<16xf32>,
        %add3A_446 = arith.addf %add3A_440, %gather3A_444 : vector<16xf32>
        %add3A_447 = arith.addf %add3A_441, %gather3A_445 : vector<16xf32>
        %broadcast_in_dim3A_448 = arith.constant 4 : i32
        %broadcast_in_dim3A_449 = vector.broadcast %broadcast_in_dim3A_448 : i32 to vector<16xi32>
        %gather3A_450 = tpu.vector_load_idx %arg18[%add3A_427, %broadcast_in_dim3A_449] : memref<32x16xf32, #tpu.memory_space<vmem>>[vector<16xi32>, vector<16xi32>], vector<16xf32>,
        %gather3A_451 = tpu.vector_load_idx %arg19[%add3A_427, %broadcast_in_dim3A_449] : memref<32x16xf32, #tpu.memory_space<vmem>>[vector<16xi32>, vector<16xi32>], vector<16xf32>,
        %add3A_452 = arith.addf %add3A_446, %gather3A_450 : vector<16xf32>
        %add3A_453 = arith.addf %add3A_447, %gather3A_451 : vector<16xf32>
        %broadcast_in_dim3A_454 = arith.constant 5 : i32
        %broadcast_in_dim3A_455 = vector.broadcast %broadcast_in_dim3A_454 : i32 to vector<16xi32>
        %gather3A_456 = tpu.vector_load_idx %arg18[%add3A_427, %broadcast_in_dim3A_455] : memref<32x16xf32, #tpu.memory_space<vmem>>[vector<16xi32>, vector<16xi32>], vector<16xf32>,
        %gather3A_457 = tpu.vector_load_idx %arg19[%add3A_427, %broadcast_in_dim3A_455] : memref<32x16xf32, #tpu.memory_space<vmem>>[vector<16xi32>, vector<16xi32>], vector<16xf32>,
        %add3A_458 = arith.addf %add3A_452, %gather3A_456 : vector<16xf32>
        %add3A_459 = arith.addf %add3A_453, %gather3A_457 : vector<16xf32>
        %broadcast_in_dim3A_460 = arith.constant 6 : i32
        %broadcast_in_dim3A_461 = vector.broadcast %broadcast_in_dim3A_460 : i32 to vector<16xi32>
        %gather3A_462 = tpu.vector_load_idx %arg18[%add3A_427, %broadcast_in_dim3A_461] : memref<32x16xf32, #tpu.memory_space<vmem>>[vector<16xi32>, vector<16xi32>], vector<16xf32>,
        %gather3A_463 = tpu.vector_load_idx %arg19[%add3A_427, %broadcast_in_dim3A_461] : memref<32x16xf32, #tpu.memory_space<vmem>>[vector<16xi32>, vector<16xi32>], vector<16xf32>,
        %add3A_464 = arith.addf %add3A_458, %gather3A_462 : vector<16xf32>
        %add3A_465 = arith.addf %add3A_459, %gather3A_463 : vector<16xf32>
        %broadcast_in_dim3A_466 = arith.constant 7 : i32
        %broadcast_in_dim3A_467 = vector.broadcast %broadcast_in_dim3A_466 : i32 to vector<16xi32>
        %gather3A_468 = tpu.vector_load_idx %arg18[%add3A_427, %broadcast_in_dim3A_467] : memref<32x16xf32, #tpu.memory_space<vmem>>[vector<16xi32>, vector<16xi32>], vector<16xf32>,
        %gather3A_469 = tpu.vector_load_idx %arg19[%add3A_427, %broadcast_in_dim3A_467] : memref<32x16xf32, #tpu.memory_space<vmem>>[vector<16xi32>, vector<16xi32>], vector<16xf32>,
        %add3A_470 = arith.addf %add3A_464, %gather3A_468 : vector<16xf32>
        %add3A_471 = arith.addf %add3A_465, %gather3A_469 : vector<16xf32>
        %broadcast_in_dim3A_472 = arith.constant 8 : i32
        %broadcast_in_dim3A_473 = vector.broadcast %broadcast_in_dim3A_472 : i32 to vector<16xi32>
        %gather3A_474 = tpu.vector_load_idx %arg18[%add3A_427, %broadcast_in_dim3A_473] : memref<32x16xf32, #tpu.memory_space<vmem>>[vector<16xi32>, vector<16xi32>], vector<16xf32>,
        %gather3A_475 = tpu.vector_load_idx %arg19[%add3A_427, %broadcast_in_dim3A_473] : memref<32x16xf32, #tpu.memory_space<vmem>>[vector<16xi32>, vector<16xi32>], vector<16xf32>,
        %add3A_476 = arith.addf %add3A_470, %gather3A_474 : vector<16xf32>
        %add3A_477 = arith.addf %add3A_471, %gather3A_475 : vector<16xf32>
        %broadcast_in_dim3A_478 = arith.constant 9 : i32
        %broadcast_in_dim3A_479 = vector.broadcast %broadcast_in_dim3A_478 : i32 to vector<16xi32>
        %gather3A_480 = tpu.vector_load_idx %arg18[%add3A_427, %broadcast_in_dim3A_479] : memref<32x16xf32, #tpu.memory_space<vmem>>[vector<16xi32>, vector<16xi32>], vector<16xf32>,
        %gather3A_481 = tpu.vector_load_idx %arg19[%add3A_427, %broadcast_in_dim3A_479] : memref<32x16xf32, #tpu.memory_space<vmem>>[vector<16xi32>, vector<16xi32>], vector<16xf32>,
        %add3A_482 = arith.addf %add3A_476, %gather3A_480 : vector<16xf32>
        %add3A_483 = arith.addf %add3A_477, %gather3A_481 : vector<16xf32>
        %broadcast_in_dim3A_484 = arith.constant 10 : i32
        %broadcast_in_dim3A_485 = vector.broadcast %broadcast_in_dim3A_484 : i32 to vector<16xi32>
        %gather3A_486 = tpu.vector_load_idx %arg18[%add3A_427, %broadcast_in_dim3A_485] : memref<32x16xf32, #tpu.memory_space<vmem>>[vector<16xi32>, vector<16xi32>], vector<16xf32>,
        %gather3A_487 = tpu.vector_load_idx %arg19[%add3A_427, %broadcast_in_dim3A_485] : memref<32x16xf32, #tpu.memory_space<vmem>>[vector<16xi32>, vector<16xi32>], vector<16xf32>,
        %add3A_488 = arith.addf %add3A_482, %gather3A_486 : vector<16xf32>
        %add3A_489 = arith.addf %add3A_483, %gather3A_487 : vector<16xf32>
        %broadcast_in_dim3A_490 = arith.constant 11 : i32
        %broadcast_in_dim3A_491 = vector.broadcast %broadcast_in_dim3A_490 : i32 to vector<16xi32>
        %gather3A_492 = tpu.vector_load_idx %arg18[%add3A_427, %broadcast_in_dim3A_491] : memref<32x16xf32, #tpu.memory_space<vmem>>[vector<16xi32>, vector<16xi32>], vector<16xf32>,
        %gather3A_493 = tpu.vector_load_idx %arg19[%add3A_427, %broadcast_in_dim3A_491] : memref<32x16xf32, #tpu.memory_space<vmem>>[vector<16xi32>, vector<16xi32>], vector<16xf32>,
        %add3A_494 = arith.addf %add3A_488, %gather3A_492 : vector<16xf32>
        %add3A_495 = arith.addf %add3A_489, %gather3A_493 : vector<16xf32>
        %broadcast_in_dim3A_496 = arith.constant 12 : i32
        %broadcast_in_dim3A_497 = vector.broadcast %broadcast_in_dim3A_496 : i32 to vector<16xi32>
        %gather3A_498 = tpu.vector_load_idx %arg18[%add3A_427, %broadcast_in_dim3A_497] : memref<32x16xf32, #tpu.memory_space<vmem>>[vector<16xi32>, vector<16xi32>], vector<16xf32>,
        %gather3A_499 = tpu.vector_load_idx %arg19[%add3A_427, %broadcast_in_dim3A_497] : memref<32x16xf32, #tpu.memory_space<vmem>>[vector<16xi32>, vector<16xi32>], vector<16xf32>,
        %add3A_500 = arith.addf %add3A_494, %gather3A_498 : vector<16xf32>
        %add3A_501 = arith.addf %add3A_495, %gather3A_499 : vector<16xf32>
        %broadcast_in_dim3A_502 = arith.constant 13 : i32
        %broadcast_in_dim3A_503 = vector.broadcast %broadcast_in_dim3A_502 : i32 to vector<16xi32>
        %gather3A_504 = tpu.vector_load_idx %arg18[%add3A_427, %broadcast_in_dim3A_503] : memref<32x16xf32, #tpu.memory_space<vmem>>[vector<16xi32>, vector<16xi32>], vector<16xf32>,
        %gather3A_505 = tpu.vector_load_idx %arg19[%add3A_427, %broadcast_in_dim3A_503] : memref<32x16xf32, #tpu.memory_space<vmem>>[vector<16xi32>, vector<16xi32>], vector<16xf32>,
        %add3A_506 = arith.addf %add3A_500, %gather3A_504 : vector<16xf32>
        %add3A_507 = arith.addf %add3A_501, %gather3A_505 : vector<16xf32>
        %broadcast_in_dim3A_508 = arith.constant 14 : i32
        %broadcast_in_dim3A_509 = vector.broadcast %broadcast_in_dim3A_508 : i32 to vector<16xi32>
        %gather3A_510 = tpu.vector_load_idx %arg18[%add3A_427, %broadcast_in_dim3A_509] : memref<32x16xf32, #tpu.memory_space<vmem>>[vector<16xi32>, vector<16xi32>], vector<16xf32>,
        %gather3A_511 = tpu.vector_load_idx %arg19[%add3A_427, %broadcast_in_dim3A_509] : memref<32x16xf32, #tpu.memory_space<vmem>>[vector<16xi32>, vector<16xi32>], vector<16xf32>,
        %add3A_512 = arith.addf %add3A_506, %gather3A_510 : vector<16xf32>
        %add3A_513 = arith.addf %add3A_507, %gather3A_511 : vector<16xf32>
        %broadcast_in_dim3A_514 = arith.constant 15 : i32
        %broadcast_in_dim3A_515 = vector.broadcast %broadcast_in_dim3A_514 : i32 to vector<16xi32>
        %gather3A_516 = tpu.vector_load_idx %arg18[%add3A_427, %broadcast_in_dim3A_515] : memref<32x16xf32, #tpu.memory_space<vmem>>[vector<16xi32>, vector<16xi32>], vector<16xf32>,
        %gather3A_517 = tpu.vector_load_idx %arg19[%add3A_427, %broadcast_in_dim3A_515] : memref<32x16xf32, #tpu.memory_space<vmem>>[vector<16xi32>, vector<16xi32>], vector<16xf32>,
        %add3A_518 = arith.addf %add3A_512, %gather3A_516 : vector<16xf32>
        %add3A_519 = arith.addf %add3A_513, %gather3A_517 : vector<16xf32>
        %mul3A_520 = arith.constant 16 : i32
        %mul3A_521 = arith.muli %scan3A_423, %mul3A_520 : i32
        %multiple_of3A_522 = tpu.assume_multiple %mul3A_521, 16 : i32
        %swap3A = arith.index_cast %multiple_of3A_522 : i32 to index
        %swap3A_523 = tpu.vector_load %arg20[%swap3A] {strides = array<i32>} : memref<32xf32, #tpu.memory_space<vmem>>, vector<16xf32>,
        tpu.vector_store %arg20[%swap3A], %add3A_518 {strides = array<i32>} : memref<32xf32, #tpu.memory_space<vmem>>, vector<16xf32>,
        %swap3A_524 = arith.index_cast %multiple_of3A_522 : i32 to index
        %swap3A_525 = tpu.vector_load %arg21[%swap3A_524] {strides = array<i32>} : memref<32xf32, #tpu.memory_space<vmem>>, vector<16xf32>,
        tpu.vector_store %arg21[%swap3A_524], %add3A_519 {strides = array<i32>} : memref<32xf32, #tpu.memory_space<vmem>>, vector<16xf32>,
      }
      %scan3A_287 = arith.constant 2 : i32
      "tpu.region"() ({
        %run_scoped3A_423 = tpu.sem_alloc : memref<!tpu.dma_semaphore, #tpu.memory_space<semaphore_mem>>
        %dma_start3A_424 = tpu.memref_slice %arg7[%add3A_275] : memref<16384xf32, #tpu.memory_space<hbm>> -> memref<32xf32, #tpu.memory_space<hbm>>
        %dma_start3A_425 = tpu.memref_slice %arg7[%add3A_275] : memref<16384xf32, #tpu.memory_space<hbm>> -> memref<32xf32, #tpu.memory_space<hbm>>
        tpu.enqueue_dma source(%arg20 : memref<32xf32, #tpu.memory_space<vmem>>) target(%dma_start3A_425 : memref<32xf32, #tpu.memory_space<hbm>>) target_semaphore(%run_scoped3A_423 : memref<!tpu.dma_semaphore, #tpu.memory_space<semaphore_mem>>)
        %dma_wait3A_426 = tpu.memref_slice %arg7[%add3A_275] : memref<16384xf32, #tpu.memory_space<hbm>> -> memref<32xf32, #tpu.memory_space<hbm>>
        %dma_wait3A_427 = tpu.memref_slice %arg7[%add3A_275] : memref<16384xf32, #tpu.memory_space<hbm>> -> memref<32xf32, #tpu.memory_space<hbm>>
        tpu.wait_dma2 semaphore(%run_scoped3A_423 : memref<!tpu.dma_semaphore, #tpu.memory_space<semaphore_mem>>) src(%arg20 : memref<32xf32, #tpu.memory_space<vmem>>) dst(%dma_wait3A_427 : memref<32xf32, #tpu.memory_space<hbm>>)
        tpu.yield
      }) : () -> ()
      "tpu.region"() ({
        %run_scoped3A_423 = tpu.sem_alloc : memref<!tpu.dma_semaphore, #tpu.memory_space<semaphore_mem>>
        %dma_start3A_424 = tpu.memref_slice %arg8[%add3A_275] : memref<16384xf32, #tpu.memory_space<hbm>> -> memref<32xf32, #tpu.memory_space<hbm>>
        %dma_start3A_425 = tpu.memref_slice %arg8[%add3A_275] : memref<16384xf32, #tpu.memory_space<hbm>> -> memref<32xf32, #tpu.memory_space<hbm>>
        tpu.enqueue_dma source(%arg21 : memref<32xf32, #tpu.memory_space<vmem>>) target(%dma_start3A_425 : memref<32xf32, #tpu.memory_space<hbm>>) target_semaphore(%run_scoped3A_423 : memref<!tpu.dma_semaphore, #tpu.memory_space<semaphore_mem>>)
        %dma_wait3A_426 = tpu.memref_slice %arg8[%add3A_275] : memref<16384xf32, #tpu.memory_space<hbm>> -> memref<32xf32, #tpu.memory_space<hbm>>
        %dma_wait3A_427 = tpu.memref_slice %arg8[%add3A_275] : memref<16384xf32, #tpu.memory_space<hbm>> -> memref<32xf32, #tpu.memory_space<hbm>>
        tpu.wait_dma2 semaphore(%run_scoped3A_423 : memref<!tpu.dma_semaphore, #tpu.memory_space<semaphore_mem>>) src(%arg21 : memref<32xf32, #tpu.memory_space<vmem>>) dst(%dma_wait3A_427 : memref<32xf32, #tpu.memory_space<hbm>>)
        tpu.yield
      }) : () -> ()
      %add3A_288 = arith.constant 64 : i32
      %add3A_289 = arith.addi %multiple_of3A_156, %add3A_288 : i32
      %min3A = arith.constant 480 : i32
      %min3A_290 = arith.minsi %add3A_289, %min3A : i32
      %multiple_of3A_291 = tpu.assume_multiple %min3A_290, 32 : i32
      %dma_start3A_292 = tpu.memref_slice %arg9[%multiple_of3A_291] : memref<512xi32, #tpu.memory_space<vmem>> -> memref<32xi32, #tpu.memory_space<vmem>>
      %dma_start3A_293 = arith.constant 0 : i32
      %dma_start3A_294 = arith.constant 0 : i32
      %dma_start3A_295 = tpu.memref_slice %arg5[%dma_start3A_293, %dma_start3A_294] : memref<100000x128xf32, #tpu.memory_space<hbm>> -> memref<100000x128xf32, #tpu.memory_space<hbm>>
      tpu.enqueue_indirect_dma source(%dma_start3A_295 : memref<100000x128xf32, #tpu.memory_space<hbm>>) target(%arg12 : memref<32x128xf32, #tpu.memory_space<vmem>>) offsets(%dma_start3A_292 : memref<32xi32, #tpu.memory_space<vmem>>) semaphore(%arg22 : memref<!tpu.dma_semaphore, #tpu.memory_space<semaphore_mem>>)
      %dma_start3A_296 = tpu.memref_slice %arg10[%multiple_of3A_291] : memref<512xi32, #tpu.memory_space<vmem>> -> memref<32xi32, #tpu.memory_space<vmem>>
      %dma_start3A_297 = arith.constant 0 : i32
      %dma_start3A_298 = arith.constant 0 : i32
      %dma_start3A_299 = tpu.memref_slice %arg6[%dma_start3A_297, %dma_start3A_298] : memref<100000x128xf32, #tpu.memory_space<hbm>> -> memref<100000x128xf32, #tpu.memory_space<hbm>>
      tpu.enqueue_indirect_dma source(%dma_start3A_299 : memref<100000x128xf32, #tpu.memory_space<hbm>>) target(%arg14 : memref<32x128xf32, #tpu.memory_space<vmem>>) offsets(%dma_start3A_296 : memref<32xi32, #tpu.memory_space<vmem>>) semaphore(%arg22 : memref<!tpu.dma_semaphore, #tpu.memory_space<semaphore_mem>>)
      %dma_start3A_300 = arith.constant 0 : i32
      %dma_start3A_301 = arith.constant 0 : i32
      %dma_start3A_302 = arith.constant 0 : i32
      %dma_start3A_303 = tpu.memref_slice %arg16[%dma_start3A_301, %dma_start3A_302] : memref<320x128xf32, #tpu.memory_space<vmem>> -> memref<32x128xf32, #tpu.memory_space<vmem>>
      %dma_start3A_304 = tpu.memref_slice %arg11[%dma_start3A_300, %multiple_of3A_291] : memref<10x512xi32, #tpu.memory_space<vmem>> -> memref<1x32xi32, #tpu.memory_space<vmem>>
      %dma_start3A_305 = tpu.memref_squeeze %dma_start3A_304 : memref<1x32xi32, #tpu.memory_space<vmem>> -> memref<32xi32, #tpu.memory_space<vmem>>
      %dma_start3A_306 = arith.constant 0 : i32
      %dma_start3A_307 = arith.constant 0 : i32
      %dma_start3A_308 = tpu.memref_slice %arg6[%dma_start3A_306, %dma_start3A_307] : memref<100000x128xf32, #tpu.memory_space<hbm>> -> memref<100000x128xf32, #tpu.memory_space<hbm>>
      tpu.enqueue_indirect_dma source(%dma_start3A_308 : memref<100000x128xf32, #tpu.memory_space<hbm>>) target(%dma_start3A_303 : memref<32x128xf32, #tpu.memory_space<vmem>>) offsets(%dma_start3A_305 : memref<32xi32, #tpu.memory_space<vmem>>) semaphore(%arg22 : memref<!tpu.dma_semaphore, #tpu.memory_space<semaphore_mem>>)
      %dma_start3A_309 = arith.constant 1 : i32
      %dma_start3A_310 = arith.constant 32 : i32
      %dma_start3A_311 = arith.constant 0 : i32
      %dma_start3A_312 = tpu.memref_slice %arg16[%dma_start3A_310, %dma_start3A_311] : memref<320x128xf32, #tpu.memory_space<vmem>> -> memref<32x128xf32, #tpu.memory_space<vmem>>
      %dma_start3A_313 = tpu.memref_slice %arg11[%dma_start3A_309, %multiple_of3A_291] : memref<10x512xi32, #tpu.memory_space<vmem>> -> memref<1x32xi32, #tpu.memory_space<vmem>>
      %dma_start3A_314 = tpu.memref_squeeze %dma_start3A_313 : memref<1x32xi32, #tpu.memory_space<vmem>> -> memref<32xi32, #tpu.memory_space<vmem>>
      %dma_start3A_315 = arith.constant 0 : i32
      %dma_start3A_316 = arith.constant 0 : i32
      %dma_start3A_317 = tpu.memref_slice %arg6[%dma_start3A_315, %dma_start3A_316] : memref<100000x128xf32, #tpu.memory_space<hbm>> -> memref<100000x128xf32, #tpu.memory_space<hbm>>
      tpu.enqueue_indirect_dma source(%dma_start3A_317 : memref<100000x128xf32, #tpu.memory_space<hbm>>) target(%dma_start3A_312 : memref<32x128xf32, #tpu.memory_space<vmem>>) offsets(%dma_start3A_314 : memref<32xi32, #tpu.memory_space<vmem>>) semaphore(%arg22 : memref<!tpu.dma_semaphore, #tpu.memory_space<semaphore_mem>>)
      %dma_start3A_318 = arith.constant 2 : i32
      %dma_start3A_319 = arith.constant 64 : i32
      %dma_start3A_320 = arith.constant 0 : i32
      %dma_start3A_321 = tpu.memref_slice %arg16[%dma_start3A_319, %dma_start3A_320] : memref<320x128xf32, #tpu.memory_space<vmem>> -> memref<32x128xf32, #tpu.memory_space<vmem>>
      %dma_start3A_322 = tpu.memref_slice %arg11[%dma_start3A_318, %multiple_of3A_291] : memref<10x512xi32, #tpu.memory_space<vmem>> -> memref<1x32xi32, #tpu.memory_space<vmem>>
      %dma_start3A_323 = tpu.memref_squeeze %dma_start3A_322 : memref<1x32xi32, #tpu.memory_space<vmem>> -> memref<32xi32, #tpu.memory_space<vmem>>
      %dma_start3A_324 = arith.constant 0 : i32
      %dma_start3A_325 = arith.constant 0 : i32
      %dma_start3A_326 = tpu.memref_slice %arg6[%dma_start3A_324, %dma_start3A_325] : memref<100000x128xf32, #tpu.memory_space<hbm>> -> memref<100000x128xf32, #tpu.memory_space<hbm>>
      tpu.enqueue_indirect_dma source(%dma_start3A_326 : memref<100000x128xf32, #tpu.memory_space<hbm>>) target(%dma_start3A_321 : memref<32x128xf32, #tpu.memory_space<vmem>>) offsets(%dma_start3A_323 : memref<32xi32, #tpu.memory_space<vmem>>) semaphore(%arg22 : memref<!tpu.dma_semaphore, #tpu.memory_space<semaphore_mem>>)
      %dma_start3A_327 = arith.constant 3 : i32
      %dma_start3A_328 = arith.constant 96 : i32
      %dma_start3A_329 = arith.constant 0 : i32
      %dma_start3A_330 = tpu.memref_slice %arg16[%dma_start3A_328, %dma_start3A_329] : memref<320x128xf32, #tpu.memory_space<vmem>> -> memref<32x128xf32, #tpu.memory_space<vmem>>
      %dma_start3A_331 = tpu.memref_slice %arg11[%dma_start3A_327, %multiple_of3A_291] : memref<10x512xi32, #tpu.memory_space<vmem>> -> memref<1x32xi32, #tpu.memory_space<vmem>>
      %dma_start3A_332 = tpu.memref_squeeze %dma_start3A_331 : memref<1x32xi32, #tpu.memory_space<vmem>> -> memref<32xi32, #tpu.memory_space<vmem>>
      %dma_start3A_333 = arith.constant 0 : i32
      %dma_start3A_334 = arith.constant 0 : i32
      %dma_start3A_335 = tpu.memref_slice %arg6[%dma_start3A_333, %dma_start3A_334] : memref<100000x128xf32, #tpu.memory_space<hbm>> -> memref<100000x128xf32, #tpu.memory_space<hbm>>
      tpu.enqueue_indirect_dma source(%dma_start3A_335 : memref<100000x128xf32, #tpu.memory_space<hbm>>) target(%dma_start3A_330 : memref<32x128xf32, #tpu.memory_space<vmem>>) offsets(%dma_start3A_332 : memref<32xi32, #tpu.memory_space<vmem>>) semaphore(%arg22 : memref<!tpu.dma_semaphore, #tpu.memory_space<semaphore_mem>>)
      %dma_start3A_336 = arith.constant 4 : i32
      %dma_start3A_337 = arith.constant 128 : i32
      %dma_start3A_338 = arith.constant 0 : i32
      %dma_start3A_339 = tpu.memref_slice %arg16[%dma_start3A_337, %dma_start3A_338] : memref<320x128xf32, #tpu.memory_space<vmem>> -> memref<32x128xf32, #tpu.memory_space<vmem>>
      %dma_start3A_340 = tpu.memref_slice %arg11[%dma_start3A_336, %multiple_of3A_291] : memref<10x512xi32, #tpu.memory_space<vmem>> -> memref<1x32xi32, #tpu.memory_space<vmem>>
      %dma_start3A_341 = tpu.memref_squeeze %dma_start3A_340 : memref<1x32xi32, #tpu.memory_space<vmem>> -> memref<32xi32, #tpu.memory_space<vmem>>
      %dma_start3A_342 = arith.constant 0 : i32
      %dma_start3A_343 = arith.constant 0 : i32
      %dma_start3A_344 = tpu.memref_slice %arg6[%dma_start3A_342, %dma_start3A_343] : memref<100000x128xf32, #tpu.memory_space<hbm>> -> memref<100000x128xf32, #tpu.memory_space<hbm>>
      tpu.enqueue_indirect_dma source(%dma_start3A_344 : memref<100000x128xf32, #tpu.memory_space<hbm>>) target(%dma_start3A_339 : memref<32x128xf32, #tpu.memory_space<vmem>>) offsets(%dma_start3A_341 : memref<32xi32, #tpu.memory_space<vmem>>) semaphore(%arg22 : memref<!tpu.dma_semaphore, #tpu.memory_space<semaphore_mem>>)
      %dma_start3A_345 = arith.constant 5 : i32
      %dma_start3A_346 = arith.constant 160 : i32
      %dma_start3A_347 = arith.constant 0 : i32
      %dma_start3A_348 = tpu.memref_slice %arg16[%dma_start3A_346, %dma_start3A_347] : memref<320x128xf32, #tpu.memory_space<vmem>> -> memref<32x128xf32, #tpu.memory_space<vmem>>
      %dma_start3A_349 = tpu.memref_slice %arg11[%dma_start3A_345, %multiple_of3A_291] : memref<10x512xi32, #tpu.memory_space<vmem>> -> memref<1x32xi32, #tpu.memory_space<vmem>>
      %dma_start3A_350 = tpu.memref_squeeze %dma_start3A_349 : memref<1x32xi32, #tpu.memory_space<vmem>> -> memref<32xi32, #tpu.memory_space<vmem>>
      %dma_start3A_351 = arith.constant 0 : i32
      %dma_start3A_352 = arith.constant 0 : i32
      %dma_start3A_353 = tpu.memref_slice %arg6[%dma_start3A_351, %dma_start3A_352] : memref<100000x128xf32, #tpu.memory_space<hbm>> -> memref<100000x128xf32, #tpu.memory_space<hbm>>
      tpu.enqueue_indirect_dma source(%dma_start3A_353 : memref<100000x128xf32, #tpu.memory_space<hbm>>) target(%dma_start3A_348 : memref<32x128xf32, #tpu.memory_space<vmem>>) offsets(%dma_start3A_350 : memref<32xi32, #tpu.memory_space<vmem>>) semaphore(%arg22 : memref<!tpu.dma_semaphore, #tpu.memory_space<semaphore_mem>>)
      %dma_start3A_354 = arith.constant 6 : i32
      %dma_start3A_355 = arith.constant 192 : i32
      %dma_start3A_356 = arith.constant 0 : i32
      %dma_start3A_357 = tpu.memref_slice %arg16[%dma_start3A_355, %dma_start3A_356] : memref<320x128xf32, #tpu.memory_space<vmem>> -> memref<32x128xf32, #tpu.memory_space<vmem>>
      %dma_start3A_358 = tpu.memref_slice %arg11[%dma_start3A_354, %multiple_of3A_291] : memref<10x512xi32, #tpu.memory_space<vmem>> -> memref<1x32xi32, #tpu.memory_space<vmem>>
      %dma_start3A_359 = tpu.memref_squeeze %dma_start3A_358 : memref<1x32xi32, #tpu.memory_space<vmem>> -> memref<32xi32, #tpu.memory_space<vmem>>
      %dma_start3A_360 = arith.constant 0 : i32
      %dma_start3A_361 = arith.constant 0 : i32
      %dma_start3A_362 = tpu.memref_slice %arg6[%dma_start3A_360, %dma_start3A_361] : memref<100000x128xf32, #tpu.memory_space<hbm>> -> memref<100000x128xf32, #tpu.memory_space<hbm>>
      tpu.enqueue_indirect_dma source(%dma_start3A_362 : memref<100000x128xf32, #tpu.memory_space<hbm>>) target(%dma_start3A_357 : memref<32x128xf32, #tpu.memory_space<vmem>>) offsets(%dma_start3A_359 : memref<32xi32, #tpu.memory_space<vmem>>) semaphore(%arg22 : memref<!tpu.dma_semaphore, #tpu.memory_space<semaphore_mem>>)
      %dma_start3A_363 = arith.constant 7 : i32
      %dma_start3A_364 = arith.constant 224 : i32
      %dma_start3A_365 = arith.constant 0 : i32
      %dma_start3A_366 = tpu.memref_slice %arg16[%dma_start3A_364, %dma_start3A_365] : memref<320x128xf32, #tpu.memory_space<vmem>> -> memref<32x128xf32, #tpu.memory_space<vmem>>
      %dma_start3A_367 = tpu.memref_slice %arg11[%dma_start3A_363, %multiple_of3A_291] : memref<10x512xi32, #tpu.memory_space<vmem>> -> memref<1x32xi32, #tpu.memory_space<vmem>>
      %dma_start3A_368 = tpu.memref_squeeze %dma_start3A_367 : memref<1x32xi32, #tpu.memory_space<vmem>> -> memref<32xi32, #tpu.memory_space<vmem>>
      %dma_start3A_369 = arith.constant 0 : i32
      %dma_start3A_370 = arith.constant 0 : i32
      %dma_start3A_371 = tpu.memref_slice %arg6[%dma_start3A_369, %dma_start3A_370] : memref<100000x128xf32, #tpu.memory_space<hbm>> -> memref<100000x128xf32, #tpu.memory_space<hbm>>
      tpu.enqueue_indirect_dma source(%dma_start3A_371 : memref<100000x128xf32, #tpu.memory_space<hbm>>) target(%dma_start3A_366 : memref<32x128xf32, #tpu.memory_space<vmem>>) offsets(%dma_start3A_368 : memref<32xi32, #tpu.memory_space<vmem>>) semaphore(%arg22 : memref<!tpu.dma_semaphore, #tpu.memory_space<semaphore_mem>>)
      %dma_start3A_372 = arith.constant 8 : i32
      %dma_start3A_373 = arith.constant 256 : i32
      %dma_start3A_374 = arith.constant 0 : i32
      %dma_start3A_375 = tpu.memref_slice %arg16[%dma_start3A_373, %dma_start3A_374] : memref<320x128xf32, #tpu.memory_space<vmem>> -> memref<32x128xf32, #tpu.memory_space<vmem>>
      %dma_start3A_376 = tpu.memref_slice %arg11[%dma_start3A_372, %multiple_of3A_291] : memref<10x512xi32, #tpu.memory_space<vmem>> -> memref<1x32xi32, #tpu.memory_space<vmem>>
      %dma_start3A_377 = tpu.memref_squeeze %dma_start3A_376 : memref<1x32xi32, #tpu.memory_space<vmem>> -> memref<32xi32, #tpu.memory_space<vmem>>
      %dma_start3A_378 = arith.constant 0 : i32
      %dma_start3A_379 = arith.constant 0 : i32
      %dma_start3A_380 = tpu.memref_slice %arg6[%dma_start3A_378, %dma_start3A_379] : memref<100000x128xf32, #tpu.memory_space<hbm>> -> memref<100000x128xf32, #tpu.memory_space<hbm>>
      tpu.enqueue_indirect_dma source(%dma_start3A_380 : memref<100000x128xf32, #tpu.memory_space<hbm>>) target(%dma_start3A_375 : memref<32x128xf32, #tpu.memory_space<vmem>>) offsets(%dma_start3A_377 : memref<32xi32, #tpu.memory_space<vmem>>) semaphore(%arg22 : memref<!tpu.dma_semaphore, #tpu.memory_space<semaphore_mem>>)
      %dma_start3A_381 = arith.constant 9 : i32
      %dma_start3A_382 = arith.constant 288 : i32
      %dma_start3A_383 = arith.constant 0 : i32
      %dma_start3A_384 = tpu.memref_slice %arg16[%dma_start3A_382, %dma_start3A_383] : memref<320x128xf32, #tpu.memory_space<vmem>> -> memref<32x128xf32, #tpu.memory_space<vmem>>
      %dma_start3A_385 = tpu.memref_slice %arg11[%dma_start3A_381, %multiple_of3A_291] : memref<10x512xi32, #tpu.memory_space<vmem>> -> memref<1x32xi32, #tpu.memory_space<vmem>>
      %dma_start3A_386 = tpu.memref_squeeze %dma_start3A_385 : memref<1x32xi32, #tpu.memory_space<vmem>> -> memref<32xi32, #tpu.memory_space<vmem>>
      %dma_start3A_387 = arith.constant 0 : i32
      %dma_start3A_388 = arith.constant 0 : i32
      %dma_start3A_389 = tpu.memref_slice %arg6[%dma_start3A_387, %dma_start3A_388] : memref<100000x128xf32, #tpu.memory_space<hbm>> -> memref<100000x128xf32, #tpu.memory_space<hbm>>
      tpu.enqueue_indirect_dma source(%dma_start3A_389 : memref<100000x128xf32, #tpu.memory_space<hbm>>) target(%dma_start3A_384 : memref<32x128xf32, #tpu.memory_space<vmem>>) offsets(%dma_start3A_386 : memref<32xi32, #tpu.memory_space<vmem>>) semaphore(%arg22 : memref<!tpu.dma_semaphore, #tpu.memory_space<semaphore_mem>>)
      %dma_wait3A_390 = arith.constant 0 : i32
      %dma_wait3A_391 = arith.constant 0 : i32
      %dma_wait3A_392 = tpu.memref_slice %arg5[%dma_wait3A_390, %dma_wait3A_391] : memref<100000x128xf32, #tpu.memory_space<hbm>> -> memref<32x128xf32, #tpu.memory_space<hbm>>
      %dma_wait3A_393 = arith.constant 0 : i32
      %dma_wait3A_394 = arith.constant 0 : i32
      %dma_wait3A_395 = tpu.memref_slice %arg5[%dma_wait3A_393, %dma_wait3A_394] : memref<100000x128xf32, #tpu.memory_space<hbm>> -> memref<32x128xf32, #tpu.memory_space<hbm>>
      tpu.wait_dma2 semaphore(%arg23 : memref<!tpu.dma_semaphore, #tpu.memory_space<semaphore_mem>>) src(%dma_wait3A_395 : memref<32x128xf32, #tpu.memory_space<hbm>>) dst(%arg13 : memref<32x128xf32, #tpu.memory_space<vmem>>)
      %dma_wait3A_396 = arith.constant 0 : i32
      %dma_wait3A_397 = arith.constant 0 : i32
      %dma_wait3A_398 = tpu.memref_slice %arg6[%dma_wait3A_396, %dma_wait3A_397] : memref<100000x128xf32, #tpu.memory_space<hbm>> -> memref<32x128xf32, #tpu.memory_space<hbm>>
      %dma_wait3A_399 = arith.constant 0 : i32
      %dma_wait3A_400 = arith.constant 0 : i32
      %dma_wait3A_401 = tpu.memref_slice %arg6[%dma_wait3A_399, %dma_wait3A_400] : memref<100000x128xf32, #tpu.memory_space<hbm>> -> memref<32x128xf32, #tpu.memory_space<hbm>>
      tpu.wait_dma2 semaphore(%arg23 : memref<!tpu.dma_semaphore, #tpu.memory_space<semaphore_mem>>) src(%dma_wait3A_401 : memref<32x128xf32, #tpu.memory_space<hbm>>) dst(%arg15 : memref<32x128xf32, #tpu.memory_space<vmem>>)
      %dma_wait3A_402 = arith.constant 0 : i32
      %dma_wait3A_403 = arith.constant 0 : i32
      %dma_wait3A_404 = tpu.memref_slice %arg6[%dma_wait3A_402, %dma_wait3A_403] : memref<100000x128xf32, #tpu.memory_space<hbm>> -> memref<320x128xf32, #tpu.memory_space<hbm>>
      %dma_wait3A_405 = arith.constant 0 : i32
      %dma_wait3A_406 = arith.constant 0 : i32
      %dma_wait3A_407 = tpu.memref_slice %arg6[%dma_wait3A_405, %dma_wait3A_406] : memref<100000x128xf32, #tpu.memory_space<hbm>> -> memref<320x128xf32, #tpu.memory_space<hbm>>
      tpu.wait_dma2 semaphore(%arg23 : memref<!tpu.dma_semaphore, #tpu.memory_space<semaphore_mem>>) src(%dma_wait3A_407 : memref<320x128xf32, #tpu.memory_space<hbm>>) dst(%arg17 : memref<320x128xf32, #tpu.memory_space<vmem>>)
      %add3A_408 = arith.addi %multiple_of3A, %multiple_of3A_156 : i32
      %add3A_409 = arith.constant 32 : i32
      %add3A_410 = arith.addi %add3A_408, %add3A_409 : i32
      %scan3A_411 = arith.constant 0 : i32
      %scan3A_412 = arith.constant 0 : i32
      %scan3A_413 = arith.constant 32 : i32
      %scan3A_414 = arith.addi %scan3A_412, %scan3A_413 : i32
      %scan3A_415 = arith.constant 1 : i32
      scf.for %scan3A_423 = %scan3A_412 to %scan3A_414 step %scan3A_415  : i32 {
        %get3A = arith.index_cast %scan3A_423 : i32 to index
        %get3A_424 = arith.constant 0 : index
        %get3A_425 = tpu.vector_load %arg13[%get3A, %get3A_424] {strides = array<i32>} : memref<32x128xf32, #tpu.memory_space<vmem>>, vector<16xf32>,
        %get3A_426 = arith.index_cast %scan3A_423 : i32 to index
        %get3A_427 = arith.constant 0 : index
        %get3A_428 = tpu.vector_load %arg15[%get3A_426, %get3A_427] {strides = array<i32>} : memref<32x128xf32, #tpu.memory_space<vmem>>, vector<16xf32>,
        %get3A_429 = arith.index_cast %scan3A_423 : i32 to index
        %get3A_430 = arith.constant 0 : index
        %get3A_431 = tpu.vector_load %arg17[%get3A_429, %get3A_430] {strides = array<i32>} : memref<320x128xf32, #tpu.memory_space<vmem>>, vector<16xf32>,
        %add3A_432 = arith.constant 32 : i32
        %add3A_433 = arith.addi %add3A_432, %scan3A_423 : i32
        %get3A_434 = arith.index_cast %add3A_433 : i32 to index
        %get3A_435 = arith.constant 0 : index
        %get3A_436 = tpu.vector_load %arg17[%get3A_434, %get3A_435] {strides = array<i32>} : memref<320x128xf32, #tpu.memory_space<vmem>>, vector<16xf32>,
        %add3A_437 = arith.addf %get3A_431, %get3A_436 : vector<16xf32>
        %add3A_438 = arith.constant 64 : i32
        %add3A_439 = arith.addi %add3A_438, %scan3A_423 : i32
        %get3A_440 = arith.index_cast %add3A_439 : i32 to index
        %get3A_441 = arith.constant 0 : index
        %get3A_442 = tpu.vector_load %arg17[%get3A_440, %get3A_441] {strides = array<i32>} : memref<320x128xf32, #tpu.memory_space<vmem>>, vector<16xf32>,
        %add3A_443 = arith.addf %add3A_437, %get3A_442 : vector<16xf32>
        %add3A_444 = arith.constant 96 : i32
        %add3A_445 = arith.addi %add3A_444, %scan3A_423 : i32
        %get3A_446 = arith.index_cast %add3A_445 : i32 to index
        %get3A_447 = arith.constant 0 : index
        %get3A_448 = tpu.vector_load %arg17[%get3A_446, %get3A_447] {strides = array<i32>} : memref<320x128xf32, #tpu.memory_space<vmem>>, vector<16xf32>,
        %add3A_449 = arith.addf %add3A_443, %get3A_448 : vector<16xf32>
        %add3A_450 = arith.constant 128 : i32
        %add3A_451 = arith.addi %add3A_450, %scan3A_423 : i32
        %get3A_452 = arith.index_cast %add3A_451 : i32 to index
        %get3A_453 = arith.constant 0 : index
        %get3A_454 = tpu.vector_load %arg17[%get3A_452, %get3A_453] {strides = array<i32>} : memref<320x128xf32, #tpu.memory_space<vmem>>, vector<16xf32>,
        %add3A_455 = arith.addf %add3A_449, %get3A_454 : vector<16xf32>
        %add3A_456 = arith.constant 160 : i32
        %add3A_457 = arith.addi %add3A_456, %scan3A_423 : i32
        %get3A_458 = arith.index_cast %add3A_457 : i32 to index
        %get3A_459 = arith.constant 0 : index
        %get3A_460 = tpu.vector_load %arg17[%get3A_458, %get3A_459] {strides = array<i32>} : memref<320x128xf32, #tpu.memory_space<vmem>>, vector<16xf32>,
        %add3A_461 = arith.addf %add3A_455, %get3A_460 : vector<16xf32>
        %add3A_462 = arith.constant 192 : i32
        %add3A_463 = arith.addi %add3A_462, %scan3A_423 : i32
        %get3A_464 = arith.index_cast %add3A_463 : i32 to index
        %get3A_465 = arith.constant 0 : index
        %get3A_466 = tpu.vector_load %arg17[%get3A_464, %get3A_465] {strides = array<i32>} : memref<320x128xf32, #tpu.memory_space<vmem>>, vector<16xf32>,
        %add3A_467 = arith.addf %add3A_461, %get3A_466 : vector<16xf32>
        %add3A_468 = arith.constant 224 : i32
        %add3A_469 = arith.addi %add3A_468, %scan3A_423 : i32
        %get3A_470 = arith.index_cast %add3A_469 : i32 to index
        %get3A_471 = arith.constant 0 : index
        %get3A_472 = tpu.vector_load %arg17[%get3A_470, %get3A_471] {strides = array<i32>} : memref<320x128xf32, #tpu.memory_space<vmem>>, vector<16xf32>,
        %add3A_473 = arith.addf %add3A_467, %get3A_472 : vector<16xf32>
        %add3A_474 = arith.constant 256 : i32
        %add3A_475 = arith.addi %add3A_474, %scan3A_423 : i32
        %get3A_476 = arith.index_cast %add3A_475 : i32 to index
        %get3A_477 = arith.constant 0 : index
        %get3A_478 = tpu.vector_load %arg17[%get3A_476, %get3A_477] {strides = array<i32>} : memref<320x128xf32, #tpu.memory_space<vmem>>, vector<16xf32>,
        %add3A_479 = arith.addf %add3A_473, %get3A_478 : vector<16xf32>
        %add3A_480 = arith.constant 288 : i32
        %add3A_481 = arith.addi %add3A_480, %scan3A_423 : i32
        %get3A_482 = arith.index_cast %add3A_481 : i32 to index
        %get3A_483 = arith.constant 0 : index
        %get3A_484 = tpu.vector_load %arg17[%get3A_482, %get3A_483] {strides = array<i32>} : memref<320x128xf32, #tpu.memory_space<vmem>>, vector<16xf32>,
        %add3A_485 = arith.addf %add3A_479, %get3A_484 : vector<16xf32>
        %mul3A_486 = arith.mulf %get3A_425, %get3A_428 : vector<16xf32>
        %mul3A_487 = arith.mulf %get3A_425, %add3A_485 : vector<16xf32>
        %get3A_488 = arith.index_cast %scan3A_423 : i32 to index
        %get3A_489 = arith.constant 16 : index
        %get3A_490 = tpu.vector_load %arg13[%get3A_488, %get3A_489] {strides = array<i32>} : memref<32x128xf32, #tpu.memory_space<vmem>>, vector<16xf32>,
        %get3A_491 = arith.index_cast %scan3A_423 : i32 to index
        %get3A_492 = arith.constant 16 : index
        %get3A_493 = tpu.vector_load %arg15[%get3A_491, %get3A_492] {strides = array<i32>} : memref<32x128xf32, #tpu.memory_space<vmem>>, vector<16xf32>,
        %get3A_494 = arith.index_cast %scan3A_423 : i32 to index
        %get3A_495 = arith.constant 16 : index
        %get3A_496 = tpu.vector_load %arg17[%get3A_494, %get3A_495] {strides = array<i32>} : memref<320x128xf32, #tpu.memory_space<vmem>>, vector<16xf32>,
        %add3A_497 = arith.constant 32 : i32
        %add3A_498 = arith.addi %add3A_497, %scan3A_423 : i32
        %get3A_499 = arith.index_cast %add3A_498 : i32 to index
        %get3A_500 = arith.constant 16 : index
        %get3A_501 = tpu.vector_load %arg17[%get3A_499, %get3A_500] {strides = array<i32>} : memref<320x128xf32, #tpu.memory_space<vmem>>, vector<16xf32>,
        %add3A_502 = arith.addf %get3A_496, %get3A_501 : vector<16xf32>
        %add3A_503 = arith.constant 64 : i32
        %add3A_504 = arith.addi %add3A_503, %scan3A_423 : i32
        %get3A_505 = arith.index_cast %add3A_504 : i32 to index
        %get3A_506 = arith.constant 16 : index
        %get3A_507 = tpu.vector_load %arg17[%get3A_505, %get3A_506] {strides = array<i32>} : memref<320x128xf32, #tpu.memory_space<vmem>>, vector<16xf32>,
        %add3A_508 = arith.addf %add3A_502, %get3A_507 : vector<16xf32>
        %add3A_509 = arith.constant 96 : i32
        %add3A_510 = arith.addi %add3A_509, %scan3A_423 : i32
        %get3A_511 = arith.index_cast %add3A_510 : i32 to index
        %get3A_512 = arith.constant 16 : index
        %get3A_513 = tpu.vector_load %arg17[%get3A_511, %get3A_512] {strides = array<i32>} : memref<320x128xf32, #tpu.memory_space<vmem>>, vector<16xf32>,
        %add3A_514 = arith.addf %add3A_508, %get3A_513 : vector<16xf32>
        %add3A_515 = arith.constant 128 : i32
        %add3A_516 = arith.addi %add3A_515, %scan3A_423 : i32
        %get3A_517 = arith.index_cast %add3A_516 : i32 to index
        %get3A_518 = arith.constant 16 : index
        %get3A_519 = tpu.vector_load %arg17[%get3A_517, %get3A_518] {strides = array<i32>} : memref<320x128xf32, #tpu.memory_space<vmem>>, vector<16xf32>,
        %add3A_520 = arith.addf %add3A_514, %get3A_519 : vector<16xf32>
        %add3A_521 = arith.constant 160 : i32
        %add3A_522 = arith.addi %add3A_521, %scan3A_423 : i32
        %get3A_523 = arith.index_cast %add3A_522 : i32 to index
        %get3A_524 = arith.constant 16 : index
        %get3A_525 = tpu.vector_load %arg17[%get3A_523, %get3A_524] {strides = array<i32>} : memref<320x128xf32, #tpu.memory_space<vmem>>, vector<16xf32>,
        %add3A_526 = arith.addf %add3A_520, %get3A_525 : vector<16xf32>
        %add3A_527 = arith.constant 192 : i32
        %add3A_528 = arith.addi %add3A_527, %scan3A_423 : i32
        %get3A_529 = arith.index_cast %add3A_528 : i32 to index
        %get3A_530 = arith.constant 16 : index
        %get3A_531 = tpu.vector_load %arg17[%get3A_529, %get3A_530] {strides = array<i32>} : memref<320x128xf32, #tpu.memory_space<vmem>>, vector<16xf32>,
        %add3A_532 = arith.addf %add3A_526, %get3A_531 : vector<16xf32>
        %add3A_533 = arith.constant 224 : i32
        %add3A_534 = arith.addi %add3A_533, %scan3A_423 : i32
        %get3A_535 = arith.index_cast %add3A_534 : i32 to index
        %get3A_536 = arith.constant 16 : index
        %get3A_537 = tpu.vector_load %arg17[%get3A_535, %get3A_536] {strides = array<i32>} : memref<320x128xf32, #tpu.memory_space<vmem>>, vector<16xf32>,
        %add3A_538 = arith.addf %add3A_532, %get3A_537 : vector<16xf32>
        %add3A_539 = arith.constant 256 : i32
        %add3A_540 = arith.addi %add3A_539, %scan3A_423 : i32
        %get3A_541 = arith.index_cast %add3A_540 : i32 to index
        %get3A_542 = arith.constant 16 : index
        %get3A_543 = tpu.vector_load %arg17[%get3A_541, %get3A_542] {strides = array<i32>} : memref<320x128xf32, #tpu.memory_space<vmem>>, vector<16xf32>,
        %add3A_544 = arith.addf %add3A_538, %get3A_543 : vector<16xf32>
        %add3A_545 = arith.constant 288 : i32
        %add3A_546 = arith.addi %add3A_545, %scan3A_423 : i32
        %get3A_547 = arith.index_cast %add3A_546 : i32 to index
        %get3A_548 = arith.constant 16 : index
        %get3A_549 = tpu.vector_load %arg17[%get3A_547, %get3A_548] {strides = array<i32>} : memref<320x128xf32, #tpu.memory_space<vmem>>, vector<16xf32>,
        %add3A_550 = arith.addf %add3A_544, %get3A_549 : vector<16xf32>
        %mul3A_551 = arith.mulf %get3A_490, %get3A_493 : vector<16xf32>
        %add3A_552 = arith.addf %mul3A_486, %mul3A_551 : vector<16xf32>
        %mul3A_553 = arith.mulf %get3A_490, %add3A_550 : vector<16xf32>
        %add3A_554 = arith.addf %mul3A_487, %mul3A_553 : vector<16xf32>
        %get3A_555 = arith.index_cast %scan3A_423 : i32 to index
        %get3A_556 = arith.constant 32 : index
        %get3A_557 = tpu.vector_load %arg13[%get3A_555, %get3A_556] {strides = array<i32>} : memref<32x128xf32, #tpu.memory_space<vmem>>, vector<16xf32>,
        %get3A_558 = arith.index_cast %scan3A_423 : i32 to index
        %get3A_559 = arith.constant 32 : index
        %get3A_560 = tpu.vector_load %arg15[%get3A_558, %get3A_559] {strides = array<i32>} : memref<32x128xf32, #tpu.memory_space<vmem>>, vector<16xf32>,
        %get3A_561 = arith.index_cast %scan3A_423 : i32 to index
        %get3A_562 = arith.constant 32 : index
        %get3A_563 = tpu.vector_load %arg17[%get3A_561, %get3A_562] {strides = array<i32>} : memref<320x128xf32, #tpu.memory_space<vmem>>, vector<16xf32>,
        %add3A_564 = arith.constant 32 : i32
        %add3A_565 = arith.addi %add3A_564, %scan3A_423 : i32
        %get3A_566 = arith.index_cast %add3A_565 : i32 to index
        %get3A_567 = arith.constant 32 : index
        %get3A_568 = tpu.vector_load %arg17[%get3A_566, %get3A_567] {strides = array<i32>} : memref<320x128xf32, #tpu.memory_space<vmem>>, vector<16xf32>,
        %add3A_569 = arith.addf %get3A_563, %get3A_568 : vector<16xf32>
        %add3A_570 = arith.constant 64 : i32
        %add3A_571 = arith.addi %add3A_570, %scan3A_423 : i32
        %get3A_572 = arith.index_cast %add3A_571 : i32 to index
        %get3A_573 = arith.constant 32 : index
        %get3A_574 = tpu.vector_load %arg17[%get3A_572, %get3A_573] {strides = array<i32>} : memref<320x128xf32, #tpu.memory_space<vmem>>, vector<16xf32>,
        %add3A_575 = arith.addf %add3A_569, %get3A_574 : vector<16xf32>
        %add3A_576 = arith.constant 96 : i32
        %add3A_577 = arith.addi %add3A_576, %scan3A_423 : i32
        %get3A_578 = arith.index_cast %add3A_577 : i32 to index
        %get3A_579 = arith.constant 32 : index
        %get3A_580 = tpu.vector_load %arg17[%get3A_578, %get3A_579] {strides = array<i32>} : memref<320x128xf32, #tpu.memory_space<vmem>>, vector<16xf32>,
        %add3A_581 = arith.addf %add3A_575, %get3A_580 : vector<16xf32>
        %add3A_582 = arith.constant 128 : i32
        %add3A_583 = arith.addi %add3A_582, %scan3A_423 : i32
        %get3A_584 = arith.index_cast %add3A_583 : i32 to index
        %get3A_585 = arith.constant 32 : index
        %get3A_586 = tpu.vector_load %arg17[%get3A_584, %get3A_585] {strides = array<i32>} : memref<320x128xf32, #tpu.memory_space<vmem>>, vector<16xf32>,
        %add3A_587 = arith.addf %add3A_581, %get3A_586 : vector<16xf32>
        %add3A_588 = arith.constant 160 : i32
        %add3A_589 = arith.addi %add3A_588, %scan3A_423 : i32
        %get3A_590 = arith.index_cast %add3A_589 : i32 to index
        %get3A_591 = arith.constant 32 : index
        %get3A_592 = tpu.vector_load %arg17[%get3A_590, %get3A_591] {strides = array<i32>} : memref<320x128xf32, #tpu.memory_space<vmem>>, vector<16xf32>,
        %add3A_593 = arith.addf %add3A_587, %get3A_592 : vector<16xf32>
        %add3A_594 = arith.constant 192 : i32
        %add3A_595 = arith.addi %add3A_594, %scan3A_423 : i32
        %get3A_596 = arith.index_cast %add3A_595 : i32 to index
        %get3A_597 = arith.constant 32 : index
        %get3A_598 = tpu.vector_load %arg17[%get3A_596, %get3A_597] {strides = array<i32>} : memref<320x128xf32, #tpu.memory_space<vmem>>, vector<16xf32>,
        %add3A_599 = arith.addf %add3A_593, %get3A_598 : vector<16xf32>
        %add3A_600 = arith.constant 224 : i32
        %add3A_601 = arith.addi %add3A_600, %scan3A_423 : i32
        %get3A_602 = arith.index_cast %add3A_601 : i32 to index
        %get3A_603 = arith.constant 32 : index
        %get3A_604 = tpu.vector_load %arg17[%get3A_602, %get3A_603] {strides = array<i32>} : memref<320x128xf32, #tpu.memory_space<vmem>>, vector<16xf32>,
        %add3A_605 = arith.addf %add3A_599, %get3A_604 : vector<16xf32>
        %add3A_606 = arith.constant 256 : i32
        %add3A_607 = arith.addi %add3A_606, %scan3A_423 : i32
        %get3A_608 = arith.index_cast %add3A_607 : i32 to index
        %get3A_609 = arith.constant 32 : index
        %get3A_610 = tpu.vector_load %arg17[%get3A_608, %get3A_609] {strides = array<i32>} : memref<320x128xf32, #tpu.memory_space<vmem>>, vector<16xf32>,
        %add3A_611 = arith.addf %add3A_605, %get3A_610 : vector<16xf32>
        %add3A_612 = arith.constant 288 : i32
        %add3A_613 = arith.addi %add3A_612, %scan3A_423 : i32
        %get3A_614 = arith.index_cast %add3A_613 : i32 to index
        %get3A_615 = arith.constant 32 : index
        %get3A_616 = tpu.vector_load %arg17[%get3A_614, %get3A_615] {strides = array<i32>} : memref<320x128xf32, #tpu.memory_space<vmem>>, vector<16xf32>,
        %add3A_617 = arith.addf %add3A_611, %get3A_616 : vector<16xf32>
        %mul3A_618 = arith.mulf %get3A_557, %get3A_560 : vector<16xf32>
        %add3A_619 = arith.addf %add3A_552, %mul3A_618 : vector<16xf32>
        %mul3A_620 = arith.mulf %get3A_557, %add3A_617 : vector<16xf32>
        %add3A_621 = arith.addf %add3A_554, %mul3A_620 : vector<16xf32>
        %get3A_622 = arith.index_cast %scan3A_423 : i32 to index
        %get3A_623 = arith.constant 48 : index
        %get3A_624 = tpu.vector_load %arg13[%get3A_622, %get3A_623] {strides = array<i32>} : memref<32x128xf32, #tpu.memory_space<vmem>>, vector<16xf32>,
        %get3A_625 = arith.index_cast %scan3A_423 : i32 to index
        %get3A_626 = arith.constant 48 : index
        %get3A_627 = tpu.vector_load %arg15[%get3A_625, %get3A_626] {strides = array<i32>} : memref<32x128xf32, #tpu.memory_space<vmem>>, vector<16xf32>,
        %get3A_628 = arith.index_cast %scan3A_423 : i32 to index
        %get3A_629 = arith.constant 48 : index
        %get3A_630 = tpu.vector_load %arg17[%get3A_628, %get3A_629] {strides = array<i32>} : memref<320x128xf32, #tpu.memory_space<vmem>>, vector<16xf32>,
        %add3A_631 = arith.constant 32 : i32
        %add3A_632 = arith.addi %add3A_631, %scan3A_423 : i32
        %get3A_633 = arith.index_cast %add3A_632 : i32 to index
        %get3A_634 = arith.constant 48 : index
        %get3A_635 = tpu.vector_load %arg17[%get3A_633, %get3A_634] {strides = array<i32>} : memref<320x128xf32, #tpu.memory_space<vmem>>, vector<16xf32>,
        %add3A_636 = arith.addf %get3A_630, %get3A_635 : vector<16xf32>
        %add3A_637 = arith.constant 64 : i32
        %add3A_638 = arith.addi %add3A_637, %scan3A_423 : i32
        %get3A_639 = arith.index_cast %add3A_638 : i32 to index
        %get3A_640 = arith.constant 48 : index
        %get3A_641 = tpu.vector_load %arg17[%get3A_639, %get3A_640] {strides = array<i32>} : memref<320x128xf32, #tpu.memory_space<vmem>>, vector<16xf32>,
        %add3A_642 = arith.addf %add3A_636, %get3A_641 : vector<16xf32>
        %add3A_643 = arith.constant 96 : i32
        %add3A_644 = arith.addi %add3A_643, %scan3A_423 : i32
        %get3A_645 = arith.index_cast %add3A_644 : i32 to index
        %get3A_646 = arith.constant 48 : index
        %get3A_647 = tpu.vector_load %arg17[%get3A_645, %get3A_646] {strides = array<i32>} : memref<320x128xf32, #tpu.memory_space<vmem>>, vector<16xf32>,
        %add3A_648 = arith.addf %add3A_642, %get3A_647 : vector<16xf32>
        %add3A_649 = arith.constant 128 : i32
        %add3A_650 = arith.addi %add3A_649, %scan3A_423 : i32
        %get3A_651 = arith.index_cast %add3A_650 : i32 to index
        %get3A_652 = arith.constant 48 : index
        %get3A_653 = tpu.vector_load %arg17[%get3A_651, %get3A_652] {strides = array<i32>} : memref<320x128xf32, #tpu.memory_space<vmem>>, vector<16xf32>,
        %add3A_654 = arith.addf %add3A_648, %get3A_653 : vector<16xf32>
        %add3A_655 = arith.constant 160 : i32
        %add3A_656 = arith.addi %add3A_655, %scan3A_423 : i32
        %get3A_657 = arith.index_cast %add3A_656 : i32 to index
        %get3A_658 = arith.constant 48 : index
        %get3A_659 = tpu.vector_load %arg17[%get3A_657, %get3A_658] {strides = array<i32>} : memref<320x128xf32, #tpu.memory_space<vmem>>, vector<16xf32>,
        %add3A_660 = arith.addf %add3A_654, %get3A_659 : vector<16xf32>
        %add3A_661 = arith.constant 192 : i32
        %add3A_662 = arith.addi %add3A_661, %scan3A_423 : i32
        %get3A_663 = arith.index_cast %add3A_662 : i32 to index
        %get3A_664 = arith.constant 48 : index
        %get3A_665 = tpu.vector_load %arg17[%get3A_663, %get3A_664] {strides = array<i32>} : memref<320x128xf32, #tpu.memory_space<vmem>>, vector<16xf32>,
        %add3A_666 = arith.addf %add3A_660, %get3A_665 : vector<16xf32>
        %add3A_667 = arith.constant 224 : i32
        %add3A_668 = arith.addi %add3A_667, %scan3A_423 : i32
        %get3A_669 = arith.index_cast %add3A_668 : i32 to index
        %get3A_670 = arith.constant 48 : index
        %get3A_671 = tpu.vector_load %arg17[%get3A_669, %get3A_670] {strides = array<i32>} : memref<320x128xf32, #tpu.memory_space<vmem>>, vector<16xf32>,
        %add3A_672 = arith.addf %add3A_666, %get3A_671 : vector<16xf32>
        %add3A_673 = arith.constant 256 : i32
        %add3A_674 = arith.addi %add3A_673, %scan3A_423 : i32
        %get3A_675 = arith.index_cast %add3A_674 : i32 to index
        %get3A_676 = arith.constant 48 : index
        %get3A_677 = tpu.vector_load %arg17[%get3A_675, %get3A_676] {strides = array<i32>} : memref<320x128xf32, #tpu.memory_space<vmem>>, vector<16xf32>,
        %add3A_678 = arith.addf %add3A_672, %get3A_677 : vector<16xf32>
        %add3A_679 = arith.constant 288 : i32
        %add3A_680 = arith.addi %add3A_679, %scan3A_423 : i32
        %get3A_681 = arith.index_cast %add3A_680 : i32 to index
        %get3A_682 = arith.constant 48 : index
        %get3A_683 = tpu.vector_load %arg17[%get3A_681, %get3A_682] {strides = array<i32>} : memref<320x128xf32, #tpu.memory_space<vmem>>, vector<16xf32>,
        %add3A_684 = arith.addf %add3A_678, %get3A_683 : vector<16xf32>
        %mul3A_685 = arith.mulf %get3A_624, %get3A_627 : vector<16xf32>
        %add3A_686 = arith.addf %add3A_619, %mul3A_685 : vector<16xf32>
        %mul3A_687 = arith.mulf %get3A_624, %add3A_684 : vector<16xf32>
        %add3A_688 = arith.addf %add3A_621, %mul3A_687 : vector<16xf32>
        %get3A_689 = arith.index_cast %scan3A_423 : i32 to index
        %get3A_690 = arith.constant 64 : index
        %get3A_691 = tpu.vector_load %arg13[%get3A_689, %get3A_690] {strides = array<i32>} : memref<32x128xf32, #tpu.memory_space<vmem>>, vector<16xf32>,
        %get3A_692 = arith.index_cast %scan3A_423 : i32 to index
        %get3A_693 = arith.constant 64 : index
        %get3A_694 = tpu.vector_load %arg15[%get3A_692, %get3A_693] {strides = array<i32>} : memref<32x128xf32, #tpu.memory_space<vmem>>, vector<16xf32>,
        %get3A_695 = arith.index_cast %scan3A_423 : i32 to index
        %get3A_696 = arith.constant 64 : index
        %get3A_697 = tpu.vector_load %arg17[%get3A_695, %get3A_696] {strides = array<i32>} : memref<320x128xf32, #tpu.memory_space<vmem>>, vector<16xf32>,
        %add3A_698 = arith.constant 32 : i32
        %add3A_699 = arith.addi %add3A_698, %scan3A_423 : i32
        %get3A_700 = arith.index_cast %add3A_699 : i32 to index
        %get3A_701 = arith.constant 64 : index
        %get3A_702 = tpu.vector_load %arg17[%get3A_700, %get3A_701] {strides = array<i32>} : memref<320x128xf32, #tpu.memory_space<vmem>>, vector<16xf32>,
        %add3A_703 = arith.addf %get3A_697, %get3A_702 : vector<16xf32>
        %add3A_704 = arith.constant 64 : i32
        %add3A_705 = arith.addi %add3A_704, %scan3A_423 : i32
        %get3A_706 = arith.index_cast %add3A_705 : i32 to index
        %get3A_707 = arith.constant 64 : index
        %get3A_708 = tpu.vector_load %arg17[%get3A_706, %get3A_707] {strides = array<i32>} : memref<320x128xf32, #tpu.memory_space<vmem>>, vector<16xf32>,
        %add3A_709 = arith.addf %add3A_703, %get3A_708 : vector<16xf32>
        %add3A_710 = arith.constant 96 : i32
        %add3A_711 = arith.addi %add3A_710, %scan3A_423 : i32
        %get3A_712 = arith.index_cast %add3A_711 : i32 to index
        %get3A_713 = arith.constant 64 : index
        %get3A_714 = tpu.vector_load %arg17[%get3A_712, %get3A_713] {strides = array<i32>} : memref<320x128xf32, #tpu.memory_space<vmem>>, vector<16xf32>,
        %add3A_715 = arith.addf %add3A_709, %get3A_714 : vector<16xf32>
        %add3A_716 = arith.constant 128 : i32
        %add3A_717 = arith.addi %add3A_716, %scan3A_423 : i32
        %get3A_718 = arith.index_cast %add3A_717 : i32 to index
        %get3A_719 = arith.constant 64 : index
        %get3A_720 = tpu.vector_load %arg17[%get3A_718, %get3A_719] {strides = array<i32>} : memref<320x128xf32, #tpu.memory_space<vmem>>, vector<16xf32>,
        %add3A_721 = arith.addf %add3A_715, %get3A_720 : vector<16xf32>
        %add3A_722 = arith.constant 160 : i32
        %add3A_723 = arith.addi %add3A_722, %scan3A_423 : i32
        %get3A_724 = arith.index_cast %add3A_723 : i32 to index
        %get3A_725 = arith.constant 64 : index
        %get3A_726 = tpu.vector_load %arg17[%get3A_724, %get3A_725] {strides = array<i32>} : memref<320x128xf32, #tpu.memory_space<vmem>>, vector<16xf32>,
        %add3A_727 = arith.addf %add3A_721, %get3A_726 : vector<16xf32>
        %add3A_728 = arith.constant 192 : i32
        %add3A_729 = arith.addi %add3A_728, %scan3A_423 : i32
        %get3A_730 = arith.index_cast %add3A_729 : i32 to index
        %get3A_731 = arith.constant 64 : index
        %get3A_732 = tpu.vector_load %arg17[%get3A_730, %get3A_731] {strides = array<i32>} : memref<320x128xf32, #tpu.memory_space<vmem>>, vector<16xf32>,
        %add3A_733 = arith.addf %add3A_727, %get3A_732 : vector<16xf32>
        %add3A_734 = arith.constant 224 : i32
        %add3A_735 = arith.addi %add3A_734, %scan3A_423 : i32
        %get3A_736 = arith.index_cast %add3A_735 : i32 to index
        %get3A_737 = arith.constant 64 : index
        %get3A_738 = tpu.vector_load %arg17[%get3A_736, %get3A_737] {strides = array<i32>} : memref<320x128xf32, #tpu.memory_space<vmem>>, vector<16xf32>,
        %add3A_739 = arith.addf %add3A_733, %get3A_738 : vector<16xf32>
        %add3A_740 = arith.constant 256 : i32
        %add3A_741 = arith.addi %add3A_740, %scan3A_423 : i32
        %get3A_742 = arith.index_cast %add3A_741 : i32 to index
        %get3A_743 = arith.constant 64 : index
        %get3A_744 = tpu.vector_load %arg17[%get3A_742, %get3A_743] {strides = array<i32>} : memref<320x128xf32, #tpu.memory_space<vmem>>, vector<16xf32>,
        %add3A_745 = arith.addf %add3A_739, %get3A_744 : vector<16xf32>
        %add3A_746 = arith.constant 288 : i32
        %add3A_747 = arith.addi %add3A_746, %scan3A_423 : i32
        %get3A_748 = arith.index_cast %add3A_747 : i32 to index
        %get3A_749 = arith.constant 64 : index
        %get3A_750 = tpu.vector_load %arg17[%get3A_748, %get3A_749] {strides = array<i32>} : memref<320x128xf32, #tpu.memory_space<vmem>>, vector<16xf32>,
        %add3A_751 = arith.addf %add3A_745, %get3A_750 : vector<16xf32>
        %mul3A_752 = arith.mulf %get3A_691, %get3A_694 : vector<16xf32>
        %add3A_753 = arith.addf %add3A_686, %mul3A_752 : vector<16xf32>
        %mul3A_754 = arith.mulf %get3A_691, %add3A_751 : vector<16xf32>
        %add3A_755 = arith.addf %add3A_688, %mul3A_754 : vector<16xf32>
        %get3A_756 = arith.index_cast %scan3A_423 : i32 to index
        %get3A_757 = arith.constant 80 : index
        %get3A_758 = tpu.vector_load %arg13[%get3A_756, %get3A_757] {strides = array<i32>} : memref<32x128xf32, #tpu.memory_space<vmem>>, vector<16xf32>,
        %get3A_759 = arith.index_cast %scan3A_423 : i32 to index
        %get3A_760 = arith.constant 80 : index
        %get3A_761 = tpu.vector_load %arg15[%get3A_759, %get3A_760] {strides = array<i32>} : memref<32x128xf32, #tpu.memory_space<vmem>>, vector<16xf32>,
        %get3A_762 = arith.index_cast %scan3A_423 : i32 to index
        %get3A_763 = arith.constant 80 : index
        %get3A_764 = tpu.vector_load %arg17[%get3A_762, %get3A_763] {strides = array<i32>} : memref<320x128xf32, #tpu.memory_space<vmem>>, vector<16xf32>,
        %add3A_765 = arith.constant 32 : i32
        %add3A_766 = arith.addi %add3A_765, %scan3A_423 : i32
        %get3A_767 = arith.index_cast %add3A_766 : i32 to index
        %get3A_768 = arith.constant 80 : index
        %get3A_769 = tpu.vector_load %arg17[%get3A_767, %get3A_768] {strides = array<i32>} : memref<320x128xf32, #tpu.memory_space<vmem>>, vector<16xf32>,
        %add3A_770 = arith.addf %get3A_764, %get3A_769 : vector<16xf32>
        %add3A_771 = arith.constant 64 : i32
        %add3A_772 = arith.addi %add3A_771, %scan3A_423 : i32
        %get3A_773 = arith.index_cast %add3A_772 : i32 to index
        %get3A_774 = arith.constant 80 : index
        %get3A_775 = tpu.vector_load %arg17[%get3A_773, %get3A_774] {strides = array<i32>} : memref<320x128xf32, #tpu.memory_space<vmem>>, vector<16xf32>,
        %add3A_776 = arith.addf %add3A_770, %get3A_775 : vector<16xf32>
        %add3A_777 = arith.constant 96 : i32
        %add3A_778 = arith.addi %add3A_777, %scan3A_423 : i32
        %get3A_779 = arith.index_cast %add3A_778 : i32 to index
        %get3A_780 = arith.constant 80 : index
        %get3A_781 = tpu.vector_load %arg17[%get3A_779, %get3A_780] {strides = array<i32>} : memref<320x128xf32, #tpu.memory_space<vmem>>, vector<16xf32>,
        %add3A_782 = arith.addf %add3A_776, %get3A_781 : vector<16xf32>
        %add3A_783 = arith.constant 128 : i32
        %add3A_784 = arith.addi %add3A_783, %scan3A_423 : i32
        %get3A_785 = arith.index_cast %add3A_784 : i32 to index
        %get3A_786 = arith.constant 80 : index
        %get3A_787 = tpu.vector_load %arg17[%get3A_785, %get3A_786] {strides = array<i32>} : memref<320x128xf32, #tpu.memory_space<vmem>>, vector<16xf32>,
        %add3A_788 = arith.addf %add3A_782, %get3A_787 : vector<16xf32>
        %add3A_789 = arith.constant 160 : i32
        %add3A_790 = arith.addi %add3A_789, %scan3A_423 : i32
        %get3A_791 = arith.index_cast %add3A_790 : i32 to index
        %get3A_792 = arith.constant 80 : index
        %get3A_793 = tpu.vector_load %arg17[%get3A_791, %get3A_792] {strides = array<i32>} : memref<320x128xf32, #tpu.memory_space<vmem>>, vector<16xf32>,
        %add3A_794 = arith.addf %add3A_788, %get3A_793 : vector<16xf32>
        %add3A_795 = arith.constant 192 : i32
        %add3A_796 = arith.addi %add3A_795, %scan3A_423 : i32
        %get3A_797 = arith.index_cast %add3A_796 : i32 to index
        %get3A_798 = arith.constant 80 : index
        %get3A_799 = tpu.vector_load %arg17[%get3A_797, %get3A_798] {strides = array<i32>} : memref<320x128xf32, #tpu.memory_space<vmem>>, vector<16xf32>,
        %add3A_800 = arith.addf %add3A_794, %get3A_799 : vector<16xf32>
        %add3A_801 = arith.constant 224 : i32
        %add3A_802 = arith.addi %add3A_801, %scan3A_423 : i32
        %get3A_803 = arith.index_cast %add3A_802 : i32 to index
        %get3A_804 = arith.constant 80 : index
        %get3A_805 = tpu.vector_load %arg17[%get3A_803, %get3A_804] {strides = array<i32>} : memref<320x128xf32, #tpu.memory_space<vmem>>, vector<16xf32>,
        %add3A_806 = arith.addf %add3A_800, %get3A_805 : vector<16xf32>
        %add3A_807 = arith.constant 256 : i32
        %add3A_808 = arith.addi %add3A_807, %scan3A_423 : i32
        %get3A_809 = arith.index_cast %add3A_808 : i32 to index
        %get3A_810 = arith.constant 80 : index
        %get3A_811 = tpu.vector_load %arg17[%get3A_809, %get3A_810] {strides = array<i32>} : memref<320x128xf32, #tpu.memory_space<vmem>>, vector<16xf32>,
        %add3A_812 = arith.addf %add3A_806, %get3A_811 : vector<16xf32>
        %add3A_813 = arith.constant 288 : i32
        %add3A_814 = arith.addi %add3A_813, %scan3A_423 : i32
        %get3A_815 = arith.index_cast %add3A_814 : i32 to index
        %get3A_816 = arith.constant 80 : index
        %get3A_817 = tpu.vector_load %arg17[%get3A_815, %get3A_816] {strides = array<i32>} : memref<320x128xf32, #tpu.memory_space<vmem>>, vector<16xf32>,
        %add3A_818 = arith.addf %add3A_812, %get3A_817 : vector<16xf32>
        %mul3A_819 = arith.mulf %get3A_758, %get3A_761 : vector<16xf32>
        %add3A_820 = arith.addf %add3A_753, %mul3A_819 : vector<16xf32>
        %mul3A_821 = arith.mulf %get3A_758, %add3A_818 : vector<16xf32>
        %add3A_822 = arith.addf %add3A_755, %mul3A_821 : vector<16xf32>
        %get3A_823 = arith.index_cast %scan3A_423 : i32 to index
        %get3A_824 = arith.constant 96 : index
        %get3A_825 = tpu.vector_load %arg13[%get3A_823, %get3A_824] {strides = array<i32>} : memref<32x128xf32, #tpu.memory_space<vmem>>, vector<16xf32>,
        %get3A_826 = arith.index_cast %scan3A_423 : i32 to index
        %get3A_827 = arith.constant 96 : index
        %get3A_828 = tpu.vector_load %arg15[%get3A_826, %get3A_827] {strides = array<i32>} : memref<32x128xf32, #tpu.memory_space<vmem>>, vector<16xf32>,
        %get3A_829 = arith.index_cast %scan3A_423 : i32 to index
        %get3A_830 = arith.constant 96 : index
        %get3A_831 = tpu.vector_load %arg17[%get3A_829, %get3A_830] {strides = array<i32>} : memref<320x128xf32, #tpu.memory_space<vmem>>, vector<16xf32>,
        %add3A_832 = arith.constant 32 : i32
        %add3A_833 = arith.addi %add3A_832, %scan3A_423 : i32
        %get3A_834 = arith.index_cast %add3A_833 : i32 to index
        %get3A_835 = arith.constant 96 : index
        %get3A_836 = tpu.vector_load %arg17[%get3A_834, %get3A_835] {strides = array<i32>} : memref<320x128xf32, #tpu.memory_space<vmem>>, vector<16xf32>,
        %add3A_837 = arith.addf %get3A_831, %get3A_836 : vector<16xf32>
        %add3A_838 = arith.constant 64 : i32
        %add3A_839 = arith.addi %add3A_838, %scan3A_423 : i32
        %get3A_840 = arith.index_cast %add3A_839 : i32 to index
        %get3A_841 = arith.constant 96 : index
        %get3A_842 = tpu.vector_load %arg17[%get3A_840, %get3A_841] {strides = array<i32>} : memref<320x128xf32, #tpu.memory_space<vmem>>, vector<16xf32>,
        %add3A_843 = arith.addf %add3A_837, %get3A_842 : vector<16xf32>
        %add3A_844 = arith.constant 96 : i32
        %add3A_845 = arith.addi %add3A_844, %scan3A_423 : i32
        %get3A_846 = arith.index_cast %add3A_845 : i32 to index
        %get3A_847 = arith.constant 96 : index
        %get3A_848 = tpu.vector_load %arg17[%get3A_846, %get3A_847] {strides = array<i32>} : memref<320x128xf32, #tpu.memory_space<vmem>>, vector<16xf32>,
        %add3A_849 = arith.addf %add3A_843, %get3A_848 : vector<16xf32>
        %add3A_850 = arith.constant 128 : i32
        %add3A_851 = arith.addi %add3A_850, %scan3A_423 : i32
        %get3A_852 = arith.index_cast %add3A_851 : i32 to index
        %get3A_853 = arith.constant 96 : index
        %get3A_854 = tpu.vector_load %arg17[%get3A_852, %get3A_853] {strides = array<i32>} : memref<320x128xf32, #tpu.memory_space<vmem>>, vector<16xf32>,
        %add3A_855 = arith.addf %add3A_849, %get3A_854 : vector<16xf32>
        %add3A_856 = arith.constant 160 : i32
        %add3A_857 = arith.addi %add3A_856, %scan3A_423 : i32
        %get3A_858 = arith.index_cast %add3A_857 : i32 to index
        %get3A_859 = arith.constant 96 : index
        %get3A_860 = tpu.vector_load %arg17[%get3A_858, %get3A_859] {strides = array<i32>} : memref<320x128xf32, #tpu.memory_space<vmem>>, vector<16xf32>,
        %add3A_861 = arith.addf %add3A_855, %get3A_860 : vector<16xf32>
        %add3A_862 = arith.constant 192 : i32
        %add3A_863 = arith.addi %add3A_862, %scan3A_423 : i32
        %get3A_864 = arith.index_cast %add3A_863 : i32 to index
        %get3A_865 = arith.constant 96 : index
        %get3A_866 = tpu.vector_load %arg17[%get3A_864, %get3A_865] {strides = array<i32>} : memref<320x128xf32, #tpu.memory_space<vmem>>, vector<16xf32>,
        %add3A_867 = arith.addf %add3A_861, %get3A_866 : vector<16xf32>
        %add3A_868 = arith.constant 224 : i32
        %add3A_869 = arith.addi %add3A_868, %scan3A_423 : i32
        %get3A_870 = arith.index_cast %add3A_869 : i32 to index
        %get3A_871 = arith.constant 96 : index
        %get3A_872 = tpu.vector_load %arg17[%get3A_870, %get3A_871] {strides = array<i32>} : memref<320x128xf32, #tpu.memory_space<vmem>>, vector<16xf32>,
        %add3A_873 = arith.addf %add3A_867, %get3A_872 : vector<16xf32>
        %add3A_874 = arith.constant 256 : i32
        %add3A_875 = arith.addi %add3A_874, %scan3A_423 : i32
        %get3A_876 = arith.index_cast %add3A_875 : i32 to index
        %get3A_877 = arith.constant 96 : index
        %get3A_878 = tpu.vector_load %arg17[%get3A_876, %get3A_877] {strides = array<i32>} : memref<320x128xf32, #tpu.memory_space<vmem>>, vector<16xf32>,
        %add3A_879 = arith.addf %add3A_873, %get3A_878 : vector<16xf32>
        %add3A_880 = arith.constant 288 : i32
        %add3A_881 = arith.addi %add3A_880, %scan3A_423 : i32
        %get3A_882 = arith.index_cast %add3A_881 : i32 to index
        %get3A_883 = arith.constant 96 : index
        %get3A_884 = tpu.vector_load %arg17[%get3A_882, %get3A_883] {strides = array<i32>} : memref<320x128xf32, #tpu.memory_space<vmem>>, vector<16xf32>,
        %add3A_885 = arith.addf %add3A_879, %get3A_884 : vector<16xf32>
        %mul3A_886 = arith.mulf %get3A_825, %get3A_828 : vector<16xf32>
        %add3A_887 = arith.addf %add3A_820, %mul3A_886 : vector<16xf32>
        %mul3A_888 = arith.mulf %get3A_825, %add3A_885 : vector<16xf32>
        %add3A_889 = arith.addf %add3A_822, %mul3A_888 : vector<16xf32>
        %get3A_890 = arith.index_cast %scan3A_423 : i32 to index
        %get3A_891 = arith.constant 112 : index
        %get3A_892 = tpu.vector_load %arg13[%get3A_890, %get3A_891] {strides = array<i32>} : memref<32x128xf32, #tpu.memory_space<vmem>>, vector<16xf32>,
        %get3A_893 = arith.index_cast %scan3A_423 : i32 to index
        %get3A_894 = arith.constant 112 : index
        %get3A_895 = tpu.vector_load %arg15[%get3A_893, %get3A_894] {strides = array<i32>} : memref<32x128xf32, #tpu.memory_space<vmem>>, vector<16xf32>,
        %get3A_896 = arith.index_cast %scan3A_423 : i32 to index
        %get3A_897 = arith.constant 112 : index
        %get3A_898 = tpu.vector_load %arg17[%get3A_896, %get3A_897] {strides = array<i32>} : memref<320x128xf32, #tpu.memory_space<vmem>>, vector<16xf32>,
        %add3A_899 = arith.constant 32 : i32
        %add3A_900 = arith.addi %add3A_899, %scan3A_423 : i32
        %get3A_901 = arith.index_cast %add3A_900 : i32 to index
        %get3A_902 = arith.constant 112 : index
        %get3A_903 = tpu.vector_load %arg17[%get3A_901, %get3A_902] {strides = array<i32>} : memref<320x128xf32, #tpu.memory_space<vmem>>, vector<16xf32>,
        %add3A_904 = arith.addf %get3A_898, %get3A_903 : vector<16xf32>
        %add3A_905 = arith.constant 64 : i32
        %add3A_906 = arith.addi %add3A_905, %scan3A_423 : i32
        %get3A_907 = arith.index_cast %add3A_906 : i32 to index
        %get3A_908 = arith.constant 112 : index
        %get3A_909 = tpu.vector_load %arg17[%get3A_907, %get3A_908] {strides = array<i32>} : memref<320x128xf32, #tpu.memory_space<vmem>>, vector<16xf32>,
        %add3A_910 = arith.addf %add3A_904, %get3A_909 : vector<16xf32>
        %add3A_911 = arith.constant 96 : i32
        %add3A_912 = arith.addi %add3A_911, %scan3A_423 : i32
        %get3A_913 = arith.index_cast %add3A_912 : i32 to index
        %get3A_914 = arith.constant 112 : index
        %get3A_915 = tpu.vector_load %arg17[%get3A_913, %get3A_914] {strides = array<i32>} : memref<320x128xf32, #tpu.memory_space<vmem>>, vector<16xf32>,
        %add3A_916 = arith.addf %add3A_910, %get3A_915 : vector<16xf32>
        %add3A_917 = arith.constant 128 : i32
        %add3A_918 = arith.addi %add3A_917, %scan3A_423 : i32
        %get3A_919 = arith.index_cast %add3A_918 : i32 to index
        %get3A_920 = arith.constant 112 : index
        %get3A_921 = tpu.vector_load %arg17[%get3A_919, %get3A_920] {strides = array<i32>} : memref<320x128xf32, #tpu.memory_space<vmem>>, vector<16xf32>,
        %add3A_922 = arith.addf %add3A_916, %get3A_921 : vector<16xf32>
        %add3A_923 = arith.constant 160 : i32
        %add3A_924 = arith.addi %add3A_923, %scan3A_423 : i32
        %get3A_925 = arith.index_cast %add3A_924 : i32 to index
        %get3A_926 = arith.constant 112 : index
        %get3A_927 = tpu.vector_load %arg17[%get3A_925, %get3A_926] {strides = array<i32>} : memref<320x128xf32, #tpu.memory_space<vmem>>, vector<16xf32>,
        %add3A_928 = arith.addf %add3A_922, %get3A_927 : vector<16xf32>
        %add3A_929 = arith.constant 192 : i32
        %add3A_930 = arith.addi %add3A_929, %scan3A_423 : i32
        %get3A_931 = arith.index_cast %add3A_930 : i32 to index
        %get3A_932 = arith.constant 112 : index
        %get3A_933 = tpu.vector_load %arg17[%get3A_931, %get3A_932] {strides = array<i32>} : memref<320x128xf32, #tpu.memory_space<vmem>>, vector<16xf32>,
        %add3A_934 = arith.addf %add3A_928, %get3A_933 : vector<16xf32>
        %add3A_935 = arith.constant 224 : i32
        %add3A_936 = arith.addi %add3A_935, %scan3A_423 : i32
        %get3A_937 = arith.index_cast %add3A_936 : i32 to index
        %get3A_938 = arith.constant 112 : index
        %get3A_939 = tpu.vector_load %arg17[%get3A_937, %get3A_938] {strides = array<i32>} : memref<320x128xf32, #tpu.memory_space<vmem>>, vector<16xf32>,
        %add3A_940 = arith.addf %add3A_934, %get3A_939 : vector<16xf32>
        %add3A_941 = arith.constant 256 : i32
        %add3A_942 = arith.addi %add3A_941, %scan3A_423 : i32
        %get3A_943 = arith.index_cast %add3A_942 : i32 to index
        %get3A_944 = arith.constant 112 : index
        %get3A_945 = tpu.vector_load %arg17[%get3A_943, %get3A_944] {strides = array<i32>} : memref<320x128xf32, #tpu.memory_space<vmem>>, vector<16xf32>,
        %add3A_946 = arith.addf %add3A_940, %get3A_945 : vector<16xf32>
        %add3A_947 = arith.constant 288 : i32
        %add3A_948 = arith.addi %add3A_947, %scan3A_423 : i32
        %get3A_949 = arith.index_cast %add3A_948 : i32 to index
        %get3A_950 = arith.constant 112 : index
        %get3A_951 = tpu.vector_load %arg17[%get3A_949, %get3A_950] {strides = array<i32>} : memref<320x128xf32, #tpu.memory_space<vmem>>, vector<16xf32>,
        %add3A_952 = arith.addf %add3A_946, %get3A_951 : vector<16xf32>
        %mul3A_953 = arith.mulf %get3A_892, %get3A_895 : vector<16xf32>
        %add3A_954 = arith.addf %add3A_887, %mul3A_953 : vector<16xf32>
        %mul3A_955 = arith.mulf %get3A_892, %add3A_952 : vector<16xf32>
        %add3A_956 = arith.addf %add3A_889, %mul3A_955 : vector<16xf32>
        %swap3A = arith.index_cast %scan3A_423 : i32 to index
        %swap3A_957 = arith.constant 0 : index
        %swap3A_958 = tpu.vector_load %arg18[%swap3A, %swap3A_957] {strides = array<i32>} : memref<32x16xf32, #tpu.memory_space<vmem>>, vector<16xf32>,
        tpu.vector_store %arg18[%swap3A, %swap3A_957], %add3A_954 {strides = array<i32>} : memref<32x16xf32, #tpu.memory_space<vmem>>, vector<16xf32>,
        %swap3A_959 = arith.index_cast %scan3A_423 : i32 to index
        %swap3A_960 = arith.constant 0 : index
        %swap3A_961 = tpu.vector_load %arg19[%swap3A_959, %swap3A_960] {strides = array<i32>} : memref<32x16xf32, #tpu.memory_space<vmem>>, vector<16xf32>,
        tpu.vector_store %arg19[%swap3A_959, %swap3A_960], %add3A_956 {strides = array<i32>} : memref<32x16xf32, #tpu.memory_space<vmem>>, vector<16xf32>,
      }
      %scan3A_416 = arith.constant 32 : i32
      %scan3A_417 = arith.constant 0 : i32
      %scan3A_418 = arith.constant 0 : i32
      %scan3A_419 = arith.constant 2 : i32
      %scan3A_420 = arith.addi %scan3A_418, %scan3A_419 : i32
      %scan3A_421 = arith.constant 1 : i32
      scf.for %scan3A_423 = %scan3A_418 to %scan3A_420 step %scan3A_421  : i32 {
        %mul3A_424 = arith.constant 16 : i32
        %mul3A_425 = arith.muli %scan3A_423, %mul3A_424 : i32
        %add3A_426 = vector.broadcast %mul3A_425 : i32 to vector<16xi32>
        %add3A_427 = arith.addi %add3A_426, %iota3A : vector<16xi32>
        %broadcast_in_dim3A = arith.constant 0 : i32
        %broadcast_in_dim3A_428 = vector.broadcast %broadcast_in_dim3A : i32 to vector<16xi32>
        %gather3A = tpu.vector_load_idx %arg18[%add3A_427, %broadcast_in_dim3A_428] : memref<32x16xf32, #tpu.memory_space<vmem>>[vector<16xi32>, vector<16xi32>], vector<16xf32>,
        %gather3A_429 = tpu.vector_load_idx %arg19[%add3A_427, %broadcast_in_dim3A_428] : memref<32x16xf32, #tpu.memory_space<vmem>>[vector<16xi32>, vector<16xi32>], vector<16xf32>,
        %broadcast_in_dim3A_430 = arith.constant 1 : i32
        %broadcast_in_dim3A_431 = vector.broadcast %broadcast_in_dim3A_430 : i32 to vector<16xi32>
        %gather3A_432 = tpu.vector_load_idx %arg18[%add3A_427, %broadcast_in_dim3A_431] : memref<32x16xf32, #tpu.memory_space<vmem>>[vector<16xi32>, vector<16xi32>], vector<16xf32>,
        %gather3A_433 = tpu.vector_load_idx %arg19[%add3A_427, %broadcast_in_dim3A_431] : memref<32x16xf32, #tpu.memory_space<vmem>>[vector<16xi32>, vector<16xi32>], vector<16xf32>,
        %add3A_434 = arith.addf %gather3A, %gather3A_432 : vector<16xf32>
        %add3A_435 = arith.addf %gather3A_429, %gather3A_433 : vector<16xf32>
        %broadcast_in_dim3A_436 = arith.constant 2 : i32
        %broadcast_in_dim3A_437 = vector.broadcast %broadcast_in_dim3A_436 : i32 to vector<16xi32>
        %gather3A_438 = tpu.vector_load_idx %arg18[%add3A_427, %broadcast_in_dim3A_437] : memref<32x16xf32, #tpu.memory_space<vmem>>[vector<16xi32>, vector<16xi32>], vector<16xf32>,
        %gather3A_439 = tpu.vector_load_idx %arg19[%add3A_427, %broadcast_in_dim3A_437] : memref<32x16xf32, #tpu.memory_space<vmem>>[vector<16xi32>, vector<16xi32>], vector<16xf32>,
        %add3A_440 = arith.addf %add3A_434, %gather3A_438 : vector<16xf32>
        %add3A_441 = arith.addf %add3A_435, %gather3A_439 : vector<16xf32>
        %broadcast_in_dim3A_442 = arith.constant 3 : i32
        %broadcast_in_dim3A_443 = vector.broadcast %broadcast_in_dim3A_442 : i32 to vector<16xi32>
        %gather3A_444 = tpu.vector_load_idx %arg18[%add3A_427, %broadcast_in_dim3A_443] : memref<32x16xf32, #tpu.memory_space<vmem>>[vector<16xi32>, vector<16xi32>], vector<16xf32>,
        %gather3A_445 = tpu.vector_load_idx %arg19[%add3A_427, %broadcast_in_dim3A_443] : memref<32x16xf32, #tpu.memory_space<vmem>>[vector<16xi32>, vector<16xi32>], vector<16xf32>,
        %add3A_446 = arith.addf %add3A_440, %gather3A_444 : vector<16xf32>
        %add3A_447 = arith.addf %add3A_441, %gather3A_445 : vector<16xf32>
        %broadcast_in_dim3A_448 = arith.constant 4 : i32
        %broadcast_in_dim3A_449 = vector.broadcast %broadcast_in_dim3A_448 : i32 to vector<16xi32>
        %gather3A_450 = tpu.vector_load_idx %arg18[%add3A_427, %broadcast_in_dim3A_449] : memref<32x16xf32, #tpu.memory_space<vmem>>[vector<16xi32>, vector<16xi32>], vector<16xf32>,
        %gather3A_451 = tpu.vector_load_idx %arg19[%add3A_427, %broadcast_in_dim3A_449] : memref<32x16xf32, #tpu.memory_space<vmem>>[vector<16xi32>, vector<16xi32>], vector<16xf32>,
        %add3A_452 = arith.addf %add3A_446, %gather3A_450 : vector<16xf32>
        %add3A_453 = arith.addf %add3A_447, %gather3A_451 : vector<16xf32>
        %broadcast_in_dim3A_454 = arith.constant 5 : i32
        %broadcast_in_dim3A_455 = vector.broadcast %broadcast_in_dim3A_454 : i32 to vector<16xi32>
        %gather3A_456 = tpu.vector_load_idx %arg18[%add3A_427, %broadcast_in_dim3A_455] : memref<32x16xf32, #tpu.memory_space<vmem>>[vector<16xi32>, vector<16xi32>], vector<16xf32>,
        %gather3A_457 = tpu.vector_load_idx %arg19[%add3A_427, %broadcast_in_dim3A_455] : memref<32x16xf32, #tpu.memory_space<vmem>>[vector<16xi32>, vector<16xi32>], vector<16xf32>,
        %add3A_458 = arith.addf %add3A_452, %gather3A_456 : vector<16xf32>
        %add3A_459 = arith.addf %add3A_453, %gather3A_457 : vector<16xf32>
        %broadcast_in_dim3A_460 = arith.constant 6 : i32
        %broadcast_in_dim3A_461 = vector.broadcast %broadcast_in_dim3A_460 : i32 to vector<16xi32>
        %gather3A_462 = tpu.vector_load_idx %arg18[%add3A_427, %broadcast_in_dim3A_461] : memref<32x16xf32, #tpu.memory_space<vmem>>[vector<16xi32>, vector<16xi32>], vector<16xf32>,
        %gather3A_463 = tpu.vector_load_idx %arg19[%add3A_427, %broadcast_in_dim3A_461] : memref<32x16xf32, #tpu.memory_space<vmem>>[vector<16xi32>, vector<16xi32>], vector<16xf32>,
        %add3A_464 = arith.addf %add3A_458, %gather3A_462 : vector<16xf32>
        %add3A_465 = arith.addf %add3A_459, %gather3A_463 : vector<16xf32>
        %broadcast_in_dim3A_466 = arith.constant 7 : i32
        %broadcast_in_dim3A_467 = vector.broadcast %broadcast_in_dim3A_466 : i32 to vector<16xi32>
        %gather3A_468 = tpu.vector_load_idx %arg18[%add3A_427, %broadcast_in_dim3A_467] : memref<32x16xf32, #tpu.memory_space<vmem>>[vector<16xi32>, vector<16xi32>], vector<16xf32>,
        %gather3A_469 = tpu.vector_load_idx %arg19[%add3A_427, %broadcast_in_dim3A_467] : memref<32x16xf32, #tpu.memory_space<vmem>>[vector<16xi32>, vector<16xi32>], vector<16xf32>,
        %add3A_470 = arith.addf %add3A_464, %gather3A_468 : vector<16xf32>
        %add3A_471 = arith.addf %add3A_465, %gather3A_469 : vector<16xf32>
        %broadcast_in_dim3A_472 = arith.constant 8 : i32
        %broadcast_in_dim3A_473 = vector.broadcast %broadcast_in_dim3A_472 : i32 to vector<16xi32>
        %gather3A_474 = tpu.vector_load_idx %arg18[%add3A_427, %broadcast_in_dim3A_473] : memref<32x16xf32, #tpu.memory_space<vmem>>[vector<16xi32>, vector<16xi32>], vector<16xf32>,
        %gather3A_475 = tpu.vector_load_idx %arg19[%add3A_427, %broadcast_in_dim3A_473] : memref<32x16xf32, #tpu.memory_space<vmem>>[vector<16xi32>, vector<16xi32>], vector<16xf32>,
        %add3A_476 = arith.addf %add3A_470, %gather3A_474 : vector<16xf32>
        %add3A_477 = arith.addf %add3A_471, %gather3A_475 : vector<16xf32>
        %broadcast_in_dim3A_478 = arith.constant 9 : i32
        %broadcast_in_dim3A_479 = vector.broadcast %broadcast_in_dim3A_478 : i32 to vector<16xi32>
        %gather3A_480 = tpu.vector_load_idx %arg18[%add3A_427, %broadcast_in_dim3A_479] : memref<32x16xf32, #tpu.memory_space<vmem>>[vector<16xi32>, vector<16xi32>], vector<16xf32>,
        %gather3A_481 = tpu.vector_load_idx %arg19[%add3A_427, %broadcast_in_dim3A_479] : memref<32x16xf32, #tpu.memory_space<vmem>>[vector<16xi32>, vector<16xi32>], vector<16xf32>,
        %add3A_482 = arith.addf %add3A_476, %gather3A_480 : vector<16xf32>
        %add3A_483 = arith.addf %add3A_477, %gather3A_481 : vector<16xf32>
        %broadcast_in_dim3A_484 = arith.constant 10 : i32
        %broadcast_in_dim3A_485 = vector.broadcast %broadcast_in_dim3A_484 : i32 to vector<16xi32>
        %gather3A_486 = tpu.vector_load_idx %arg18[%add3A_427, %broadcast_in_dim3A_485] : memref<32x16xf32, #tpu.memory_space<vmem>>[vector<16xi32>, vector<16xi32>], vector<16xf32>,
        %gather3A_487 = tpu.vector_load_idx %arg19[%add3A_427, %broadcast_in_dim3A_485] : memref<32x16xf32, #tpu.memory_space<vmem>>[vector<16xi32>, vector<16xi32>], vector<16xf32>,
        %add3A_488 = arith.addf %add3A_482, %gather3A_486 : vector<16xf32>
        %add3A_489 = arith.addf %add3A_483, %gather3A_487 : vector<16xf32>
        %broadcast_in_dim3A_490 = arith.constant 11 : i32
        %broadcast_in_dim3A_491 = vector.broadcast %broadcast_in_dim3A_490 : i32 to vector<16xi32>
        %gather3A_492 = tpu.vector_load_idx %arg18[%add3A_427, %broadcast_in_dim3A_491] : memref<32x16xf32, #tpu.memory_space<vmem>>[vector<16xi32>, vector<16xi32>], vector<16xf32>,
        %gather3A_493 = tpu.vector_load_idx %arg19[%add3A_427, %broadcast_in_dim3A_491] : memref<32x16xf32, #tpu.memory_space<vmem>>[vector<16xi32>, vector<16xi32>], vector<16xf32>,
        %add3A_494 = arith.addf %add3A_488, %gather3A_492 : vector<16xf32>
        %add3A_495 = arith.addf %add3A_489, %gather3A_493 : vector<16xf32>
        %broadcast_in_dim3A_496 = arith.constant 12 : i32
        %broadcast_in_dim3A_497 = vector.broadcast %broadcast_in_dim3A_496 : i32 to vector<16xi32>
        %gather3A_498 = tpu.vector_load_idx %arg18[%add3A_427, %broadcast_in_dim3A_497] : memref<32x16xf32, #tpu.memory_space<vmem>>[vector<16xi32>, vector<16xi32>], vector<16xf32>,
        %gather3A_499 = tpu.vector_load_idx %arg19[%add3A_427, %broadcast_in_dim3A_497] : memref<32x16xf32, #tpu.memory_space<vmem>>[vector<16xi32>, vector<16xi32>], vector<16xf32>,
        %add3A_500 = arith.addf %add3A_494, %gather3A_498 : vector<16xf32>
        %add3A_501 = arith.addf %add3A_495, %gather3A_499 : vector<16xf32>
        %broadcast_in_dim3A_502 = arith.constant 13 : i32
        %broadcast_in_dim3A_503 = vector.broadcast %broadcast_in_dim3A_502 : i32 to vector<16xi32>
        %gather3A_504 = tpu.vector_load_idx %arg18[%add3A_427, %broadcast_in_dim3A_503] : memref<32x16xf32, #tpu.memory_space<vmem>>[vector<16xi32>, vector<16xi32>], vector<16xf32>,
        %gather3A_505 = tpu.vector_load_idx %arg19[%add3A_427, %broadcast_in_dim3A_503] : memref<32x16xf32, #tpu.memory_space<vmem>>[vector<16xi32>, vector<16xi32>], vector<16xf32>,
        %add3A_506 = arith.addf %add3A_500, %gather3A_504 : vector<16xf32>
        %add3A_507 = arith.addf %add3A_501, %gather3A_505 : vector<16xf32>
        %broadcast_in_dim3A_508 = arith.constant 14 : i32
        %broadcast_in_dim3A_509 = vector.broadcast %broadcast_in_dim3A_508 : i32 to vector<16xi32>
        %gather3A_510 = tpu.vector_load_idx %arg18[%add3A_427, %broadcast_in_dim3A_509] : memref<32x16xf32, #tpu.memory_space<vmem>>[vector<16xi32>, vector<16xi32>], vector<16xf32>,
        %gather3A_511 = tpu.vector_load_idx %arg19[%add3A_427, %broadcast_in_dim3A_509] : memref<32x16xf32, #tpu.memory_space<vmem>>[vector<16xi32>, vector<16xi32>], vector<16xf32>,
        %add3A_512 = arith.addf %add3A_506, %gather3A_510 : vector<16xf32>
        %add3A_513 = arith.addf %add3A_507, %gather3A_511 : vector<16xf32>
        %broadcast_in_dim3A_514 = arith.constant 15 : i32
        %broadcast_in_dim3A_515 = vector.broadcast %broadcast_in_dim3A_514 : i32 to vector<16xi32>
        %gather3A_516 = tpu.vector_load_idx %arg18[%add3A_427, %broadcast_in_dim3A_515] : memref<32x16xf32, #tpu.memory_space<vmem>>[vector<16xi32>, vector<16xi32>], vector<16xf32>,
        %gather3A_517 = tpu.vector_load_idx %arg19[%add3A_427, %broadcast_in_dim3A_515] : memref<32x16xf32, #tpu.memory_space<vmem>>[vector<16xi32>, vector<16xi32>], vector<16xf32>,
        %add3A_518 = arith.addf %add3A_512, %gather3A_516 : vector<16xf32>
        %add3A_519 = arith.addf %add3A_513, %gather3A_517 : vector<16xf32>
        %mul3A_520 = arith.constant 16 : i32
        %mul3A_521 = arith.muli %scan3A_423, %mul3A_520 : i32
        %multiple_of3A_522 = tpu.assume_multiple %mul3A_521, 16 : i32
        %swap3A = arith.index_cast %multiple_of3A_522 : i32 to index
        %swap3A_523 = tpu.vector_load %arg20[%swap3A] {strides = array<i32>} : memref<32xf32, #tpu.memory_space<vmem>>, vector<16xf32>,
        tpu.vector_store %arg20[%swap3A], %add3A_518 {strides = array<i32>} : memref<32xf32, #tpu.memory_space<vmem>>, vector<16xf32>,
        %swap3A_524 = arith.index_cast %multiple_of3A_522 : i32 to index
        %swap3A_525 = tpu.vector_load %arg21[%swap3A_524] {strides = array<i32>} : memref<32xf32, #tpu.memory_space<vmem>>, vector<16xf32>,
        tpu.vector_store %arg21[%swap3A_524], %add3A_519 {strides = array<i32>} : memref<32xf32, #tpu.memory_space<vmem>>, vector<16xf32>,
      }
      %scan3A_422 = arith.constant 2 : i32
      "tpu.region"() ({
        %run_scoped3A_423 = tpu.sem_alloc : memref<!tpu.dma_semaphore, #tpu.memory_space<semaphore_mem>>
        %dma_start3A_424 = tpu.memref_slice %arg7[%add3A_410] : memref<16384xf32, #tpu.memory_space<hbm>> -> memref<32xf32, #tpu.memory_space<hbm>>
        %dma_start3A_425 = tpu.memref_slice %arg7[%add3A_410] : memref<16384xf32, #tpu.memory_space<hbm>> -> memref<32xf32, #tpu.memory_space<hbm>>
        tpu.enqueue_dma source(%arg20 : memref<32xf32, #tpu.memory_space<vmem>>) target(%dma_start3A_425 : memref<32xf32, #tpu.memory_space<hbm>>) target_semaphore(%run_scoped3A_423 : memref<!tpu.dma_semaphore, #tpu.memory_space<semaphore_mem>>)
        %dma_wait3A_426 = tpu.memref_slice %arg7[%add3A_410] : memref<16384xf32, #tpu.memory_space<hbm>> -> memref<32xf32, #tpu.memory_space<hbm>>
        %dma_wait3A_427 = tpu.memref_slice %arg7[%add3A_410] : memref<16384xf32, #tpu.memory_space<hbm>> -> memref<32xf32, #tpu.memory_space<hbm>>
        tpu.wait_dma2 semaphore(%run_scoped3A_423 : memref<!tpu.dma_semaphore, #tpu.memory_space<semaphore_mem>>) src(%arg20 : memref<32xf32, #tpu.memory_space<vmem>>) dst(%dma_wait3A_427 : memref<32xf32, #tpu.memory_space<hbm>>)
        tpu.yield
      }) : () -> ()
      "tpu.region"() ({
        %run_scoped3A_423 = tpu.sem_alloc : memref<!tpu.dma_semaphore, #tpu.memory_space<semaphore_mem>>
        %dma_start3A_424 = tpu.memref_slice %arg8[%add3A_410] : memref<16384xf32, #tpu.memory_space<hbm>> -> memref<32xf32, #tpu.memory_space<hbm>>
        %dma_start3A_425 = tpu.memref_slice %arg8[%add3A_410] : memref<16384xf32, #tpu.memory_space<hbm>> -> memref<32xf32, #tpu.memory_space<hbm>>
        tpu.enqueue_dma source(%arg21 : memref<32xf32, #tpu.memory_space<vmem>>) target(%dma_start3A_425 : memref<32xf32, #tpu.memory_space<hbm>>) target_semaphore(%run_scoped3A_423 : memref<!tpu.dma_semaphore, #tpu.memory_space<semaphore_mem>>)
        %dma_wait3A_426 = tpu.memref_slice %arg8[%add3A_410] : memref<16384xf32, #tpu.memory_space<hbm>> -> memref<32xf32, #tpu.memory_space<hbm>>
        %dma_wait3A_427 = tpu.memref_slice %arg8[%add3A_410] : memref<16384xf32, #tpu.memory_space<hbm>> -> memref<32xf32, #tpu.memory_space<hbm>>
        tpu.wait_dma2 semaphore(%run_scoped3A_423 : memref<!tpu.dma_semaphore, #tpu.memory_space<semaphore_mem>>) src(%arg21 : memref<32xf32, #tpu.memory_space<vmem>>) dst(%dma_wait3A_427 : memref<32xf32, #tpu.memory_space<hbm>>)
        tpu.yield
      }) : () -> ()
    }
    %scan3A_135 = arith.constant 8 : i32
    %dma_wait3A = arith.constant 0 : i32
    %dma_wait3A_136 = arith.constant 0 : i32
    %dma_wait3A_137 = tpu.memref_slice %arg5[%dma_wait3A, %dma_wait3A_136] : memref<100000x128xf32, #tpu.memory_space<hbm>> -> memref<32x128xf32, #tpu.memory_space<hbm>>
    %dma_wait3A_138 = arith.constant 0 : i32
    %dma_wait3A_139 = arith.constant 0 : i32
    %dma_wait3A_140 = tpu.memref_slice %arg5[%dma_wait3A_138, %dma_wait3A_139] : memref<100000x128xf32, #tpu.memory_space<hbm>> -> memref<32x128xf32, #tpu.memory_space<hbm>>
    tpu.wait_dma2 semaphore(%arg22 : memref<!tpu.dma_semaphore, #tpu.memory_space<semaphore_mem>>) src(%dma_wait3A_140 : memref<32x128xf32, #tpu.memory_space<hbm>>) dst(%arg12 : memref<32x128xf32, #tpu.memory_space<vmem>>)
    %dma_wait3A_141 = arith.constant 0 : i32
    %dma_wait3A_142 = arith.constant 0 : i32
    %dma_wait3A_143 = tpu.memref_slice %arg6[%dma_wait3A_141, %dma_wait3A_142] : memref<100000x128xf32, #tpu.memory_space<hbm>> -> memref<32x128xf32, #tpu.memory_space<hbm>>
    %dma_wait3A_144 = arith.constant 0 : i32
    %dma_wait3A_145 = arith.constant 0 : i32
    %dma_wait3A_146 = tpu.memref_slice %arg6[%dma_wait3A_144, %dma_wait3A_145] : memref<100000x128xf32, #tpu.memory_space<hbm>> -> memref<32x128xf32, #tpu.memory_space<hbm>>
    tpu.wait_dma2 semaphore(%arg22 : memref<!tpu.dma_semaphore, #tpu.memory_space<semaphore_mem>>) src(%dma_wait3A_146 : memref<32x128xf32, #tpu.memory_space<hbm>>) dst(%arg14 : memref<32x128xf32, #tpu.memory_space<vmem>>)
    %dma_wait3A_147 = arith.constant 0 : i32
    %dma_wait3A_148 = arith.constant 0 : i32
    %dma_wait3A_149 = tpu.memref_slice %arg6[%dma_wait3A_147, %dma_wait3A_148] : memref<100000x128xf32, #tpu.memory_space<hbm>> -> memref<320x128xf32, #tpu.memory_space<hbm>>
    %dma_wait3A_150 = arith.constant 0 : i32
    %dma_wait3A_151 = arith.constant 0 : i32
    %dma_wait3A_152 = tpu.memref_slice %arg6[%dma_wait3A_150, %dma_wait3A_151] : memref<100000x128xf32, #tpu.memory_space<hbm>> -> memref<320x128xf32, #tpu.memory_space<hbm>>
    tpu.wait_dma2 semaphore(%arg22 : memref<!tpu.dma_semaphore, #tpu.memory_space<semaphore_mem>>) src(%dma_wait3A_152 : memref<320x128xf32, #tpu.memory_space<hbm>>) dst(%arg16 : memref<320x128xf32, #tpu.memory_space<vmem>>)
    return
  }
}

module attributes {stable_mosaic.version = 14 : i64} {
  func.func @_loss_body(%arg0: memref<128x128xf32, #tpu.memory_space<vmem>>, %arg1: memref<128x128xf32, #tpu.memory_space<vmem>>, %arg2: memref<1x1xf32, #tpu.memory_space<smem>>) attributes {dimension_semantics = [], scalar_prefetch = 0 : i64, scratch_operands = 0 : i64, tpu.core_type = #tpu.core_type<tc>} {
    %get3A = arith.constant 0 : index
    %get3A_0 = arith.constant 0 : index
    %get3A_1 = vector.load %arg0[%get3A, %get3A_0] : memref<128x128xf32, #tpu.memory_space<vmem>>, vector<128x128xf32>
    %logistic3A = arith.negf %get3A_1 : vector<128x128xf32>
    %logistic3A_2 = math.exp %logistic3A : vector<128x128xf32>
    %logistic3A_3 = arith.constant 1.000000e+00 : f32
    %logistic3A_4 = vector.broadcast %logistic3A_3 : f32 to vector<128x128xf32>
    %logistic3A_5 = arith.addf %logistic3A_4, %logistic3A_2 : vector<128x128xf32>
    %logistic3A_6 = arith.divf %logistic3A_4, %logistic3A_5 : vector<128x128xf32>
    %log3A = math.log %logistic3A_6 : vector<128x128xf32>
    %get3A_7 = arith.constant 0 : index
    %get3A_8 = arith.constant 0 : index
    %get3A_9 = vector.load %arg1[%get3A_7, %get3A_8] : memref<128x128xf32, #tpu.memory_space<vmem>>, vector<128x128xf32>
    %neg3A = arith.constant 0.000000e+00 : f32
    %neg3A_10 = vector.broadcast %neg3A : f32 to vector<128x128xf32>
    %neg3A_11 = arith.subf %neg3A_10, %get3A_9 : vector<128x128xf32>
    %logistic3A_12 = arith.negf %neg3A_11 : vector<128x128xf32>
    %logistic3A_13 = math.exp %logistic3A_12 : vector<128x128xf32>
    %logistic3A_14 = arith.constant 1.000000e+00 : f32
    %logistic3A_15 = vector.broadcast %logistic3A_14 : f32 to vector<128x128xf32>
    %logistic3A_16 = arith.addf %logistic3A_15, %logistic3A_13 : vector<128x128xf32>
    %logistic3A_17 = arith.divf %logistic3A_15, %logistic3A_16 : vector<128x128xf32>
    %log3A_18 = math.log %logistic3A_17 : vector<128x128xf32>
    %add3A = arith.addf %log3A, %log3A_18 : vector<128x128xf32>
    %reduce_sum3A = vector.shape_cast %add3A : vector<128x128xf32> to vector<1x128x128xf32>
    %reduce_sum3A_19 = arith.constant dense<0.000000e+00> : vector<1xf32>
    %reduce_sum3A_20 = vector.multi_reduction <add>, %reduce_sum3A, %reduce_sum3A_19 [1, 2] : vector<1x128x128xf32> to vector<1xf32>
    %reduce_sum3A_21 = vector.shape_cast %reduce_sum3A_20 : vector<1xf32> to vector<1x1x1xf32>
    %reduce_sum3A_22 = vector.extract %reduce_sum3A_21[0, 0, 0] : f32 from vector<1x1x1xf32>
    %neg3A_23 = arith.constant 0.000000e+00 : f32
    %neg3A_24 = arith.subf %neg3A_23, %reduce_sum3A_22 : f32
    %div3A = arith.constant 1.638400e+04 : f32
    %div3A_25 = arith.divf %neg3A_24, %div3A : f32
    %swap3A = arith.constant 0 : index
    %swap3A_26 = arith.constant 0 : index
    %swap3A_27 = memref.load %arg2[%swap3A, %swap3A_26] : memref<1x1xf32, #tpu.memory_space<smem>>
    memref.store %div3A_25, %arg2[%swap3A, %swap3A_26] : memref<1x1xf32, #tpu.memory_space<smem>>
    return
  }
}

</mosaic_0001>

<sc_bundles>
// kernel: kernel.4.cloned.1.call-start
scs
__scs_entry_jumppad:
0x0: {  	(pc) =	sbr.rel $0x88, $3  }
0x1: {  	(tag) =	ssettag $0x0;
	lr =	simm.s32 $0x1  }
0x2: {  	[smem:$0x3F9C] =	sst lr;
	_ =	strace $0xD0000000  }
0x3: {  	_ = 	snop  }
0x4: {  	_ = 	snop  }
0x5: {  	_ = 	snop  }
0x6: {  	_ = 	snop  }
0x7: {  	_ = 	snop  }
__scs_overlays_trampoline_lowered:
0x8: {  	[smem:$0x3FAB] =	sst s0  }
0x9: {  	[smem:$0x3FAC] =	sst s1  }
0xa: {  	[smem:$0x3FAD] =	sst s2  }
0xb: {  	[smem:$0x3FAE] =	sst s3  }
0xc: {  	[smem:$0x3FAF] =	sst s4  }
0xd: {  	[smem:$0x3FB0] =	sst s5  }
0xe: {  	[smem:$0x3FB1] =	sst s6  }
0xf: {  	[smem:$0x3FB2] =	sst s7  }
0x10: {  	[smem:$0x3FB3] =	sst s8  }
0x11: {  	[smem:$0x3FB4] =	sst s9;
	s0 =	simm.s32 @!p0 $0x0  }
0x12: {  	s1 =	sld [smem:$0x3F9A];
	s0 =	simm.s32 @p0 $0x1  }
0x13: {  	[smem:$0x3FB5] =	sst s0;
	s0 =	simm.s32 @!p1 $0x0  }
0x14: {  	s2 =	sld [smem:$0x3F99];
	s0 =	simm.s32 @p1 $0x1  }
0x15: {  	[smem:$0x3FB6] =	sst s0;
	s0 =	simm.s32 @!p2 $0x0  }
0x16: {  	s3 =	sld [smem:$0x3FDB];
	s0 =	simm.s32 @p2 $0x1  }
0x17: {  	s4 =	simm.s32 $0x1BF5;
	[smem:$0x3FB8] =	sst s0  }
0x18: {  	s0 =	sld [smem:$0x3F9B];
	_ =	swait.ge [sflag:s4], $0x0  }
0x19: {  	s7 =	sld [smem:$0x3F9C]  }
0x1a: {  	s8 =	sadd.s32 $0xFFFFE003, lr  }
0x1b: {  	s9 =	sadd.s32 $0xFFFFFEF7, lr;
	s5 =	simm.s32 $0xFFFFFFFF;
	p2 =	slt.u32 s8, $0xFFFFF086  }
0x1c: {  	p1 =	slt.u32 s9, $0xF7A;
	s5 =	simm.s32 @!p2 $0x0  }
0x1d: {  	s5 =	simm.s32 @p1 $0x1;
	p0 =	seq.s32 s7, s2  }
0x1e: {  	s7 =	smul.u32 @!p0 $0xF7A, s2;
	p2 =	seq.s32 @!p0 s5, $0x0  }
0x1f: {  	s9 =	smul.u32 $0xF7A, s1;
	s8 =	simm.s32 @!p0 $0x1BF5;
	p2 =	por !p2, p0  }
0x20: {  	[sflag:s8] =	ssyncset.s32 @!p0 $0xFFFFF086;
	s6 =	sadd.s32 @!p0 s3, s7;
	s7 =	simm.s32 @!p0 $0x108  }
0x21: {  	s3 =	sadd.s32 s3, s9;
	s6 =	sadd.s32 @!p0 $0x88, s6;
	s7 =	simm.s32 @p2 $0x1082  }
0x22: {  	[simem:s7], [sflag:s8] =	dma.local @!p0 [hbm:s6], $0xF7A  }
0x23: {  	s9 =	sor.u32 $0xD0000000, s2;
	s6 =	simm.s32 $0x108;
	_ =	swait.ge @!p0 [sflag:s8], $0x0  }
0x24: {  	s3 =	sadd.s32 $0x88, s3;
	s6 =	simm.s32 @!p1 $0x1082;
	[sflag:s4] =	ssyncset.s32 $0xFFFFF086  }
0x25: {  	[simem:s6], [sflag:s4] =	dma.local [hbm:s3], $0xF7A  }
0x26: {  	[smem:$0x3F9C] =	sst s1;
	(tag) =	ssettag s2;
	_ =	strace s9  }
0x27: {  	s1 =	sld [smem:$0x3FAC]  }
0x28: {  	s2 =	sld [smem:$0x3FAD]  }
0x29: {  	s4 =	sld [smem:$0x3FAF]  }
0x2a: {  	p0 =	seq.s32 s5, $0x0;
	s5 =	sld [smem:$0x3FB0]  }
0x2b: {  	s6 =	sld [smem:$0x3FB1]  }
0x2c: {  	s7 =	sld [smem:$0x3FB2]  }
0x2d: {  	s3 =	simm.s32 $0x108;
	s8 =	sld [smem:$0x3FB3]  }
0x2e: {  	s3 =	simm.s32 @!p0 $0x1082;
	s9 =	sld [smem:$0x3FB4]  }
0x2f: {  	lr =	sadd.s32 s0, s3;
	s0 =	sld [smem:$0x3FAB]  }
0x30: {  	s3 =	sld [smem:$0x3FAE]  }
0x31: {  	[smem:$0x3FB7] =	sst s10  }
0x32: {  	s10 =	sld [smem:$0x3FB5];
	_ =	sdelay $0x3  }
0x33: {  	p0 =	seq.s32 s10, $0x1;
	s10 =	sld [smem:$0x3FB7];
	_ =	sdelay $0x3  }
0x34: {  	[smem:$0x3FB7] =	sst s10  }
0x35: {  	s10 =	sld [smem:$0x3FB6];
	_ =	sdelay $0x3  }
0x36: {  	p1 =	seq.s32 s10, $0x1;
	s10 =	sld [smem:$0x3FB7];
	_ =	sdelay $0x3  }
0x37: {  	[smem:$0x3FB7] =	sst s10  }
0x38: {  	s10 =	sld [smem:$0x3FB8]  }
0x39: {  	_ = 	snop;
	(pc) =	sbr.ind lr, $3  }
0x3a: {  	_ = 	snop  }
0x3b: {  	_ = 	snop  }
0x3c: {  	p2 =	seq.s32 s10, $0x1;
	s10 =	sld [smem:$0x3FB7]  }
0x3d: {  	_ =	shalt  }
0x3e: {  	_ =	shalt  }
0x3f: {  	_ =	shalt  }
0x40: {  	_ =	shalt  }
0x41: {  	_ =	shalt  }
0x42: {  	_ =	shalt  }
0x43: {  	_ =	shalt  }
0x44: {  	_ =	shalt  }
0x45: {  	_ =	shalt  }
0x46: {  	_ =	shalt  }
0x47: {  	_ =	shalt  }
0x48: {  	_ =	shalt  }
0x49: {  	_ =	shalt  }
0x4a: {  	_ =	shalt  }
0x4b: {  	_ =	shalt  }
0x4c: {  	_ =	shalt  }
0x4d: {  	_ =	shalt  }
0x4e: {  	_ =	shalt  }
0x4f: {  	_ =	shalt  }
0x50: {  	_ =	shalt  }
0x51: {  	_ =	shalt  }
0x52: {  	_ =	shalt  }
0x53: {  	_ =	shalt  }
0x54: {  	_ =	shalt  }
0x55: {  	_ =	shalt  }
0x56: {  	_ =	shalt  }
0x57: {  	_ =	shalt  }
0x58: {  	_ =	shalt  }
0x59: {  	_ =	shalt  }
0x5a: {  	_ =	shalt  }
0x5b: {  	_ =	shalt  }
0x5c: {  	_ =	shalt  }
0x5d: {  	_ =	shalt  }
0x5e: {  	_ =	shalt  }
0x5f: {  	_ =	shalt  }
0x60: {  	_ =	shalt  }
0x61: {  	_ =	shalt  }
0x62: {  	_ =	shalt  }
0x63: {  	_ =	shalt  }
0x64: {  	_ =	shalt  }
0x65: {  	_ =	shalt  }
0x66: {  	_ =	shalt  }
0x67: {  	_ =	shalt  }
0x68: {  	_ =	shalt  }
0x69: {  	_ =	shalt  }
0x6a: {  	_ =	shalt  }
0x6b: {  	_ =	shalt  }
0x6c: {  	_ =	shalt  }
0x6d: {  	_ =	shalt  }
0x6e: {  	_ =	shalt  }
0x6f: {  	_ =	shalt  }
0x70: {  	_ =	shalt  }
0x71: {  	_ =	shalt  }
0x72: {  	_ =	shalt  }
0x73: {  	_ =	shalt  }
0x74: {  	_ =	shalt  }
0x75: {  	_ =	shalt  }
0x76: {  	_ =	shalt  }
0x77: {  	_ =	shalt  }
0x78: {  	_ =	shalt  }
0x79: {  	_ =	shalt  }
0x7a: {  	_ =	shalt  }
0x7b: {  	_ =	shalt  }
0x7c: {  	_ =	shalt  }
0x7d: {  	_ =	shalt  }
0x7e: {  	_ =	shalt  }
0x7f: {  	_ =	shalt  }
0x80: {  	_ =	shalt  }
0x81: {  	_ =	shalt  }
0x82: {  	_ =	shalt  }
0x83: {  	_ =	shalt  }
0x84: {  	_ =	shalt  }
0x85: {  	_ =	shalt  }
0x86: {  	_ =	shalt  }
0x87: {  	_ =	shalt  }
.Lfunc_end0:
.L_simem_size_0:
called_computation_lowered:
.L_overlay_start_0:
0x88: {  	s2 =	sld [smem:$0x3FD9]  }
0x89: {  	s3 =	sld [smem:$0x3FFE];
	_ =	sdelay $0x1  }
0x8a: {  	s1 =	srdreg.scid  }
0x8b: {  	s0 =	sand.u32 $0x1, s1  }
0x8c: {  	s17 =	sshll.u32 s0, $0xA;
	s2 =	sadd.s32 s3, s2  }
0x8d: {  	s2 =	sadd.s32 s2, s17  }
0x8e: {  	[smem:$0x3FC3] =	sst s2  }
0x8f: {  	_ = 	snop  }
0x90: {  	s2 =	sld [smem:$0x3FC9]  }
0x91: {  	s18 =	sld [smem:$0x3FC8]  }
0x92: {  	s4 =	sld [smem:$0x3FC6]  }
0x93: {  	s5 =	sld [smem:$0x3FC5];
	(tm) =	ssettm $0x1  }
0x94: {  	s6 =	sld [smem:$0x3FFB];
	_ =	sdelay $0x3  }
0x95: {  	_ =	strace s6  }
0x96: {  	s6 =	sld [smem:$0x3FFC];
	_ =	sdelay $0x3  }
0x97: {  	_ =	strace s6  }
0x98: {  	s6 =	sld [smem:$0x3FFD];
	_ =	sdelay $0x3  }
0x99: {  	_ =	strace s6  }
0x9a: {  	_ =	strace $0x8FFFFFFF  }
0x9b: {  	s19 =	sld [smem:$0x3FDB];
	_ =	sdelay $0x1  }
0x9c: {  	s7 =	simm.s32 $_scs_section_size  }
0x9d: {  	s8 =	simm.s32 $_size__tile_overlayer_lowered;
	s9 =	simm.s32 $_tile_overlayer_lowered  }
0x9e: {  	s22 =	simm.s32 $0x1BFF;
	s21 =	sshll.u32 s9, $0x1;
	s6 =	sadd.s32 s7, s19  }
0x9f: {  	s10 =	simm.s32 $0x0;
	s20 =	sshll.u32 s8, $0x1;
	s8 =	sadd.s32 s21, s6  }
0xa0: {  	[timem:s10], [sflag:s22] =	dma.local [hbm:s8], s20  }
0xa1: {  	_ =	swait.ge [sflag:s22], s20  }
0xa2: {  	s7 =	ssub.s32 $0x0, s20;
	[sflag:s22] =	ssyncset.done $0x0  }
0xa3: {  	[sflag:s22] =	ssyncadd.s32 s7;
	_ =	sdelay $0x1  }
0xa4: {  	s23 =	simm.s32 $0x1B8B  }
0xa5: {  	_ =	swait.ge [sflag:s23], $0x1  }
0xa6: {  	[sflag:s23] =	ssyncset.done $0x0  }
0xa7: {  	s25 =	simm.s32 $0x1B8E;
	s24 =	sld [smem:$0x3FFE];
	[sflag:s23] =	ssyncadd.s32 $0xFFFFFFFF  }
0xa8: {  	s26 =	simm.s32 $execute0_lowered;
	[smem:$0x3FD2] =	sst s25  }
0xa9: {  	s8 =	sshll.u32 s26, $0x1;
	_ =	strace $0x80000046;
	[dreg:$0x1] =	wrdreg $0xFFFFFFFF  }
0xaa: {  	s28 =	simm.s32 $_size_execute0_lowered;
	s6 =	sadd.s32 s6, s8;
	[dreg:$0x0] =	wrdreg $0x0  }
0xab: {  	s8 =	sshll.u32 s28, $0x1;
	[dreg:$0x2] =	wrdreg s6  }
0xac: {  	[dreg:$0x3] =	wrdreg s8  }
0xad: {  	[dreg:$0x4] =	wrdreg $0xC0  }
0xae: {  	_ =	task [dreg:s10], $0x5FFFF  }
0xaf: {  	[dreg:$0x1] =	wrdreg $0xFFFFFFFF  }
0xb0: {  	[dreg:$0x0] =	wrdreg $0x60  }
0xb1: {  	[dreg:$0x2] =	wrdreg s2  }
0xb2: {  	[dreg:$0x3] =	wrdreg s18  }
0xb3: {  	[dreg:$0x4] =	wrdreg s24  }
0xb4: {  	[dreg:$0x5] =	wrdreg s4  }
0xb5: {  	[dreg:$0x6] =	wrdreg s5  }
0xb6: {  	[dreg:$0x7] =	wrdreg $0x9  }
0xb7: {  	_ =	task.clear_ibuf [dreg:s10], $0x8FFFF;
	_ =	strace $0x90000046  }
0xb8: {  	s29 =	simm.s32 $0x9;
	_ =	strace $0x80000048  }
0xb9: {  	_ =	swait.ge [sflag:s29], $0x1  }
0xba: {  	[sflag:s29] =	ssyncadd.s32 $0xFFFFFFFF  }
0xbb: {  	_ =	strace $0x90000048  }
0xbc: {  	_ =	sfence  }
0xbd: {  	s30 =	sld [smem:$0x0];
	_ =	sdelay $0x2  }
0xbe: {  	s31 =	sshll.u32 s1, $0xD;
	s1 =	sshrl.u32 s1, $0x2  }
0xbf: {  	s3 =	sand.u32 $0x4000, s31;
	s1 =	sadd.s32 s1, s30  }
0xc0: {  	s0 =	sor.u32 s3, s0;
	s1 =	sshll.u32 s1, $0x11  }
0xc1: {  	s0 =	sor.u32 s1, s0  }
0xc2: {  	s0 =	sadd.s32 $0x8F2B, s0  }
0xc3: {  	[sflag:s0] =	ssyncadd.remote.s32 $0x1  }
0xc4: {  	_ =	sfence.sel $0xFFFF  }
0xc5: {  	[dreg:$0x0] =	wrdreg $0xFFFFFFFF;
	(pc) =	sbr.abs _section_cstart, $3  }
0xc6: {  	[dreg:$0x1] =	wrdreg $0xFFFFFFFF  }
0xc7: {  	_ =	task.clear_ibuf [dreg:s10], $0x2FFFF;
	_ =	strace $0x9FFFFFFF  }
0xc8: {  	(tm) =	ssettm $0x7FFFFFFF  }
0xc9: {  	_ =	shalt  }
tec
execute0_lowered:
.L_overlay_start_1:
0x0: {  	(tag) =	ssettag $0x1  }
0x1: {  	s0 =	rddreg [dreg:$0x0]  }
0x2: {  	s1 =	rddreg [dreg:$0x1];
	s3 =	srdreg.scid  }
0x3: {  	s7 =	rddreg [dreg:$0x2];
	s4 =	stileid.u32;
	s6 =	sand.u32 $0x1, s3  }
0x4: {  	s2 =	rddreg [dreg:$0x3];
	s5 =	sshll.u32 s4, $0xA;
	s8 =	sshll.u32 s6, $0x9  }
0x5: {  	s3 =	rddreg [dreg:$0x4];
	s4 =	simm.s32 $0x0;
	s5 =	sor.u32 s8, s5  }
0x6: {  	[smem:$0x7FF] =	sst s4;
	s9 =	ssub.s32 $0x2, s6;
	s8 =	sshrl.u32 s5, $0x3  }
0x7: {  	_ =	strace $0x80000047;
	s11 =	sshrl.u32 s9, $0x1;
	s0 =	sadd.s32 s0, s8  }
0x8: {  	s9 =	ssub.s32 s9, s11;
	s19 =	sadd.s32 s1, s8;
	[dreg:$0x6] =	wrdreg s0  }
0x9: {  	s10 =	sadd.s32 s8, s7;
	s31 =	smax.u32 s9, $0x1;
	[dreg:$0x7] =	wrdreg s19  }
0xa: {  	s20 =	sadd.s32 $0xC00, s10;
	[dreg:$0x12] =	wrdreg s31  }
0xb: {  	s12 =	simm.s32 $0x19800;
	s21 =	sadd.s32 $0x1400, s10;
	[dreg:$0x8] =	wrdreg s20  }
0xc: {  	s13 =	simm.s32 $0x19A00;
	s22 =	sadd.s32 $0x1C00, s10;
	[dreg:$0x9] =	wrdreg s21  }
0xd: {  	s14 =	simm.s32 $0x19C00;
	s23 =	sadd.s32 $0x2400, s10;
	[dreg:$0xa] =	wrdreg s22  }
0xe: {  	s15 =	simm.s32 $0x19C20;
	s24 =	sadd.s32 $0x2C00, s10;
	[dreg:$0xb] =	wrdreg s23  }
0xf: {  	s16 =	simm.s32 $0x2;
	s25 =	sadd.s32 $0x3400, s10;
	[dreg:$0xc] =	wrdreg s24  }
0x10: {  	s6 =	sadd.s32 $0x5C00, s7;
	s26 =	sadd.s32 $0x3C00, s10;
	[dreg:$0xd] =	wrdreg s25  }
0x11: {  	s11 =	simm.s32 $0x1;
	s28 =	sadd.s32 $0x4400, s10;
	[dreg:$0xe] =	wrdreg s26  }
0x12: {  	s7 =	sadd.s32 $0x6400, s7;
	s29 =	sadd.s32 $0x4C00, s10;
	[dreg:$0xf] =	wrdreg s28  }
0x13: {  	v0 =	vlaneseq.u32;
	s30 =	sadd.s32 $0x5400, s10;
	s0 =	simm.s32 $0x0;
	[dreg:$0x10] =	wrdreg s29  }
0x14: {  	v0 =	vmul.u32 $0x10, v0;
	[dreg:$0x11] =	wrdreg s30;
	s21 =	simm.s32 $0x3;
	s22 =	simm.s32 $0x20  }
.LBB2_1:
0x15: {  	[dreg:$0x13] =	wrdreg s0  }
0x16: {  	s10 =	rddreg [dreg:$0x6]  }
0x17: {  	[tilespmem:s4], [sflag:$0x3] =	stream.linear.gather [hbm4b:s10+s4], $0x200, $0x38;
	[tilespmem:$0x19C40] =	vst v63  }
0x18: {  	_ =	swait.ge [sflag:s21], $0x200  }
0x19: {  	[sflag:s21] =	ssyncset.done $0x0  }
0x1a: {  	s17 =	simm.s32 $0x200;
	s18 =	rddreg [dreg:$0x7];
	[sflag:s21] =	ssyncadd.s32 $0xFFFFFE00  }
0x1b: {  	[tilespmem:s17], [sflag:$0x3] =	stream.linear.gather [hbm4b:s18+s4], $0x200, $0x38;
	[tilespmem:$0x19C40] =	vst v63  }
0x1c: {  	_ =	swait.ge [sflag:s21], $0x200  }
0x1d: {  	[sflag:s21] =	ssyncset.done $0x0  }
0x1e: {  	s18 =	simm.s32 $0x400;
	s19 =	rddreg [dreg:$0x8];
	[sflag:s21] =	ssyncadd.s32 $0xFFFFFE00  }
0x1f: {  	[tilespmem:s18], [sflag:$0x3] =	stream.linear.gather [hbm4b:s19+s4], $0x200, $0x38;
	[tilespmem:$0x19C40] =	vst v63  }
0x20: {  	_ =	swait.ge [sflag:s21], $0x200  }
0x21: {  	[sflag:s21] =	ssyncset.done $0x0  }
0x22: {  	s19 =	simm.s32 $0x600;
	s20 =	rddreg [dreg:$0x9];
	[sflag:s21] =	ssyncadd.s32 $0xFFFFFE00  }
0x23: {  	[tilespmem:s19], [sflag:$0x3] =	stream.linear.gather [hbm4b:s20+s4], $0x200, $0x38;
	[tilespmem:$0x19C40] =	vst v63  }
0x24: {  	_ =	swait.ge [sflag:s21], $0x200  }
0x25: {  	[sflag:s21] =	ssyncset.done $0x0  }
0x26: {  	s20 =	simm.s32 $0x800;
	s23 =	rddreg [dreg:$0xa];
	[sflag:s21] =	ssyncadd.s32 $0xFFFFFE00  }
0x27: {  	[tilespmem:s20], [sflag:$0x3] =	stream.linear.gather [hbm4b:s23+s4], $0x200, $0x38;
	[tilespmem:$0x19C40] =	vst v63  }
0x28: {  	_ =	swait.ge [sflag:s21], $0x200  }
0x29: {  	[sflag:s21] =	ssyncset.done $0x0  }
0x2a: {  	s23 =	simm.s32 $0xA00;
	s24 =	rddreg [dreg:$0xb];
	[sflag:s21] =	ssyncadd.s32 $0xFFFFFE00  }
0x2b: {  	[tilespmem:s23], [sflag:$0x3] =	stream.linear.gather [hbm4b:s24+s4], $0x200, $0x38;
	[tilespmem:$0x19C40] =	vst v63  }
0x2c: {  	_ =	swait.ge [sflag:s21], $0x200  }
0x2d: {  	[sflag:s21] =	ssyncset.done $0x0  }
0x2e: {  	s24 =	simm.s32 $0xC00;
	s25 =	rddreg [dreg:$0xc];
	[sflag:s21] =	ssyncadd.s32 $0xFFFFFE00  }
0x2f: {  	[tilespmem:s24], [sflag:$0x3] =	stream.linear.gather [hbm4b:s25+s4], $0x200, $0x38;
	[tilespmem:$0x19C40] =	vst v63  }
0x30: {  	_ =	swait.ge [sflag:s21], $0x200  }
0x31: {  	[sflag:s21] =	ssyncset.done $0x0  }
0x32: {  	s25 =	simm.s32 $0xE00;
	s26 =	rddreg [dreg:$0xd];
	[sflag:s21] =	ssyncadd.s32 $0xFFFFFE00  }
0x33: {  	[tilespmem:s25], [sflag:$0x3] =	stream.linear.gather [hbm4b:s26+s4], $0x200, $0x38;
	[tilespmem:$0x19C40] =	vst v63  }
0x34: {  	_ =	swait.ge [sflag:s21], $0x200  }
0x35: {  	[sflag:s21] =	ssyncset.done $0x0  }
0x36: {  	s26 =	simm.s32 $0x1000;
	s0 =	rddreg [dreg:$0xe];
	[sflag:s21] =	ssyncadd.s32 $0xFFFFFE00  }
0x37: {  	[tilespmem:s26], [sflag:$0x3] =	stream.linear.gather [hbm4b:s0+s4], $0x200, $0x38;
	[tilespmem:$0x19C40] =	vst v63  }
0x38: {  	_ =	swait.ge [sflag:s21], $0x200  }
0x39: {  	[sflag:s21] =	ssyncset.done $0x0  }
0x3a: {  	s28 =	simm.s32 $0x1200;
	s8 =	rddreg [dreg:$0xf];
	[sflag:s21] =	ssyncadd.s32 $0xFFFFFE00  }
0x3b: {  	[tilespmem:s28], [sflag:$0x3] =	stream.linear.gather [hbm4b:s8+s4], $0x200, $0x38;
	[tilespmem:$0x19C40] =	vst v63  }
0x3c: {  	_ =	swait.ge [sflag:s21], $0x200  }
0x3d: {  	[sflag:s21] =	ssyncset.done $0x0  }
0x3e: {  	s29 =	simm.s32 $0x1400;
	s9 =	rddreg [dreg:$0x10];
	[sflag:s21] =	ssyncadd.s32 $0xFFFFFE00  }
0x3f: {  	[tilespmem:s29], [sflag:$0x3] =	stream.linear.gather [hbm4b:s9+s4], $0x200, $0x38;
	[tilespmem:$0x19C40] =	vst v63  }
0x40: {  	_ =	swait.ge [sflag:s21], $0x200  }
0x41: {  	[sflag:s21] =	ssyncset.done $0x0  }
0x42: {  	s30 =	simm.s32 $0x1600;
	s10 =	rddreg [dreg:$0x11];
	[sflag:s21] =	ssyncadd.s32 $0xFFFFFE00  }
0x43: {  	[tilespmem:s30], [sflag:$0x3] =	stream.linear.gather [hbm4b:s10+s4], $0x200, $0x38;
	[tilespmem:$0x19C40] =	vst v63  }
0x44: {  	_ =	swait.ge [sflag:s21], $0x200  }
0x45: {  	[sflag:s21] =	ssyncset.done $0x0  }
0x46: {  	s31 =	simm.s32 $0x1800;
	[sflag:s21] =	ssyncadd.s32 $0xFFFFFE00  }
0x47: {  	[tilespmem:s31], [sflag:$0x1] =	stream.indirect.gather [hbm4b:s2+s22], $0x80, s4, s22, $0xb8;
	[tilespmem:$0x19C40] =	vst v63  }
0x48: {  	s31 =	simm.s32 $0x3800  }
0x49: {  	[tilespmem:s31], [sflag:$0x1] =	stream.indirect.gather [hbm4b:s3+s22], $0x80, s17, s22, $0xb8;
	[tilespmem:$0x19C40] =	vst v63  }
0x4a: {  	s1 =	simm.s32 $0x5800  }
0x4b: {  	[tilespmem:s1], [sflag:$0x1] =	stream.indirect.gather [hbm4b:s3+s22], $0x80, s18, s22, $0xb8;
	[tilespmem:$0x19C40] =	vst v63  }
0x4c: {  	s1 =	simm.s32 $0x6800  }
0x4d: {  	[tilespmem:s1], [sflag:$0x1] =	stream.indirect.gather [hbm4b:s3+s22], $0x80, s19, s22, $0xb8;
	[tilespmem:$0x19C40] =	vst v63  }
0x4e: {  	s0 =	simm.s32 $0x7800  }
0x4f: {  	[tilespmem:s0], [sflag:$0x1] =	stream.indirect.gather [hbm4b:s3+s22], $0x80, s20, s22, $0xb8;
	[tilespmem:$0x19C40] =	vst v63  }
0x50: {  	s0 =	simm.s32 $0x8800  }
0x51: {  	[tilespmem:s0], [sflag:$0x1] =	stream.indirect.gather [hbm4b:s3+s22], $0x80, s23, s22, $0xb8;
	[tilespmem:$0x19C40] =	vst v63  }
0x52: {  	s8 =	simm.s32 $0x9800  }
0x53: {  	[tilespmem:s8], [sflag:$0x1] =	stream.indirect.gather [hbm4b:s3+s22], $0x80, s24, s22, $0xb8;
	[tilespmem:$0x19C40] =	vst v63  }
0x54: {  	s8 =	simm.s32 $0xA800  }
0x55: {  	[tilespmem:s8], [sflag:$0x1] =	stream.indirect.gather [hbm4b:s3+s22], $0x80, s25, s22, $0xb8;
	[tilespmem:$0x19C40] =	vst v63  }
0x56: {  	s9 =	simm.s32 $0xB800  }
0x57: {  	[tilespmem:s9], [sflag:$0x1] =	stream.indirect.gather [hbm4b:s3+s22], $0x80, s26, s22, $0xb8;
	[tilespmem:$0x19C40] =	vst v63  }
0x58: {  	s9 =	simm.s32 $0xC800  }
0x59: {  	[tilespmem:s9], [sflag:$0x1] =	stream.indirect.gather [hbm4b:s3+s22], $0x80, s28, s22, $0xb8;
	[tilespmem:$0x19C40] =	vst v63  }
0x5a: {  	s17 =	simm.s32 $0x0;
	s23 =	simm.s32 $0xD800  }
0x5b: {  	[tilespmem:s23], [sflag:$0x1] =	stream.indirect.gather [hbm4b:s3+s22], $0x80, s29, s22, $0xb8;
	[tilespmem:$0x19C40] =	vst v63  }
0x5c: {  	s24 =	simm.s32 $0xE800;
	s25 =	simm.s32 $0x1800;
	s26 =	simm.s32 $0x5800  }
0x5d: {  	[tilespmem:s24], [sflag:$0x1] =	stream.indirect.gather [hbm4b:s3+s22], $0x80, s30, s22, $0xb8;
	[tilespmem:$0x19C40] =	vst v63  }
0x5e: {  	s28 =	simm.s32 $0x7800;
	s29 =	simm.s32 $0x9800;
	s30 =	simm.s32 $0xB800  }
.LBB2_2:
0x5f: {  	s18 =	sshll.u32 s17, $0x6  }
0x60: {  	s19 =	simm.s32 $0x2800;
	s10 =	sor.u32 $0x20, s18  }
0x61: {  	[tilespmem:s19], [sflag:$0x2] =	stream.indirect.gather [hbm4b:s2+s22], $0x80, s10, s22, $0xb8;
	[tilespmem:$0x19C40] =	vst v63  }
0x62: {  	s20 =	simm.s32 $0x4800;
	s19 =	sadd.s32 $0x220, s18  }
0x63: {  	[tilespmem:s20], [sflag:$0x2] =	stream.indirect.gather [hbm4b:s3+s22], $0x80, s19, s22, $0xb8;
	[tilespmem:$0x19C40] =	vst v63  }
0x64: {  	s24 =	simm.s32 $0xF800;
	s23 =	sadd.s32 $0x420, s18  }
0x65: {  	[tilespmem:s24], [sflag:$0x2] =	stream.indirect.gather [hbm4b:s3+s22], $0x80, s23, s22, $0xb8;
	[tilespmem:$0x19C40] =	vst v63  }
0x66: {  	s19 =	sadd.s32 $0x620, s18;
	s20 =	simm.s32 $0x10800  }
0x67: {  	[tilespmem:s20], [sflag:$0x2] =	stream.indirect.gather [hbm4b:s3+s22], $0x80, s19, s22, $0xb8;
	[tilespmem:$0x19C40] =	vst v63  }
0x68: {  	s23 =	sadd.s32 $0x820, s18;
	s24 =	simm.s32 $0x11800  }
0x69: {  	[tilespmem:s24], [sflag:$0x2] =	stream.indirect.gather [hbm4b:s3+s22], $0x80, s23, s22, $0xb8;
	[tilespmem:$0x19C40] =	vst v63  }
0x6a: {  	s19 =	sadd.s32 $0xA20, s18;
	s20 =	simm.s32 $0x12800  }
0x6b: {  	[tilespmem:s20], [sflag:$0x2] =	stream.indirect.gather [hbm4b:s3+s22], $0x80, s19, s22, $0xb8;
	[tilespmem:$0x19C40] =	vst v63  }
0x6c: {  	s23 =	sadd.s32 $0xC20, s18;
	s24 =	simm.s32 $0x13800  }
0x6d: {  	[tilespmem:s24], [sflag:$0x2] =	stream.indirect.gather [hbm4b:s3+s22], $0x80, s23, s22, $0xb8;
	[tilespmem:$0x19C40] =	vst v63  }
0x6e: {  	s19 =	sadd.s32 $0xE20, s18;
	s20 =	simm.s32 $0x14800  }
0x6f: {  	[tilespmem:s20], [sflag:$0x2] =	stream.indirect.gather [hbm4b:s3+s22], $0x80, s19, s22, $0xb8;
	[tilespmem:$0x19C40] =	vst v63  }
0x70: {  	s23 =	sadd.s32 $0x1020, s18;
	s24 =	simm.s32 $0x15800  }
0x71: {  	[tilespmem:s24], [sflag:$0x2] =	stream.indirect.gather [hbm4b:s3+s22], $0x80, s23, s22, $0xb8;
	[tilespmem:$0x19C40] =	vst v63  }
0x72: {  	s19 =	sadd.s32 $0x1220, s18;
	s20 =	simm.s32 $0x16800  }
0x73: {  	[tilespmem:s20], [sflag:$0x2] =	stream.indirect.gather [hbm4b:s3+s22], $0x80, s19, s22, $0xb8;
	[tilespmem:$0x19C40] =	vst v63  }
0x74: {  	s23 =	sadd.s32 $0x1420, s18;
	s24 =	simm.s32 $0x17800  }
0x75: {  	[tilespmem:s24], [sflag:$0x2] =	stream.indirect.gather [hbm4b:s3+s22], $0x80, s23, s22, $0xb8;
	[tilespmem:$0x19C40] =	vst v63  }
0x76: {  	s20 =	sadd.s32 $0x1620, s18;
	s23 =	simm.s32 $0x18800  }
0x77: {  	[tilespmem:s23], [sflag:$0x2] =	stream.indirect.gather [hbm4b:s3+s22], $0x80, s20, s22, $0xb8;
	[tilespmem:$0x19C40] =	vst v63  }
0x78: {  	_ =	swait.ge [sflag:s11], $0x1000  }
0x79: {  	[sflag:s11] =	ssyncset.done $0x0  }
0x7a: {  	[sflag:s11] =	ssyncadd.s32 $0xFFFFF000  }
0x7b: {  	_ =	swait.ge [sflag:s11], $0x1000  }
0x7c: {  	[sflag:s11] =	ssyncset.done $0x0  }
0x7d: {  	[sflag:s11] =	ssyncadd.s32 $0xFFFFF000  }
0x7e: {  	_ =	swait.ge [sflag:s11], $0xA000  }
0x7f: {  	[sflag:s11] =	ssyncset.done $0x0  }
0x80: {  	s24 =	simm.s32 $0x0;
	[sflag:s11] =	ssyncadd.s32 $0xFFFF6000  }
0x81: {  	v1 =	vld [tilespmem:s24+$0x3870]  }
0x82: {  	v2 =	vld [tilespmem:s24+$0x3860]  }
0x83: {  	v3 =	vld [tilespmem:s24+$0xD870]  }
0x84: {  	v4 =	vld [tilespmem:s24+$0x3850]  }
0x85: {  	v5 =	vld [tilespmem:s24+$0xD860]  }
0x86: {  	v12 =	vld [tilespmem:s24+$0xC870]  }
0x87: {  	v6 =	vld [tilespmem:s24+$0x3840]  }
0x88: {  	v7 =	vld [tilespmem:s24+$0xD850]  }
0x89: {  	v13 =	vld [tilespmem:s24+$0xC860]  }
0x8a: {  	v14 =	vld [tilespmem:s24+$0xB870]  }
0x8b: {  	v8 =	vld [tilespmem:s24+$0x3830]  }
0x8c: {  	v9 =	vld [tilespmem:s24+$0xD840]  }
0x8d: {  	v15 =	vld [tilespmem:s24+$0xC850]  }
0x8e: {  	v16 =	vld [tilespmem:s24+$0xB860]  }
0x8f: {  	v17 =	vld [tilespmem:s24+$0xA870]  }
0x90: {  	v10 =	vld [tilespmem:s24+$0x3820]  }
0x91: {  	v11 =	vld [tilespmem:s24+$0xD830]  }
0x92: {  	v18 =	vld [tilespmem:s24+$0xC840]  }
0x93: {  	v19 =	vld [tilespmem:s24+$0xB850]  }
0x94: {  	v20 =	vld [tilespmem:s24+$0xA860]  }
0x95: {  	v21 =	vld [tilespmem:s24+$0x9870]  }
0x96: {  	v22 =	vld [tilespmem:s24+$0x3800]  }
0x97: {  	v23 =	vld [tilespmem:s24+$0x3810]  }
0x98: {  	v24 =	vld [tilespmem:s24+$0xE800]  }
0x99: {  	v25 =	vld [tilespmem:s24+$0xE810]  }
0x9a: {  	v26 =	vld [tilespmem:s24+$0xD820]  }
0x9b: {  	v27 =	vld [tilespmem:s24+$0xB840]  }
0x9c: {  	v28 =	vld [tilespmem:s24+$0xA850]  }
0x9d: {  	v29 =	vld [tilespmem:s24+$0x9860]  }
0x9e: {  	v30 =	vld [tilespmem:s24+$0x8870]  }
0x9f: {  	v31 =	vld [tilespmem:s24+$0xD800]  }
0xa0: {  	v32 =	vld [tilespmem:s24+$0xC820]  }
0xa1: {  	v33 =	vld [tilespmem:s24+$0xA840]  }
0xa2: {  	v34 =	vld [tilespmem:s24+$0x9850]  }
0xa3: {  	v35 =	vld [tilespmem:s24+$0x8860]  }
0xa4: {  	v36 =	vld [tilespmem:s24+$0x7870]  }
0xa5: {  	v37 =	vld [tilespmem:s24+$0xC800]  }
0xa6: {  	v38 =	vld [tilespmem:s24+$0xB820]  }
0xa7: {  	v39 =	vld [tilespmem:s24+$0x9840]  }
0xa8: {  	v40 =	vld [tilespmem:s24+$0x8850]  }
0xa9: {  	v41 =	vld [tilespmem:s24+$0x7860]  }
0xaa: {  	v42 =	vld [tilespmem:s24+$0x6870]  }
0xab: {  	v43 =	vld [tilespmem:s24+$0x5870]  }
0xac: {  	v44 =	vld [tilespmem:s24+$0xB800]  }
0xad: {  	v45 =	vld [tilespmem:s24+$0xA820]  }
0xae: {  	v46 =	vld [tilespmem:s24+$0x8840]  }
0xaf: {  	v47 =	vld [tilespmem:s24+$0x7850]  }
0xb0: {  	v48 =	vld [tilespmem:s24+$0x6860]  }
0xb1: {  	v49 =	vld [tilespmem:s24+$0x5860]  }
0xb2: {  	v50 =	vld [tilespmem:s24+$0xA800]  }
0xb3: {  	v51 =	vld [tilespmem:s24+$0x9820]  }
0xb4: {  	v52 =	vld [tilespmem:s24+$0x7840]  }
0xb5: {  	v53 =	vld [tilespmem:s24+$0x6850]  }
0xb6: {  	v54 =	vld [tilespmem:s24+$0x5850]  }
0xb7: {  	v55 =	vld [tilespmem:s24+$0x6840]  }
0xb8: {  	v56 =	vld [tilespmem:s24+$0x5840]  }
0xb9: {  	v57 =	vld [tilespmem:s24+$0x9800]  }
0xba: {  	v58 =	vld [tilespmem:s24+$0x8820];
	v48 =	vadd.f32 v48, v49;
	v42 =	vadd.f32 v42, v43  }
0xbb: {  	v63 =	vld [tilespmem:s24+$0x7800];
	v61 =	vadd.f32 v53, v54  }
0xbc: {  	v60 =	vld [tilespmem:s24+$0x6810];
	v41 =	vadd.f32 v41, v48;
	v36 =	vadd.f32 v36, v42  }
0xbd: {  	v43 =	vld [tilespmem:s24+$0x8800];
	v62 =	vadd.f32 v55, v56;
	v47 =	vadd.f32 v47, v61  }
0xbe: {  	v53 =	vld [tilespmem:s24+$0x7820];
	v35 =	vadd.f32 v35, v41;
	v30 =	vadd.f32 v30, v36  }
0xbf: {  	v54 =	vld [tilespmem:s24+$0x6820];
	v55 =	vadd.f32 v52, v62;
	v40 =	vadd.f32 v40, v47  }
0xc0: {  	v56 =	vld [tilespmem:s24+$0x6800];
	v29 =	vadd.f32 v29, v35;
	v21 =	vadd.f32 v21, v30  }
0xc1: {  	v42 =	vld [tilespmem:s24+$0x6830];
	v59 =	vadd.f32 v46, v55;
	v34 =	vadd.f32 v34, v40  }
0xc2: {  	v30 =	vld [tilespmem:s24+$0x5800];
	v20 =	vadd.f32 v20, v29;
	v17 =	vadd.f32 v17, v21  }
0xc3: {  	v21 =	vld [tilespmem:s24+$0x5810];
	v29 =	vadd.f32 v39, v59;
	v28 =	vadd.f32 v28, v34  }
0xc4: {  	v61 =	vld [tilespmem:s24+$0x5820];
	v16 =	vadd.f32 v16, v20;
	v14 =	vadd.f32 v14, v17  }
0xc5: {  	v17 =	vld [tilespmem:s24+$0x7810];
	v20 =	vadd.f32 v33, v29;
	v19 =	vadd.f32 v19, v28  }
0xc6: {  	v28 =	vld [tilespmem:s24+$0x5830];
	v13 =	vadd.f32 v13, v16;
	v12 =	vadd.f32 v12, v14  }
0xc7: {  	v14 =	vld [tilespmem:s24+$0x8810];
	v16 =	vadd.f32 v27, v20;
	v15 =	vadd.f32 v15, v19  }
0xc8: {  	v19 =	vadd.f32 v56, v30;
	v20 =	vadd.f32 v60, v21;
	v21 =	vld [tilespmem:s24+$0x7830]  }
0xc9: {  	v29 =	vadd.f32 v54, v61;
	v27 =	vld [tilespmem:s24+$0x9810];
	v16 =	vadd.f32 v18, v16  }
0xca: {  	v18 =	vadd.f32 v63, v19;
	v19 =	vld [tilespmem:s24+$0x8830];
	v17 =	vadd.f32 v17, v20  }
0xcb: {  	v29 =	vadd.f32 v53, v29;
	v20 =	vld [tilespmem:s24+$0xA810];
	v28 =	vadd.f32 v42, v28  }
0xcc: {  	v18 =	vadd.f32 v43, v18;
	v14 =	vadd.f32 v14, v17;
	v17 =	vld [tilespmem:s24+$0x9830]  }
0xcd: {  	v30 =	vld [tilespmem:s24+$0xB810];
	v29 =	vadd.f32 v58, v29;
	v21 =	vadd.f32 v21, v28  }
0xce: {  	v18 =	vadd.f32 v57, v18;
	v14 =	vadd.f32 v27, v14;
	v27 =	vld [tilespmem:s24+$0xA830]  }
0xcf: {  	v29 =	vadd.f32 v51, v29;
	v28 =	vld [tilespmem:s24+$0xC810];
	v19 =	vadd.f32 v19, v21  }
0xd0: {  	v18 =	vadd.f32 v50, v18;
	v14 =	vadd.f32 v20, v14;
	v20 =	vld [tilespmem:s24+$0xB830]  }
0xd1: {  	v29 =	vadd.f32 v45, v29;
	v21 =	vld [tilespmem:s24+$0xD810];
	v17 =	vadd.f32 v17, v19  }
0xd2: {  	v18 =	vadd.f32 v44, v18;
	v19 =	vld [tilespmem:s24+$0xC830];
	v14 =	vadd.f32 v30, v14  }
0xd3: {  	v29 =	vadd.f32 v38, v29;
	v30 =	vld [tilespmem:s24+$0x1800];
	v17 =	vadd.f32 v27, v17  }
0xd4: {  	v18 =	vadd.f32 v37, v18;
	v27 =	vld [tilespmem:s24+$0x1810];
	v14 =	vadd.f32 v28, v14  }
0xd5: {  	v28 =	vadd.f32 v32, v29;
	v29 =	vld [tilespmem:s24+$0xE820];
	v17 =	vadd.f32 v20, v17  }
0xd6: {  	v18 =	vadd.f32 v31, v18;
	v20 =	vld [tilespmem:s24+$0x1820];
	v14 =	vadd.f32 v21, v14  }
0xd7: {  	v21 =	vadd.f32 v26, v28;
	v17 =	vadd.f32 v19, v17;
	v19 =	vld [tilespmem:s24+$0xE830]  }
0xd8: {  	v18 =	vadd.f32 v24, v18;
	v24 =	vld [tilespmem:s24+$0x1830];
	v14 =	vadd.f32 v25, v14  }
0xd9: {  	v22 =	vmul.f32 v22, v30;
	v23 =	vmul.f32 v23, v27;
	v11 =	vadd.f32 v11, v17;
	v17 =	vld [tilespmem:s24+$0xE840]  }
0xda: {  	v25 =	vld [tilespmem:s24+$0x1840];
	v18 =	vmul.f32 v18, v30;
	v21 =	vadd.f32 v29, v21;
	v14 =	vmul.f32 v14, v27  }
0xdb: {  	v9 =	vadd.f32 v9, v16;
	v16 =	vld [tilespmem:s24+$0xE850];
	v22 =	vadd.f32 v23, v22;
	v10 =	vmul.f32 v10, v20  }
0xdc: {  	v14 =	vadd.f32 v14, v18;
	v18 =	vmul.f32 v21, v20;
	v11 =	vadd.f32 v19, v11;
	v19 =	vld [tilespmem:s24+$0x1850]  }
0xdd: {  	v7 =	vadd.f32 v7, v15;
	v15 =	vld [tilespmem:s24+$0xE860];
	v10 =	vadd.f32 v10, v22;
	v8 =	vmul.f32 v8, v24  }
0xde: {  	v14 =	vadd.f32 v18, v14;
	v11 =	vmul.f32 v11, v24;
	v9 =	vadd.f32 v17, v9;
	v17 =	vld [tilespmem:s24+$0x1860]  }
0xdf: {  	v5 =	vadd.f32 v5, v13;
	v6 =	vmul.f32 v6, v25;
	v8 =	vadd.f32 v8, v10;
	v10 =	vld [tilespmem:s24+$0xE870]  }
0xe0: {  	v13 =	vld [tilespmem:s24+$0x1870];
	v7 =	vadd.f32 v16, v7;
	v11 =	vadd.f32 v11, v14;
	v9 =	vmul.f32 v9, v25  }
0xe1: {  	v3 =	vadd.f32 v3, v12;
	v6 =	vadd.f32 v6, v8;
	v4 =	vmul.f32 v4, v19  }
0xe2: {  	v5 =	vadd.f32 v15, v5;
	v7 =	vmul.f32 v7, v19;
	v8 =	vadd.f32 v9, v11  }
0xe3: {  	v4 =	vadd.f32 v4, v6;
	v2 =	vmul.f32 v2, v17  }
0xe4: {  	v5 =	vmul.f32 v5, v17;
	v3 =	vadd.f32 v10, v3;
	v6 =	vadd.f32 v7, v8  }
0xe5: {  	v1 =	vmul.f32 v1, v13;
	v2 =	vadd.f32 v2, v4  }
0xe6: {  	v3 =	vmul.f32 v3, v13;
	v4 =	vadd.f32 v5, v6  }
0xe7: {  	v1 =	vadd.f32 v1, v2  }
0xe8: {  	s20 =	simm.s32 $0x19800;
	v2 =	vadd.f32 v3, v4  }
0xe9: {  	s10 =	simm.s32 $0x19A00;
	[tilespmem:s20+$0x0] =	vst v1  }
0xea: {  	s23 =	simm.s32 $0x80;
	[tilespmem:s10+$0x0] =	vst v2  }
0xeb: {  	v1 =	vld [tilespmem:s23+$0x3870]  }
0xec: {  	v2 =	vld [tilespmem:s23+$0x3860]  }
0xed: {  	v3 =	vld [tilespmem:s23+$0xD870]  }
0xee: {  	v4 =	vld [tilespmem:s23+$0x3850]  }
0xef: {  	v5 =	vld [tilespmem:s23+$0xD860]  }
0xf0: {  	v20 =	vld [tilespmem:s23+$0xC870]  }
0xf1: {  	v6 =	vld [tilespmem:s23+$0x3840]  }
0xf2: {  	v7 =	vld [tilespmem:s23+$0xD850]  }
0xf3: {  	v22 =	vld [tilespmem:s23+$0xC860]  }
0xf4: {  	v25 =	vld [tilespmem:s23+$0xB870]  }
0xf5: {  	v8 =	vld [tilespmem:s23+$0x3830]  }
0xf6: {  	v9 =	vld [tilespmem:s23+$0xD840]  }
0xf7: {  	v23 =	vld [tilespmem:s23+$0xC850]  }
0xf8: {  	v27 =	vld [tilespmem:s23+$0xB860]  }
0xf9: {  	v49 =	vld [tilespmem:s23+$0xA870]  }
0xfa: {  	v10 =	vld [tilespmem:s23+$0x3820]  }
0xfb: {  	v11 =	vld [tilespmem:s23+$0xD830]  }
0xfc: {  	v24 =	vld [tilespmem:s23+$0xC840]  }
0xfd: {  	v29 =	vld [tilespmem:s23+$0xB850]  }
0xfe: {  	v48 =	vld [tilespmem:s23+$0xA860]  }
0xff: {  	v44 =	vld [tilespmem:s23+$0x9870]  }
0x100: {  	v12 =	vld [tilespmem:s23+$0x3800]  }
0x101: {  	v13 =	vld [tilespmem:s23+$0x3810]  }
0x102: {  	v14 =	vld [tilespmem:s23+$0xE800]  }
0x103: {  	v15 =	vld [tilespmem:s23+$0xE810]  }
0x104: {  	v16 =	vld [tilespmem:s23+$0xD820]  }
0x105: {  	v30 =	vld [tilespmem:s23+$0xB840]  }
0x106: {  	v33 =	vld [tilespmem:s23+$0xA850]  }
0x107: {  	v45 =	vld [tilespmem:s23+$0x9860]  }
0x108: {  	v42 =	vld [tilespmem:s23+$0x8870]  }
0x109: {  	v17 =	vld [tilespmem:s23+$0xD800]  }
0x10a: {  	v18 =	vld [tilespmem:s23+$0xC820]  }
0x10b: {  	v34 =	vld [tilespmem:s23+$0xA840]  }
0x10c: {  	v47 =	vld [tilespmem:s23+$0x9850]  }
0x10d: {  	v43 =	vld [tilespmem:s23+$0x8860]  }
0x10e: {  	v40 =	vld [tilespmem:s23+$0x7870]  }
0x10f: {  	v19 =	vld [tilespmem:s23+$0xC800]  }
0x110: {  	v21 =	vld [tilespmem:s23+$0xB820]  }
0x111: {  	v37 =	vld [tilespmem:s23+$0x9840]  }
0x112: {  	v46 =	vld [tilespmem:s23+$0x8850]  }
0x113: {  	v41 =	vld [tilespmem:s23+$0x7860]  }
0x114: {  	v38 =	vld [tilespmem:s23+$0x6870]  }
0x115: {  	v39 =	vld [tilespmem:s23+$0x5870]  }
0x116: {  	v26 =	vld [tilespmem:s23+$0xB800]  }
0x117: {  	v28 =	vld [tilespmem:s23+$0xA820]  }
0x118: {  	v50 =	vld [tilespmem:s23+$0x8840]  }
0x119: {  	v51 =	vld [tilespmem:s23+$0x7850]  }
0x11a: {  	v52 =	vld [tilespmem:s23+$0x6860]  }
0x11b: {  	v62 =	vld [tilespmem:s23+$0x5860]  }
0x11c: {  	v31 =	vld [tilespmem:s23+$0xA800]  }
0x11d: {  	v32 =	vld [tilespmem:s23+$0x9820]  }
0x11e: {  	v54 =	vld [tilespmem:s23+$0x7840]  }
0x11f: {  	v55 =	vld [tilespmem:s23+$0x6850]  }
0x120: {  	v63 =	vld [tilespmem:s23+$0x5850]  }
0x121: {  	v60 =	vld [tilespmem:s23+$0x6840]  }
0x122: {  	v61 =	vld [tilespmem:s23+$0x5840]  }
0x123: {  	v35 =	vld [tilespmem:s23+$0x9800]  }
0x124: {  	v36 =	vld [tilespmem:s23+$0x8820];
	v52 =	vadd.f32 v52, v62;
	v62 =	vadd.f32 v38, v39  }
0x125: {  	v38 =	vld [tilespmem:s23+$0x8800];
	v55 =	vadd.f32 v55, v63  }
0x126: {  	v39 =	vld [tilespmem:s23+$0x7820];
	v52 =	vadd.f32 v41, v52;
	v53 =	vadd.f32 v40, v62  }
0x127: {  	v63 =	vadd.f32 v60, v61;
	v40 =	vld [tilespmem:s23+$0x6830];
	v51 =	vadd.f32 v51, v55  }
0x128: {  	v41 =	vld [tilespmem:s23+$0x7800];
	v52 =	vadd.f32 v43, v52;
	v53 =	vadd.f32 v42, v53  }
0x129: {  	v54 =	vadd.f32 v54, v63;
	v42 =	vld [tilespmem:s23+$0x6820];
	v51 =	vadd.f32 v46, v51  }
0x12a: {  	v43 =	vld [tilespmem:s23+$0x6800];
	v52 =	vadd.f32 v45, v52;
	v53 =	vadd.f32 v44, v53  }
0x12b: {  	v46 =	vadd.f32 v50, v54;
	v44 =	vld [tilespmem:s23+$0x5800];
	v47 =	vadd.f32 v47, v51  }
0x12c: {  	s19 =	simm.s32 $0x0;
	s24 =	simm.s32 $0x400;
	v45 =	vld [tilespmem:s23+$0x6810];
	v48 =	vadd.f32 v48, v52;
	v49 =	vadd.f32 v49, v53  }
.LBB2_3:
0x12d: {  	p0 =	sne.s32 s24, $0x3E00;
	v50 =	vld [tilespmem:s23+$0x5810];
	v37 =	vadd.f32 v37, v46;
	v33 =	vadd.f32 v33, v47  }
0x12e: {  	v46 =	vld [tilespmem:s23+$0x5820];
	v27 =	vadd.f32 v27, v48;
	v25 =	vadd.f32 v25, v49  }
0x12f: {  	v47 =	vld [tilespmem:s23+$0x7810];
	v34 =	vadd.f32 v34, v37;
	v29 =	vadd.f32 v29, v33  }
0x130: {  	v33 =	vld [tilespmem:s23+$0x5830];
	v22 =	vadd.f32 v22, v27;
	v20 =	vadd.f32 v20, v25  }
0x131: {  	v25 =	vld [tilespmem:s23+$0x8810];
	v27 =	vadd.f32 v30, v34;
	v23 =	vadd.f32 v23, v29  }
0x132: {  	v29 =	vadd.f32 v43, v44;
	v30 =	vadd.f32 v45, v50;
	v34 =	vld [tilespmem:s23+$0x7830]  }
0x133: {  	v37 =	vld [tilespmem:s23+$0x9810];
	v42 =	vadd.f32 v42, v46;
	v24 =	vadd.f32 v24, v27  }
0x134: {  	v27 =	vadd.f32 v41, v29;
	v29 =	vadd.f32 v47, v30;
	v30 =	vld [tilespmem:s23+$0x8830]  }
0x135: {  	v41 =	vld [tilespmem:s23+$0xA810];
	v39 =	vadd.f32 v39, v42;
	v33 =	vadd.f32 v40, v33  }
0x136: {  	v27 =	vadd.f32 v38, v27;
	v25 =	vadd.f32 v25, v29;
	v29 =	vld [tilespmem:s23+$0x9830]  }
0x137: {  	v38 =	vld [tilespmem:s23+$0xB810];
	v36 =	vadd.f32 v36, v39;
	v33 =	vadd.f32 v34, v33  }
0x138: {  	v27 =	vadd.f32 v35, v27;
	v25 =	vadd.f32 v37, v25;
	v34 =	vld [tilespmem:s23+$0xA830]  }
0x139: {  	v35 =	vld [tilespmem:s23+$0xC810];
	v32 =	vadd.f32 v32, v36;
	v30 =	vadd.f32 v30, v33  }
0x13a: {  	v27 =	vadd.f32 v31, v27;
	v25 =	vadd.f32 v41, v25;
	v31 =	vld [tilespmem:s23+$0xB830]  }
0x13b: {  	v33 =	vld [tilespmem:s23+$0xD810];
	v28 =	vadd.f32 v28, v32;
	v29 =	vadd.f32 v29, v30  }
0x13c: {  	v26 =	vadd.f32 v26, v27;
	v25 =	vadd.f32 v38, v25;
	v27 =	vld [tilespmem:s23+$0xC830]  }
0x13d: {  	v30 =	vld [tilespmem:s23+$0x1800];
	v21 =	vadd.f32 v21, v28;
	v28 =	vadd.f32 v34, v29  }
0x13e: {  	v19 =	vadd.f32 v19, v26;
	v26 =	vld [tilespmem:s23+$0x1810];
	v25 =	vadd.f32 v35, v25  }
0x13f: {  	v18 =	vadd.f32 v18, v21;
	v21 =	vld [tilespmem:s23+$0xE820];
	v28 =	vadd.f32 v31, v28  }
0x140: {  	v17 =	vadd.f32 v17, v19;
	v19 =	vadd.f32 v33, v25;
	v25 =	vld [tilespmem:s23+$0x1820]  }
0x141: {  	v16 =	vadd.f32 v16, v18;
	v18 =	vadd.f32 v27, v28;
	v27 =	vld [tilespmem:s23+$0xE830]  }
0x142: {  	v14 =	vadd.f32 v14, v17;
	v15 =	vadd.f32 v15, v19;
	v17 =	vld [tilespmem:s23+$0x1830]  }
0x143: {  	v12 =	vmul.f32 v12, v30;
	v13 =	vmul.f32 v13, v26;
	v11 =	vadd.f32 v11, v18;
	v18 =	vld [tilespmem:s23+$0xE840]  }
0x144: {  	v14 =	vmul.f32 v14, v30;
	v15 =	vmul.f32 v15, v26;
	v16 =	vadd.f32 v21, v16;
	v19 =	vld [tilespmem:s23+$0x1840]  }
0x145: {  	v9 =	vadd.f32 v9, v24;
	v12 =	vadd.f32 v13, v12;
	v10 =	vmul.f32 v10, v25;
	v13 =	vld [tilespmem:s23+$0xE850]  }
0x146: {  	v14 =	vadd.f32 v15, v14;
	v15 =	vmul.f32 v16, v25;
	v11 =	vadd.f32 v27, v11;
	v16 =	vld [tilespmem:s23+$0x1850]  }
0x147: {  	v7 =	vadd.f32 v7, v23;
	v10 =	vadd.f32 v10, v12;
	v8 =	vmul.f32 v8, v17;
	v12 =	vld [tilespmem:s23+$0xE860]  }
0x148: {  	v14 =	vadd.f32 v15, v14;
	v11 =	vmul.f32 v11, v17;
	v9 =	vadd.f32 v18, v9;
	v15 =	vld [tilespmem:s23+$0x1860]  }
0x149: {  	v5 =	vadd.f32 v5, v22;
	v8 =	vadd.f32 v8, v10;
	v6 =	vmul.f32 v6, v19;
	v10 =	vld [tilespmem:s23+$0xE870]  }
0x14a: {  	v11 =	vadd.f32 v11, v14;
	v9 =	vmul.f32 v9, v19;
	v7 =	vadd.f32 v13, v7;
	v13 =	vld [tilespmem:s23+$0x1870]  }
0x14b: {  	v3 =	vadd.f32 v3, v20;
	v6 =	vadd.f32 v6, v8;
	v4 =	vmul.f32 v4, v16  }
0x14c: {  	v8 =	vadd.f32 v9, v11;
	v7 =	vmul.f32 v7, v16;
	v5 =	vadd.f32 v12, v5  }
0x14d: {  	v4 =	vadd.f32 v4, v6;
	v2 =	vmul.f32 v2, v15  }
0x14e: {  	v6 =	vadd.f32 v7, v8;
	v5 =	vmul.f32 v5, v15;
	v3 =	vadd.f32 v10, v3  }
0x14f: {  	v2 =	vadd.f32 v2, v4;
	v1 =	vmul.f32 v1, v13  }
0x150: {  	v4 =	vadd.f32 v5, v6;
	v3 =	vmul.f32 v3, v13  }
0x151: {  	v1 =	vadd.f32 v1, v2  }
0x152: {  	s20 =	sadd.s32 $0x10, s20;
	v2 =	vadd.f32 v3, v4  }
0x153: {  	s10 =	sadd.s32 $0x10, s10;
	[tilespmem:s20+$0x0] =	vst v1  }
0x154: {  	s23 =	sshra.s32 s24, $0x2;
	[tilespmem:s10+$0x0] =	vst v2  }
0x155: {  	v1 =	vld [tilespmem:s23+$0x3870]  }
0x156: {  	v2 =	vld [tilespmem:s23+$0x3860]  }
0x157: {  	v3 =	vld [tilespmem:s23+$0xD870]  }
0x158: {  	v4 =	vld [tilespmem:s23+$0x3850]  }
0x159: {  	v5 =	vld [tilespmem:s23+$0xD860]  }
0x15a: {  	v20 =	vld [tilespmem:s23+$0xC870]  }
0x15b: {  	v6 =	vld [tilespmem:s23+$0x3840]  }
0x15c: {  	v7 =	vld [tilespmem:s23+$0xD850]  }
0x15d: {  	v22 =	vld [tilespmem:s23+$0xC860]  }
0x15e: {  	v25 =	vld [tilespmem:s23+$0xB870]  }
0x15f: {  	v8 =	vld [tilespmem:s23+$0x3830]  }
0x160: {  	v9 =	vld [tilespmem:s23+$0xD840]  }
0x161: {  	v23 =	vld [tilespmem:s23+$0xC850]  }
0x162: {  	v27 =	vld [tilespmem:s23+$0xB860]  }
0x163: {  	v49 =	vld [tilespmem:s23+$0xA870]  }
0x164: {  	v10 =	vld [tilespmem:s23+$0x3820]  }
0x165: {  	v11 =	vld [tilespmem:s23+$0xD830]  }
0x166: {  	v24 =	vld [tilespmem:s23+$0xC840]  }
0x167: {  	v29 =	vld [tilespmem:s23+$0xB850]  }
0x168: {  	v48 =	vld [tilespmem:s23+$0xA860]  }
0x169: {  	v44 =	vld [tilespmem:s23+$0x9870]  }
0x16a: {  	v12 =	vld [tilespmem:s23+$0x3800]  }
0x16b: {  	v13 =	vld [tilespmem:s23+$0x3810]  }
0x16c: {  	v14 =	vld [tilespmem:s23+$0xE800]  }
0x16d: {  	v15 =	vld [tilespmem:s23+$0xE810]  }
0x16e: {  	v16 =	vld [tilespmem:s23+$0xD820]  }
0x16f: {  	v30 =	vld [tilespmem:s23+$0xB840]  }
0x170: {  	v33 =	vld [tilespmem:s23+$0xA850]  }
0x171: {  	v45 =	vld [tilespmem:s23+$0x9860]  }
0x172: {  	v42 =	vld [tilespmem:s23+$0x8870]  }
0x173: {  	v17 =	vld [tilespmem:s23+$0xD800]  }
0x174: {  	v18 =	vld [tilespmem:s23+$0xC820]  }
0x175: {  	v34 =	vld [tilespmem:s23+$0xA840]  }
0x176: {  	v47 =	vld [tilespmem:s23+$0x9850]  }
0x177: {  	v43 =	vld [tilespmem:s23+$0x8860]  }
0x178: {  	v40 =	vld [tilespmem:s23+$0x7870]  }
0x179: {  	v19 =	vld [tilespmem:s23+$0xC800]  }
0x17a: {  	v21 =	vld [tilespmem:s23+$0xB820]  }
0x17b: {  	v37 =	vld [tilespmem:s23+$0x9840]  }
0x17c: {  	v46 =	vld [tilespmem:s23+$0x8850]  }
0x17d: {  	v41 =	vld [tilespmem:s23+$0x7860]  }
0x17e: {  	v38 =	vld [tilespmem:s23+$0x6870]  }
0x17f: {  	v39 =	vld [tilespmem:s23+$0x5870]  }
0x180: {  	v26 =	vld [tilespmem:s23+$0xB800]  }
0x181: {  	v28 =	vld [tilespmem:s23+$0xA820]  }
0x182: {  	v50 =	vld [tilespmem:s23+$0x8840]  }
0x183: {  	v51 =	vld [tilespmem:s23+$0x7850]  }
0x184: {  	v52 =	vld [tilespmem:s23+$0x6860]  }
0x185: {  	v53 =	vld [tilespmem:s23+$0x5860]  }
0x186: {  	v31 =	vld [tilespmem:s23+$0xA800]  }
0x187: {  	v32 =	vld [tilespmem:s23+$0x9820]  }
0x188: {  	v54 =	vld [tilespmem:s23+$0x7840]  }
0x189: {  	v55 =	vld [tilespmem:s23+$0x6850]  }
0x18a: {  	v56 =	vld [tilespmem:s23+$0x5850]  }
0x18b: {  	v57 =	vld [tilespmem:s23+$0x6840]  }
0x18c: {  	v58 =	vld [tilespmem:s23+$0x5840]  }
0x18d: {  	v35 =	vld [tilespmem:s23+$0x9800]  }
0x18e: {  	v52 =	vadd.f32 v52, v53;
	v53 =	vadd.f32 v38, v39;
	v36 =	vld [tilespmem:s23+$0x8820]  }
0x18f: {  	v38 =	vld [tilespmem:s23+$0x8800];
	v55 =	vadd.f32 v55, v56  }
0x190: {  	v52 =	vadd.f32 v41, v52;
	v53 =	vadd.f32 v40, v53;
	v39 =	vld [tilespmem:s23+$0x7820]  }
0x191: {  	v40 =	vld [tilespmem:s23+$0x6830];
	v56 =	vadd.f32 v57, v58;
	v51 =	vadd.f32 v51, v55  }
.Ltmp0:
0x192: {  	v52 =	vadd.f32 v43, v52;
	v53 =	vadd.f32 v42, v53;
	v41 =	vld [tilespmem:s23+$0x7800];
	(pc) =	sbr.rel @p0 .LBB2_3-.Ltmp0, $4  }
0x193: {  	v42 =	vld [tilespmem:s23+$0x6820];
	v54 =	vadd.f32 v54, v56;
	v51 =	vadd.f32 v46, v51  }
0x194: {  	v52 =	vadd.f32 v45, v52;
	v53 =	vadd.f32 v44, v53;
	v43 =	vld [tilespmem:s23+$0x6800]  }
0x195: {  	v44 =	vld [tilespmem:s23+$0x5800];
	v46 =	vadd.f32 v50, v54;
	v47 =	vadd.f32 v47, v51  }
0x196: {  	s24 =	sadd.s32 $0x200, s24;
	v48 =	vadd.f32 v48, v52;
	v49 =	vadd.f32 v49, v53;
	v45 =	vld [tilespmem:s23+$0x6810]  }
0x197: {  	v50 =	vld [tilespmem:s23+$0x5810]  }
0x198: {  	v37 =	vadd.f32 v37, v46;
	v33 =	vadd.f32 v33, v47;
	v63 =	vld [tilespmem:s23+$0x5820]  }
0x199: {  	v51 =	vld [tilespmem:s23+$0x5830];
	v27 =	vadd.f32 v27, v48;
	v25 =	vadd.f32 v25, v49  }
0x19a: {  	v49 =	vld [tilespmem:s23+$0x7810];
	v34 =	vadd.f32 v34, v37;
	v29 =	vadd.f32 v29, v33  }
0x19b: {  	v22 =	vadd.f32 v22, v27;
	v20 =	vadd.f32 v20, v25  }
0x19c: {  	v52 =	vld [tilespmem:s23+$0x8810];
	v54 =	vadd.f32 v43, v44;
	v53 =	vadd.f32 v30, v34  }
0x19d: {  	v56 =	vld [tilespmem:s23+$0x7830];
	v23 =	vadd.f32 v23, v29;
	v55 =	vadd.f32 v45, v50  }
0x19e: {  	v57 =	vld [tilespmem:s23+$0x9810];
	v42 =	vadd.f32 v42, v63;
	v58 =	vadd.f32 v41, v54  }
0x19f: {  	v60 =	vld [tilespmem:s23+$0x8830];
	v33 =	vadd.f32 v40, v51;
	v59 =	vadd.f32 v49, v55  }
0x1a0: {  	v61 =	vld [tilespmem:s23+$0xA810];
	v24 =	vadd.f32 v24, v53;
	v39 =	vadd.f32 v39, v42  }
0x1a1: {  	v62 =	vld [tilespmem:s23+$0x9830];
	v27 =	vadd.f32 v38, v58;
	v25 =	vadd.f32 v52, v59  }
0x1a2: {  	v63 =	vld [tilespmem:s23+$0xB810];
	v33 =	vadd.f32 v56, v33;
	v36 =	vadd.f32 v36, v39  }
0x1a3: {  	v37 =	vld [tilespmem:s23+$0xA830];
	v27 =	vadd.f32 v35, v27;
	v25 =	vadd.f32 v57, v25  }
0x1a4: {  	v39 =	vld [tilespmem:s23+$0xC810];
	v30 =	vadd.f32 v60, v33;
	v32 =	vadd.f32 v32, v36  }
0x1a5: {  	v40 =	vld [tilespmem:s23+$0xB830];
	v27 =	vadd.f32 v31, v27;
	v25 =	vadd.f32 v61, v25  }
0x1a6: {  	v41 =	vld [tilespmem:s23+$0xD810];
	v29 =	vadd.f32 v62, v30;
	v28 =	vadd.f32 v28, v32  }
0x1a7: {  	v42 =	vld [tilespmem:s23+$0xC830];
	v26 =	vadd.f32 v26, v27;
	v25 =	vadd.f32 v63, v25  }
0x1a8: {  	v43 =	vld [tilespmem:s23+$0x1800];
	v44 =	vadd.f32 v37, v29;
	v21 =	vadd.f32 v21, v28  }
0x1a9: {  	v45 =	vld [tilespmem:s23+$0x1810];
	v19 =	vadd.f32 v19, v26;
	v25 =	vadd.f32 v39, v25  }
0x1aa: {  	v46 =	vld [tilespmem:s23+$0xE820];
	v28 =	vadd.f32 v40, v44;
	v18 =	vadd.f32 v18, v21  }
0x1ab: {  	v48 =	vld [tilespmem:s23+$0x1820];
	v17 =	vadd.f32 v17, v19;
	v47 =	vadd.f32 v41, v25  }
0x1ac: {  	v50 =	vld [tilespmem:s23+$0xE830];
	v49 =	vadd.f32 v42, v28;
	v16 =	vadd.f32 v16, v18  }
0x1ad: {  	v51 =	vld [tilespmem:s23+$0x1830];
	v14 =	vadd.f32 v14, v17;
	v15 =	vadd.f32 v15, v47  }
0x1ae: {  	v12 =	vmul.f32 v12, v43;
	v52 =	vld [tilespmem:s23+$0xE840];
	v13 =	vmul.f32 v13, v45;
	v11 =	vadd.f32 v11, v49  }
0x1af: {  	v53 =	vld [tilespmem:s23+$0x1840];
	v14 =	vmul.f32 v14, v43;
	v16 =	vadd.f32 v46, v16;
	v15 =	vmul.f32 v15, v45  }
0x1b0: {  	v54 =	vld [tilespmem:s23+$0xE850];
	v10 =	vmul.f32 v10, v48;
	v9 =	vadd.f32 v9, v24;
	v12 =	vadd.f32 v13, v12  }
0x1b1: {  	v56 =	vld [tilespmem:s23+$0x1850];
	v11 =	vadd.f32 v50, v11;
	v55 =	vmul.f32 v16, v48;
	v14 =	vadd.f32 v15, v14  }
0x1b2: {  	v7 =	vadd.f32 v7, v23;
	v8 =	vmul.f32 v8, v51;
	v57 =	vld [tilespmem:s23+$0xE860];
	v10 =	vadd.f32 v10, v12  }
0x1b3: {  	v58 =	vld [tilespmem:s23+$0x1860];
	v9 =	vadd.f32 v52, v9;
	v11 =	vmul.f32 v11, v51;
	v14 =	vadd.f32 v55, v14  }
0x1b4: {  	v5 =	vadd.f32 v5, v22;
	v59 =	vld [tilespmem:s23+$0xE870];
	v6 =	vmul.f32 v6, v53;
	v8 =	vadd.f32 v8, v10  }
0x1b5: {  	v60 =	vld [tilespmem:s23+$0x1870];
	v7 =	vadd.f32 v54, v7;
	v9 =	vmul.f32 v9, v53;
	v11 =	vadd.f32 v11, v14  }
0x1b6: {  	v3 =	vadd.f32 v3, v20;
	v4 =	vmul.f32 v4, v56;
	v6 =	vadd.f32 v6, v8  }
0x1b7: {  	v7 =	vmul.f32 v7, v56;
	v5 =	vadd.f32 v57, v5;
	v61 =	vadd.f32 v9, v11  }
0x1b8: {  	v2 =	vmul.f32 v2, v58;
	v4 =	vadd.f32 v4, v6  }
0x1b9: {  	v3 =	vadd.f32 v59, v3;
	v5 =	vmul.f32 v5, v58;
	v62 =	vadd.f32 v7, v61  }
0x1ba: {  	v1 =	vmul.f32 v1, v60;
	v2 =	vadd.f32 v2, v4  }
0x1bb: {  	v3 =	vmul.f32 v3, v60;
	v63 =	vadd.f32 v5, v62  }
0x1bc: {  	v1 =	vadd.f32 v1, v2  }
0x1bd: {  	s20 =	sadd.s32 $0x10, s20;
	v2 =	vadd.f32 v3, v63  }
0x1be: {  	s10 =	sadd.s32 $0x10, s10;
	[tilespmem:s20+$0x0] =	vst v1  }
0x1bf: {  	p0 =	por $0x1, $0x1;
	[tilespmem:s10+$0x0] =	vst v2  }
.LBB2_5:
0x1c0: {  	v1 =	vmov s19  }
0x1c1: {  	v1 =	vshll.u32 v1, $0x4  }
0x1c2: {  	v1 =	vor.u32 v0, v1;
	_ =	sdelay $0x1  }
0x1c3: {  	v2 =	vor.u32 $0x1, v1;
	_ =	sdelay $0x1  }
0x1c4: {  	v3 =	vor.u32 $0x2, v1  }
0x1c5: {  	v4 =	vld.idx.msk [tilespmem:v1+s12+$0x0], $0xffff  }
0x1c6: {  	v6 =	vor.u32 $0x3, v1;
	v5 =	vld.idx.msk [tilespmem:v1+s13+$0x0], $0xffff  }
0x1c7: {  	v7 =	vld.idx.msk [tilespmem:v2+s12+$0x0], $0xffff  }
0x1c8: {  	v8 =	vor.u32 $0x4, v1;
	v2 =	vld.idx.msk [tilespmem:v2+s13+$0x0], $0xffff  }
0x1c9: {  	v9 =	vld.idx.msk [tilespmem:v3+s12+$0x0], $0xffff  }
0x1ca: {  	v10 =	vor.u32 $0x5, v1;
	v3 =	vld.idx.msk [tilespmem:v3+s13+$0x0], $0xffff  }
0x1cb: {  	v11 =	vld.idx.msk [tilespmem:v6+s12+$0x0], $0xffff  }
0x1cc: {  	v37 =	vor.u32 $0x6, v1;
	v6 =	vld.idx.msk [tilespmem:v6+s13+$0x0], $0xffff;
	v4 =	vadd.f32 v7, v4  }
0x1cd: {  	v38 =	vld.idx.msk [tilespmem:v8+s12+$0x0], $0xffff;
	v2 =	vadd.f32 v2, v5  }
0x1ce: {  	v39 =	vor.u32 $0x7, v1;
	v8 =	vld.idx.msk [tilespmem:v8+s13+$0x0], $0xffff;
	v4 =	vadd.f32 v9, v4  }
0x1cf: {  	v2 =	vadd.f32 v3, v2;
	v3 =	vld.idx.msk [tilespmem:v10+s12+$0x0], $0xffff  }
0x1d0: {  	v40 =	vor.u32 $0x8, v1;
	v10 =	vld.idx.msk [tilespmem:v10+s13+$0x0], $0xffff;
	v4 =	vadd.f32 v11, v4  }
0x1d1: {  	v41 =	vld.idx.msk [tilespmem:v37+s12+$0x0], $0xffff;
	v2 =	vadd.f32 v6, v2  }
0x1d2: {  	v43 =	vor.u32 $0x9, v1;
	v42 =	vld.idx.msk [tilespmem:v37+s13+$0x0], $0xffff;
	v4 =	vadd.f32 v38, v4  }
0x1d3: {  	v44 =	vld.idx.msk [tilespmem:v39+s12+$0x0], $0xffff;
	v2 =	vadd.f32 v8, v2  }
0x1d4: {  	v46 =	vor.u32 $0xA, v1;
	v45 =	vld.idx.msk [tilespmem:v39+s13+$0x0], $0xffff;
	v3 =	vadd.f32 v3, v4  }
0x1d5: {  	v47 =	vld.idx.msk [tilespmem:v40+s12+$0x0], $0xffff;
	v2 =	vadd.f32 v10, v2  }
0x1d6: {  	v49 =	vor.u32 $0xB, v1;
	v48 =	vld.idx.msk [tilespmem:v40+s13+$0x0], $0xffff;
	v3 =	vadd.f32 v41, v3  }
0x1d7: {  	v50 =	vld.idx.msk [tilespmem:v43+s12+$0x0], $0xffff;
	v2 =	vadd.f32 v42, v2  }
0x1d8: {  	v51 =	vor.u32 $0xC, v1;
	v7 =	vld.idx.msk [tilespmem:v43+s13+$0x0], $0xffff;
	v3 =	vadd.f32 v44, v3  }
0x1d9: {  	v52 =	vld.idx.msk [tilespmem:v46+s12+$0x0], $0xffff;
	v2 =	vadd.f32 v45, v2  }
0x1da: {  	v53 =	vor.u32 $0xD, v1;
	v9 =	vld.idx.msk [tilespmem:v46+s13+$0x0], $0xffff;
	v3 =	vadd.f32 v47, v3  }
0x1db: {  	v54 =	vld.idx.msk [tilespmem:v49+s12+$0x0], $0xffff;
	v2 =	vadd.f32 v48, v2  }
0x1dc: {  	v56 =	vor.u32 $0xE, v1;
	v55 =	vld.idx.msk [tilespmem:v49+s13+$0x0], $0xffff;
	v3 =	vadd.f32 v50, v3  }
0x1dd: {  	v57 =	vld.idx.msk [tilespmem:v51+s12+$0x0], $0xffff;
	v2 =	vadd.f32 v7, v2  }
0x1de: {  	v1 =	vor.u32 $0xF, v1;
	v58 =	vld.idx.msk [tilespmem:v51+s13+$0x0], $0xffff;
	v3 =	vadd.f32 v52, v3  }
0x1df: {  	v59 =	vld.idx.msk [tilespmem:v53+s12+$0x0], $0xffff;
	v2 =	vadd.f32 v9, v2  }
0x1e0: {  	v60 =	vld.idx.msk [tilespmem:v53+s13+$0x0], $0xffff;
	v3 =	vadd.f32 v54, v3  }
0x1e1: {  	v61 =	vld.idx.msk [tilespmem:v56+s12+$0x0], $0xffff;
	v2 =	vadd.f32 v55, v2  }
0x1e2: {  	v62 =	vld.idx.msk [tilespmem:v56+s13+$0x0], $0xffff;
	v3 =	vadd.f32 v57, v3  }
0x1e3: {  	v63 =	vld.idx.msk [tilespmem:v1+s12+$0x0], $0xffff;
	v2 =	vadd.f32 v58, v2  }
0x1e4: {  	v1 =	vld.idx.msk [tilespmem:v1+s13+$0x0], $0xffff;
	v3 =	vadd.f32 v59, v3  }
0x1e5: {  	v2 =	vadd.f32 v60, v2  }
0x1e6: {  	p1 =	por p0, p0;
	v3 =	vadd.f32 v61, v3  }
.Ltmp1:
0x1e7: {  	v2 =	vadd.f32 v62, v2;
	(pc) =	sbr.rel @p1 .LBB2_5-.Ltmp1, $4  }
0x1e8: {  	v3 =	vadd.f32 v63, v3  }
0x1e9: {  	v1 =	vadd.f32 v1, v2  }
0x1ea: {  	[tilespmem:s19+$0x19C00] =	vst v3  }
0x1eb: {  	p0 =	por $0x0, $0x0;
	[tilespmem:s19+$0x19C20] =	vst v1;
	s19 =	simm.s32 $0x10  }
0x1ec: {  	s10 =	sor.u32 s5, s18  }
0x1ed: {  	s19 =	sshrl.u32 s10, $0x3  }
0x1ee: {  	s20 =	simm.s32 $0x0;
	s10 =	sadd.s32 s6, s19  }
0x1ef: {  	[hbm4b:s10+s20] =	stream.linear.scatter [tilespmem:s14], [sflag:$0x3], $0x20, $0x38;
	[tilespmem:$0x19C40] =	vst v63  }
0x1f0: {  	_ =	swait.ge [sflag:s21], $0x20  }
0x1f1: {  	[sflag:s21] =	ssyncset.done $0x0  }
0x1f2: {  	s24 =	sadd.s32 s7, s19;
	[sflag:s21] =	ssyncadd.s32 $0xFFFFFFE0  }
0x1f3: {  	[hbm4b:s24+s20] =	stream.linear.scatter [tilespmem:s15], [sflag:$0x3], $0x20, $0x38;
	[tilespmem:$0x19C40] =	vst v63  }
0x1f4: {  	_ =	swait.ge [sflag:s21], $0x20  }
0x1f5: {  	s10 =	smin.u32 s18, $0x1A0;
	[sflag:s21] =	ssyncset.done $0x0  }
0x1f6: {  	s18 =	sadd.s32 $0x40, s10;
	[sflag:s21] =	ssyncadd.s32 $0xFFFFFFE0  }
0x1f7: {  	[tilespmem:s25], [sflag:$0x1] =	stream.indirect.gather [hbm4b:s2+s22], $0x80, s18, s22, $0xb8;
	[tilespmem:$0x19C40] =	vst v63  }
0x1f8: {  	s23 =	sadd.s32 $0x240, s10  }
0x1f9: {  	[tilespmem:s31], [sflag:$0x1] =	stream.indirect.gather [hbm4b:s3+s22], $0x80, s23, s22, $0xb8;
	[tilespmem:$0x19C40] =	vst v63  }
0x1fa: {  	s24 =	sadd.s32 $0x440, s10  }
0x1fb: {  	[tilespmem:s26], [sflag:$0x1] =	stream.indirect.gather [hbm4b:s3+s22], $0x80, s24, s22, $0xb8;
	[tilespmem:$0x19C40] =	vst v63  }
0x1fc: {  	s23 =	sadd.s32 $0x640, s10  }
0x1fd: {  	[tilespmem:s1], [sflag:$0x1] =	stream.indirect.gather [hbm4b:s3+s22], $0x80, s23, s22, $0xb8;
	[tilespmem:$0x19C40] =	vst v63  }
0x1fe: {  	s24 =	sadd.s32 $0x840, s10  }
0x1ff: {  	[tilespmem:s28], [sflag:$0x1] =	stream.indirect.gather [hbm4b:s3+s22], $0x80, s24, s22, $0xb8;
	[tilespmem:$0x19C40] =	vst v63  }
0x200: {  	s23 =	sadd.s32 $0xA40, s10  }
0x201: {  	[tilespmem:s0], [sflag:$0x1] =	stream.indirect.gather [hbm4b:s3+s22], $0x80, s23, s22, $0xb8;
	[tilespmem:$0x19C40] =	vst v63  }
0x202: {  	s24 =	sadd.s32 $0xC40, s10  }
0x203: {  	[tilespmem:s29], [sflag:$0x1] =	stream.indirect.gather [hbm4b:s3+s22], $0x80, s24, s22, $0xb8;
	[tilespmem:$0x19C40] =	vst v63  }
0x204: {  	s23 =	sadd.s32 $0xE40, s10  }
0x205: {  	[tilespmem:s8], [sflag:$0x1] =	stream.indirect.gather [hbm4b:s3+s22], $0x80, s23, s22, $0xb8;
	[tilespmem:$0x19C40] =	vst v63  }
0x206: {  	s24 =	sadd.s32 $0x1040, s10  }
0x207: {  	[tilespmem:s30], [sflag:$0x1] =	stream.indirect.gather [hbm4b:s3+s22], $0x80, s24, s22, $0xb8;
	[tilespmem:$0x19C40] =	vst v63  }
0x208: {  	s23 =	sadd.s32 $0x1240, s10  }
0x209: {  	[tilespmem:s9], [sflag:$0x1] =	stream.indirect.gather [hbm4b:s3+s22], $0x80, s23, s22, $0xb8;
	[tilespmem:$0x19C40] =	vst v63  }
0x20a: {  	s24 =	sadd.s32 $0x1440, s10;
	s23 =	simm.s32 $0xD800  }
0x20b: {  	[tilespmem:s23], [sflag:$0x1] =	stream.indirect.gather [hbm4b:s3+s22], $0x80, s24, s22, $0xb8;
	[tilespmem:$0x19C40] =	vst v63  }
0x20c: {  	s10 =	sadd.s32 $0x1640, s10;
	s23 =	simm.s32 $0xE800  }
0x20d: {  	[tilespmem:s23], [sflag:$0x1] =	stream.indirect.gather [hbm4b:s3+s22], $0x80, s10, s22, $0xb8;
	[tilespmem:$0x19C40] =	vst v63  }
0x20e: {  	_ =	swait.ge [sflag:s16], $0x1000  }
0x20f: {  	[sflag:s16] =	ssyncset.done $0x0  }
0x210: {  	[sflag:s16] =	ssyncadd.s32 $0xFFFFF000  }
0x211: {  	_ =	swait.ge [sflag:s16], $0x1000  }
0x212: {  	[sflag:s16] =	ssyncset.done $0x0  }
0x213: {  	[sflag:s16] =	ssyncadd.s32 $0xFFFFF000  }
0x214: {  	_ =	swait.ge [sflag:s16], $0xA000  }
0x215: {  	[sflag:s16] =	ssyncset.done $0x0  }
0x216: {  	s24 =	simm.s32 $0x0;
	[sflag:s16] =	ssyncadd.s32 $0xFFFF6000  }
0x217: {  	v1 =	vld [tilespmem:s24+$0x4870]  }
0x218: {  	v2 =	vld [tilespmem:s24+$0x4860]  }
0x219: {  	v3 =	vld [tilespmem:s24+$0x17870]  }
0x21a: {  	v4 =	vld [tilespmem:s24+$0x4850]  }
0x21b: {  	v5 =	vld [tilespmem:s24+$0x17860]  }
0x21c: {  	v12 =	vld [tilespmem:s24+$0x16870]  }
0x21d: {  	v6 =	vld [tilespmem:s24+$0x4840]  }
0x21e: {  	v7 =	vld [tilespmem:s24+$0x17850]  }
0x21f: {  	v13 =	vld [tilespmem:s24+$0x16860]  }
0x220: {  	v14 =	vld [tilespmem:s24+$0x15870]  }
0x221: {  	v8 =	vld [tilespmem:s24+$0x4830]  }
0x222: {  	v9 =	vld [tilespmem:s24+$0x17840]  }
0x223: {  	v15 =	vld [tilespmem:s24+$0x16850]  }
0x224: {  	v16 =	vld [tilespmem:s24+$0x15860]  }
0x225: {  	v17 =	vld [tilespmem:s24+$0x14870]  }
0x226: {  	v10 =	vld [tilespmem:s24+$0x4820]  }
0x227: {  	v11 =	vld [tilespmem:s24+$0x17830]  }
0x228: {  	v18 =	vld [tilespmem:s24+$0x16840]  }
0x229: {  	v19 =	vld [tilespmem:s24+$0x15850]  }
0x22a: {  	v20 =	vld [tilespmem:s24+$0x14860]  }
0x22b: {  	v21 =	vld [tilespmem:s24+$0x13870]  }
0x22c: {  	v22 =	vld [tilespmem:s24+$0x4800]  }
0x22d: {  	v23 =	vld [tilespmem:s24+$0x4810]  }
0x22e: {  	v24 =	vld [tilespmem:s24+$0x18800]  }
0x22f: {  	v25 =	vld [tilespmem:s24+$0x18810]  }
0x230: {  	v26 =	vld [tilespmem:s24+$0x17820]  }
0x231: {  	v27 =	vld [tilespmem:s24+$0x15840]  }
0x232: {  	v28 =	vld [tilespmem:s24+$0x14850]  }
0x233: {  	v29 =	vld [tilespmem:s24+$0x13860]  }
0x234: {  	v30 =	vld [tilespmem:s24+$0x12870]  }
0x235: {  	v31 =	vld [tilespmem:s24+$0x17800]  }
0x236: {  	v32 =	vld [tilespmem:s24+$0x16820]  }
0x237: {  	v33 =	vld [tilespmem:s24+$0x14840]  }
0x238: {  	v34 =	vld [tilespmem:s24+$0x13850]  }
0x239: {  	v35 =	vld [tilespmem:s24+$0x12860]  }
0x23a: {  	v36 =	vld [tilespmem:s24+$0x11870]  }
0x23b: {  	v37 =	vld [tilespmem:s24+$0x16800]  }
0x23c: {  	v38 =	vld [tilespmem:s24+$0x15820]  }
0x23d: {  	v39 =	vld [tilespmem:s24+$0x13840]  }
0x23e: {  	v40 =	vld [tilespmem:s24+$0x12850]  }
0x23f: {  	v41 =	vld [tilespmem:s24+$0x11860]  }
0x240: {  	v42 =	vld [tilespmem:s24+$0x10870]  }
0x241: {  	v43 =	vld [tilespmem:s24+$0xF870]  }
0x242: {  	v44 =	vld [tilespmem:s24+$0x15800]  }
0x243: {  	v45 =	vld [tilespmem:s24+$0x14820]  }
0x244: {  	v46 =	vld [tilespmem:s24+$0x12840]  }
0x245: {  	v47 =	vld [tilespmem:s24+$0x11850]  }
0x246: {  	v48 =	vld [tilespmem:s24+$0x10860]  }
0x247: {  	v49 =	vld [tilespmem:s24+$0xF860]  }
0x248: {  	v50 =	vld [tilespmem:s24+$0x14800]  }
0x249: {  	v51 =	vld [tilespmem:s24+$0x13820]  }
0x24a: {  	v52 =	vld [tilespmem:s24+$0x11840]  }
0x24b: {  	v53 =	vld [tilespmem:s24+$0x10850]  }
0x24c: {  	v54 =	vld [tilespmem:s24+$0xF850]  }
0x24d: {  	v55 =	vld [tilespmem:s24+$0x10840]  }
0x24e: {  	v56 =	vld [tilespmem:s24+$0xF840]  }
0x24f: {  	v57 =	vld [tilespmem:s24+$0x13800]  }
0x250: {  	v58 =	vld [tilespmem:s24+$0x12820];
	v48 =	vadd.f32 v48, v49;
	v42 =	vadd.f32 v42, v43  }
0x251: {  	v63 =	vld [tilespmem:s24+$0x11800];
	v61 =	vadd.f32 v53, v54  }
0x252: {  	v60 =	vld [tilespmem:s24+$0x10810];
	v41 =	vadd.f32 v41, v48;
	v36 =	vadd.f32 v36, v42  }
0x253: {  	v43 =	vld [tilespmem:s24+$0x12800];
	v62 =	vadd.f32 v55, v56;
	v47 =	vadd.f32 v47, v61  }
0x254: {  	v53 =	vld [tilespmem:s24+$0x11820];
	v35 =	vadd.f32 v35, v41;
	v30 =	vadd.f32 v30, v36  }
0x255: {  	v54 =	vld [tilespmem:s24+$0x10820];
	v55 =	vadd.f32 v52, v62;
	v40 =	vadd.f32 v40, v47  }
0x256: {  	v56 =	vld [tilespmem:s24+$0x10800];
	v29 =	vadd.f32 v29, v35;
	v21 =	vadd.f32 v21, v30  }
0x257: {  	v42 =	vld [tilespmem:s24+$0x10830];
	v59 =	vadd.f32 v46, v55;
	v34 =	vadd.f32 v34, v40  }
0x258: {  	v30 =	vld [tilespmem:s24+$0xF800];
	v20 =	vadd.f32 v20, v29;
	v17 =	vadd.f32 v17, v21  }
0x259: {  	v21 =	vld [tilespmem:s24+$0xF810];
	v29 =	vadd.f32 v39, v59;
	v28 =	vadd.f32 v28, v34  }
0x25a: {  	v61 =	vld [tilespmem:s24+$0xF820];
	v16 =	vadd.f32 v16, v20;
	v14 =	vadd.f32 v14, v17  }
0x25b: {  	v17 =	vld [tilespmem:s24+$0x11810];
	v20 =	vadd.f32 v33, v29;
	v19 =	vadd.f32 v19, v28  }
0x25c: {  	v28 =	vld [tilespmem:s24+$0xF830];
	v13 =	vadd.f32 v13, v16;
	v12 =	vadd.f32 v12, v14  }
0x25d: {  	v14 =	vld [tilespmem:s24+$0x12810];
	v16 =	vadd.f32 v27, v20;
	v15 =	vadd.f32 v15, v19  }
0x25e: {  	v19 =	vadd.f32 v56, v30;
	v20 =	vadd.f32 v60, v21;
	v21 =	vld [tilespmem:s24+$0x11830]  }
0x25f: {  	v29 =	vadd.f32 v54, v61;
	v27 =	vld [tilespmem:s24+$0x13810];
	v16 =	vadd.f32 v18, v16  }
0x260: {  	v18 =	vadd.f32 v63, v19;
	v19 =	vld [tilespmem:s24+$0x12830];
	v17 =	vadd.f32 v17, v20  }
0x261: {  	v29 =	vadd.f32 v53, v29;
	v20 =	vld [tilespmem:s24+$0x14810];
	v28 =	vadd.f32 v42, v28  }
0x262: {  	v18 =	vadd.f32 v43, v18;
	v14 =	vadd.f32 v14, v17;
	v17 =	vld [tilespmem:s24+$0x13830]  }
0x263: {  	v30 =	vld [tilespmem:s24+$0x15810];
	v29 =	vadd.f32 v58, v29;
	v21 =	vadd.f32 v21, v28  }
0x264: {  	v18 =	vadd.f32 v57, v18;
	v14 =	vadd.f32 v27, v14;
	v27 =	vld [tilespmem:s24+$0x14830]  }
0x265: {  	v29 =	vadd.f32 v51, v29;
	v28 =	vld [tilespmem:s24+$0x16810];
	v19 =	vadd.f32 v19, v21  }
0x266: {  	v18 =	vadd.f32 v50, v18;
	v14 =	vadd.f32 v20, v14;
	v20 =	vld [tilespmem:s24+$0x15830]  }
0x267: {  	v29 =	vadd.f32 v45, v29;
	v21 =	vld [tilespmem:s24+$0x17810];
	v17 =	vadd.f32 v17, v19  }
0x268: {  	v18 =	vadd.f32 v44, v18;
	v19 =	vld [tilespmem:s24+$0x16830];
	v14 =	vadd.f32 v30, v14  }
0x269: {  	v29 =	vadd.f32 v38, v29;
	v30 =	vld [tilespmem:s24+$0x2800];
	v17 =	vadd.f32 v27, v17  }
0x26a: {  	v18 =	vadd.f32 v37, v18;
	v27 =	vld [tilespmem:s24+$0x2810];
	v14 =	vadd.f32 v28, v14  }
0x26b: {  	v28 =	vadd.f32 v32, v29;
	v29 =	vld [tilespmem:s24+$0x18820];
	v17 =	vadd.f32 v20, v17  }
0x26c: {  	v18 =	vadd.f32 v31, v18;
	v20 =	vld [tilespmem:s24+$0x2820];
	v14 =	vadd.f32 v21, v14  }
0x26d: {  	v21 =	vadd.f32 v26, v28;
	v17 =	vadd.f32 v19, v17;
	v19 =	vld [tilespmem:s24+$0x18830]  }
0x26e: {  	v18 =	vadd.f32 v24, v18;
	v24 =	vld [tilespmem:s24+$0x2830];
	v14 =	vadd.f32 v25, v14  }
0x26f: {  	v22 =	vmul.f32 v22, v30;
	v23 =	vmul.f32 v23, v27;
	v11 =	vadd.f32 v11, v17;
	v17 =	vld [tilespmem:s24+$0x18840]  }
0x270: {  	v25 =	vld [tilespmem:s24+$0x2840];
	v18 =	vmul.f32 v18, v30;
	v21 =	vadd.f32 v29, v21;
	v14 =	vmul.f32 v14, v27  }
0x271: {  	v9 =	vadd.f32 v9, v16;
	v16 =	vld [tilespmem:s24+$0x18850];
	v22 =	vadd.f32 v23, v22;
	v10 =	vmul.f32 v10, v20  }
0x272: {  	v14 =	vadd.f32 v14, v18;
	v18 =	vmul.f32 v21, v20;
	v11 =	vadd.f32 v19, v11;
	v19 =	vld [tilespmem:s24+$0x2850]  }
0x273: {  	v7 =	vadd.f32 v7, v15;
	v15 =	vld [tilespmem:s24+$0x18860];
	v10 =	vadd.f32 v10, v22;
	v8 =	vmul.f32 v8, v24  }
0x274: {  	v14 =	vadd.f32 v18, v14;
	v11 =	vmul.f32 v11, v24;
	v9 =	vadd.f32 v17, v9;
	v17 =	vld [tilespmem:s24+$0x2860]  }
0x275: {  	v5 =	vadd.f32 v5, v13;
	v6 =	vmul.f32 v6, v25;
	v8 =	vadd.f32 v8, v10;
	v10 =	vld [tilespmem:s24+$0x18870]  }
0x276: {  	v13 =	vld [tilespmem:s24+$0x2870];
	v7 =	vadd.f32 v16, v7;
	v11 =	vadd.f32 v11, v14;
	v9 =	vmul.f32 v9, v25  }
0x277: {  	v3 =	vadd.f32 v3, v12;
	v6 =	vadd.f32 v6, v8;
	v4 =	vmul.f32 v4, v19  }
0x278: {  	v5 =	vadd.f32 v15, v5;
	v7 =	vmul.f32 v7, v19;
	v8 =	vadd.f32 v9, v11  }
0x279: {  	v4 =	vadd.f32 v4, v6;
	v2 =	vmul.f32 v2, v17  }
0x27a: {  	v5 =	vmul.f32 v5, v17;
	v3 =	vadd.f32 v10, v3;
	v6 =	vadd.f32 v7, v8  }
0x27b: {  	v1 =	vmul.f32 v1, v13;
	v2 =	vadd.f32 v2, v4  }
0x27c: {  	v3 =	vmul.f32 v3, v13;
	v4 =	vadd.f32 v5, v6  }
0x27d: {  	v1 =	vadd.f32 v1, v2  }
0x27e: {  	s10 =	simm.s32 $0x19800;
	v2 =	vadd.f32 v3, v4  }
0x27f: {  	s18 =	simm.s32 $0x19A00;
	[tilespmem:s10+$0x0] =	vst v1  }
0x280: {  	s23 =	simm.s32 $0x80;
	[tilespmem:s18+$0x0] =	vst v2  }
0x281: {  	v1 =	vld [tilespmem:s23+$0x4870]  }
0x282: {  	v2 =	vld [tilespmem:s23+$0x4860]  }
0x283: {  	v3 =	vld [tilespmem:s23+$0x17870]  }
0x284: {  	v4 =	vld [tilespmem:s23+$0x4850]  }
0x285: {  	v5 =	vld [tilespmem:s23+$0x17860]  }
0x286: {  	v20 =	vld [tilespmem:s23+$0x16870]  }
0x287: {  	v6 =	vld [tilespmem:s23+$0x4840]  }
0x288: {  	v7 =	vld [tilespmem:s23+$0x17850]  }
0x289: {  	v22 =	vld [tilespmem:s23+$0x16860]  }
0x28a: {  	v25 =	vld [tilespmem:s23+$0x15870]  }
0x28b: {  	v8 =	vld [tilespmem:s23+$0x4830]  }
0x28c: {  	v9 =	vld [tilespmem:s23+$0x17840]  }
0x28d: {  	v23 =	vld [tilespmem:s23+$0x16850]  }
0x28e: {  	v27 =	vld [tilespmem:s23+$0x15860]  }
0x28f: {  	v49 =	vld [tilespmem:s23+$0x14870]  }
0x290: {  	v10 =	vld [tilespmem:s23+$0x4820]  }
0x291: {  	v11 =	vld [tilespmem:s23+$0x17830]  }
0x292: {  	v24 =	vld [tilespmem:s23+$0x16840]  }
0x293: {  	v29 =	vld [tilespmem:s23+$0x15850]  }
0x294: {  	v48 =	vld [tilespmem:s23+$0x14860]  }
0x295: {  	v44 =	vld [tilespmem:s23+$0x13870]  }
0x296: {  	v12 =	vld [tilespmem:s23+$0x4800]  }
0x297: {  	v13 =	vld [tilespmem:s23+$0x4810]  }
0x298: {  	v14 =	vld [tilespmem:s23+$0x18800]  }
0x299: {  	v15 =	vld [tilespmem:s23+$0x18810]  }
0x29a: {  	v16 =	vld [tilespmem:s23+$0x17820]  }
0x29b: {  	v30 =	vld [tilespmem:s23+$0x15840]  }
0x29c: {  	v33 =	vld [tilespmem:s23+$0x14850]  }
0x29d: {  	v45 =	vld [tilespmem:s23+$0x13860]  }
0x29e: {  	v42 =	vld [tilespmem:s23+$0x12870]  }
0x29f: {  	v17 =	vld [tilespmem:s23+$0x17800]  }
0x2a0: {  	v18 =	vld [tilespmem:s23+$0x16820]  }
0x2a1: {  	v34 =	vld [tilespmem:s23+$0x14840]  }
0x2a2: {  	v47 =	vld [tilespmem:s23+$0x13850]  }
0x2a3: {  	v43 =	vld [tilespmem:s23+$0x12860]  }
0x2a4: {  	v40 =	vld [tilespmem:s23+$0x11870]  }
0x2a5: {  	v19 =	vld [tilespmem:s23+$0x16800]  }
0x2a6: {  	v21 =	vld [tilespmem:s23+$0x15820]  }
0x2a7: {  	v37 =	vld [tilespmem:s23+$0x13840]  }
0x2a8: {  	v46 =	vld [tilespmem:s23+$0x12850]  }
0x2a9: {  	v41 =	vld [tilespmem:s23+$0x11860]  }
0x2aa: {  	v38 =	vld [tilespmem:s23+$0x10870]  }
0x2ab: {  	v39 =	vld [tilespmem:s23+$0xF870]  }
0x2ac: {  	v26 =	vld [tilespmem:s23+$0x15800]  }
0x2ad: {  	v28 =	vld [tilespmem:s23+$0x14820]  }
0x2ae: {  	v50 =	vld [tilespmem:s23+$0x12840]  }
0x2af: {  	v51 =	vld [tilespmem:s23+$0x11850]  }
0x2b0: {  	v52 =	vld [tilespmem:s23+$0x10860]  }
0x2b1: {  	v62 =	vld [tilespmem:s23+$0xF860]  }
0x2b2: {  	v31 =	vld [tilespmem:s23+$0x14800]  }
0x2b3: {  	v32 =	vld [tilespmem:s23+$0x13820]  }
0x2b4: {  	v54 =	vld [tilespmem:s23+$0x11840]  }
0x2b5: {  	v55 =	vld [tilespmem:s23+$0x10850]  }
0x2b6: {  	v63 =	vld [tilespmem:s23+$0xF850]  }
0x2b7: {  	v60 =	vld [tilespmem:s23+$0x10840]  }
0x2b8: {  	v61 =	vld [tilespmem:s23+$0xF840]  }
0x2b9: {  	v35 =	vld [tilespmem:s23+$0x13800]  }
0x2ba: {  	v36 =	vld [tilespmem:s23+$0x12820];
	v52 =	vadd.f32 v52, v62;
	v62 =	vadd.f32 v38, v39  }
0x2bb: {  	v38 =	vld [tilespmem:s23+$0x12800];
	v55 =	vadd.f32 v55, v63  }
0x2bc: {  	v39 =	vld [tilespmem:s23+$0x11820];
	v52 =	vadd.f32 v41, v52;
	v53 =	vadd.f32 v40, v62  }
0x2bd: {  	v63 =	vadd.f32 v60, v61;
	v40 =	vld [tilespmem:s23+$0x10830];
	v51 =	vadd.f32 v51, v55  }
0x2be: {  	v41 =	vld [tilespmem:s23+$0x11800];
	v52 =	vadd.f32 v43, v52;
	v53 =	vadd.f32 v42, v53  }
0x2bf: {  	v54 =	vadd.f32 v54, v63;
	v42 =	vld [tilespmem:s23+$0x10820];
	v51 =	vadd.f32 v46, v51  }
0x2c0: {  	v43 =	vld [tilespmem:s23+$0x10800];
	v52 =	vadd.f32 v45, v52;
	v53 =	vadd.f32 v44, v53  }
0x2c1: {  	v46 =	vadd.f32 v50, v54;
	v44 =	vld [tilespmem:s23+$0xF800];
	v47 =	vadd.f32 v47, v51  }
0x2c2: {  	s24 =	simm.s32 $0x400;
	v45 =	vld [tilespmem:s23+$0x10810];
	v48 =	vadd.f32 v48, v52;
	v49 =	vadd.f32 v49, v53  }
.LBB2_7:
0x2c3: {  	p0 =	sne.s32 s24, $0x3E00;
	v50 =	vld [tilespmem:s23+$0xF810];
	v37 =	vadd.f32 v37, v46;
	v33 =	vadd.f32 v33, v47  }
0x2c4: {  	v46 =	vld [tilespmem:s23+$0xF820];
	v27 =	vadd.f32 v27, v48;
	v25 =	vadd.f32 v25, v49  }
0x2c5: {  	v47 =	vld [tilespmem:s23+$0x11810];
	v34 =	vadd.f32 v34, v37;
	v29 =	vadd.f32 v29, v33  }
0x2c6: {  	v33 =	vld [tilespmem:s23+$0xF830];
	v22 =	vadd.f32 v22, v27;
	v20 =	vadd.f32 v20, v25  }
0x2c7: {  	v25 =	vld [tilespmem:s23+$0x12810];
	v27 =	vadd.f32 v30, v34;
	v23 =	vadd.f32 v23, v29  }
0x2c8: {  	v29 =	vadd.f32 v43, v44;
	v30 =	vadd.f32 v45, v50;
	v34 =	vld [tilespmem:s23+$0x11830]  }
0x2c9: {  	v37 =	vld [tilespmem:s23+$0x13810];
	v42 =	vadd.f32 v42, v46;
	v24 =	vadd.f32 v24, v27  }
0x2ca: {  	v27 =	vadd.f32 v41, v29;
	v29 =	vadd.f32 v47, v30;
	v30 =	vld [tilespmem:s23+$0x12830]  }
0x2cb: {  	v41 =	vld [tilespmem:s23+$0x14810];
	v39 =	vadd.f32 v39, v42;
	v33 =	vadd.f32 v40, v33  }
0x2cc: {  	v27 =	vadd.f32 v38, v27;
	v25 =	vadd.f32 v25, v29;
	v29 =	vld [tilespmem:s23+$0x13830]  }
0x2cd: {  	v38 =	vld [tilespmem:s23+$0x15810];
	v36 =	vadd.f32 v36, v39;
	v33 =	vadd.f32 v34, v33  }
0x2ce: {  	v27 =	vadd.f32 v35, v27;
	v25 =	vadd.f32 v37, v25;
	v34 =	vld [tilespmem:s23+$0x14830]  }
0x2cf: {  	v35 =	vld [tilespmem:s23+$0x16810];
	v32 =	vadd.f32 v32, v36;
	v30 =	vadd.f32 v30, v33  }
0x2d0: {  	v27 =	vadd.f32 v31, v27;
	v25 =	vadd.f32 v41, v25;
	v31 =	vld [tilespmem:s23+$0x15830]  }
0x2d1: {  	v33 =	vld [tilespmem:s23+$0x17810];
	v28 =	vadd.f32 v28, v32;
	v29 =	vadd.f32 v29, v30  }
0x2d2: {  	v26 =	vadd.f32 v26, v27;
	v25 =	vadd.f32 v38, v25;
	v27 =	vld [tilespmem:s23+$0x16830]  }
0x2d3: {  	v30 =	vld [tilespmem:s23+$0x2800];
	v21 =	vadd.f32 v21, v28;
	v28 =	vadd.f32 v34, v29  }
0x2d4: {  	v19 =	vadd.f32 v19, v26;
	v26 =	vld [tilespmem:s23+$0x2810];
	v25 =	vadd.f32 v35, v25  }
0x2d5: {  	v18 =	vadd.f32 v18, v21;
	v21 =	vld [tilespmem:s23+$0x18820];
	v28 =	vadd.f32 v31, v28  }
0x2d6: {  	v17 =	vadd.f32 v17, v19;
	v19 =	vadd.f32 v33, v25;
	v25 =	vld [tilespmem:s23+$0x2820]  }
0x2d7: {  	v16 =	vadd.f32 v16, v18;
	v18 =	vadd.f32 v27, v28;
	v27 =	vld [tilespmem:s23+$0x18830]  }
0x2d8: {  	v14 =	vadd.f32 v14, v17;
	v15 =	vadd.f32 v15, v19;
	v17 =	vld [tilespmem:s23+$0x2830]  }
0x2d9: {  	v12 =	vmul.f32 v12, v30;
	v13 =	vmul.f32 v13, v26;
	v11 =	vadd.f32 v11, v18;
	v18 =	vld [tilespmem:s23+$0x18840]  }
0x2da: {  	v14 =	vmul.f32 v14, v30;
	v15 =	vmul.f32 v15, v26;
	v16 =	vadd.f32 v21, v16;
	v19 =	vld [tilespmem:s23+$0x2840]  }
0x2db: {  	v9 =	vadd.f32 v9, v24;
	v12 =	vadd.f32 v13, v12;
	v10 =	vmul.f32 v10, v25;
	v13 =	vld [tilespmem:s23+$0x18850]  }
0x2dc: {  	v14 =	vadd.f32 v15, v14;
	v15 =	vmul.f32 v16, v25;
	v11 =	vadd.f32 v27, v11;
	v16 =	vld [tilespmem:s23+$0x2850]  }
0x2dd: {  	v7 =	vadd.f32 v7, v23;
	v10 =	vadd.f32 v10, v12;
	v8 =	vmul.f32 v8, v17;
	v12 =	vld [tilespmem:s23+$0x18860]  }
0x2de: {  	v14 =	vadd.f32 v15, v14;
	v11 =	vmul.f32 v11, v17;
	v9 =	vadd.f32 v18, v9;
	v15 =	vld [tilespmem:s23+$0x2860]  }
0x2df: {  	v5 =	vadd.f32 v5, v22;
	v8 =	vadd.f32 v8, v10;
	v6 =	vmul.f32 v6, v19;
	v10 =	vld [tilespmem:s23+$0x18870]  }
0x2e0: {  	v11 =	vadd.f32 v11, v14;
	v9 =	vmul.f32 v9, v19;
	v7 =	vadd.f32 v13, v7;
	v13 =	vld [tilespmem:s23+$0x2870]  }
0x2e1: {  	v3 =	vadd.f32 v3, v20;
	v6 =	vadd.f32 v6, v8;
	v4 =	vmul.f32 v4, v16  }
0x2e2: {  	v8 =	vadd.f32 v9, v11;
	v7 =	vmul.f32 v7, v16;
	v5 =	vadd.f32 v12, v5  }
0x2e3: {  	v4 =	vadd.f32 v4, v6;
	v2 =	vmul.f32 v2, v15  }
0x2e4: {  	v6 =	vadd.f32 v7, v8;
	v5 =	vmul.f32 v5, v15;
	v3 =	vadd.f32 v10, v3  }
0x2e5: {  	v2 =	vadd.f32 v2, v4;
	v1 =	vmul.f32 v1, v13  }
0x2e6: {  	v4 =	vadd.f32 v5, v6;
	v3 =	vmul.f32 v3, v13  }
0x2e7: {  	v1 =	vadd.f32 v1, v2  }
0x2e8: {  	s10 =	sadd.s32 $0x10, s10;
	v2 =	vadd.f32 v3, v4  }
0x2e9: {  	s18 =	sadd.s32 $0x10, s18;
	[tilespmem:s10+$0x0] =	vst v1  }
0x2ea: {  	s23 =	sshra.s32 s24, $0x2;
	[tilespmem:s18+$0x0] =	vst v2  }
0x2eb: {  	v1 =	vld [tilespmem:s23+$0x4870]  }
0x2ec: {  	v2 =	vld [tilespmem:s23+$0x4860]  }
0x2ed: {  	v3 =	vld [tilespmem:s23+$0x17870]  }
0x2ee: {  	v4 =	vld [tilespmem:s23+$0x4850]  }
0x2ef: {  	v5 =	vld [tilespmem:s23+$0x17860]  }
0x2f0: {  	v20 =	vld [tilespmem:s23+$0x16870]  }
0x2f1: {  	v6 =	vld [tilespmem:s23+$0x4840]  }
0x2f2: {  	v7 =	vld [tilespmem:s23+$0x17850]  }
0x2f3: {  	v22 =	vld [tilespmem:s23+$0x16860]  }
0x2f4: {  	v25 =	vld [tilespmem:s23+$0x15870]  }
0x2f5: {  	v8 =	vld [tilespmem:s23+$0x4830]  }
0x2f6: {  	v9 =	vld [tilespmem:s23+$0x17840]  }
0x2f7: {  	v23 =	vld [tilespmem:s23+$0x16850]  }
0x2f8: {  	v27 =	vld [tilespmem:s23+$0x15860]  }
0x2f9: {  	v49 =	vld [tilespmem:s23+$0x14870]  }
0x2fa: {  	v10 =	vld [tilespmem:s23+$0x4820]  }
0x2fb: {  	v11 =	vld [tilespmem:s23+$0x17830]  }
0x2fc: {  	v24 =	vld [tilespmem:s23+$0x16840]  }
0x2fd: {  	v29 =	vld [tilespmem:s23+$0x15850]  }
0x2fe: {  	v48 =	vld [tilespmem:s23+$0x14860]  }
0x2ff: {  	v44 =	vld [tilespmem:s23+$0x13870]  }
0x300: {  	v12 =	vld [tilespmem:s23+$0x4800]  }
0x301: {  	v13 =	vld [tilespmem:s23+$0x4810]  }
0x302: {  	v14 =	vld [tilespmem:s23+$0x18800]  }
0x303: {  	v15 =	vld [tilespmem:s23+$0x18810]  }
0x304: {  	v16 =	vld [tilespmem:s23+$0x17820]  }
0x305: {  	v30 =	vld [tilespmem:s23+$0x15840]  }
0x306: {  	v33 =	vld [tilespmem:s23+$0x14850]  }
0x307: {  	v45 =	vld [tilespmem:s23+$0x13860]  }
0x308: {  	v42 =	vld [tilespmem:s23+$0x12870]  }
0x309: {  	v17 =	vld [tilespmem:s23+$0x17800]  }
0x30a: {  	v18 =	vld [tilespmem:s23+$0x16820]  }
0x30b: {  	v34 =	vld [tilespmem:s23+$0x14840]  }
0x30c: {  	v47 =	vld [tilespmem:s23+$0x13850]  }
0x30d: {  	v43 =	vld [tilespmem:s23+$0x12860]  }
0x30e: {  	v40 =	vld [tilespmem:s23+$0x11870]  }
0x30f: {  	v19 =	vld [tilespmem:s23+$0x16800]  }
0x310: {  	v21 =	vld [tilespmem:s23+$0x15820]  }
0x311: {  	v37 =	vld [tilespmem:s23+$0x13840]  }
0x312: {  	v46 =	vld [tilespmem:s23+$0x12850]  }
0x313: {  	v41 =	vld [tilespmem:s23+$0x11860]  }
0x314: {  	v38 =	vld [tilespmem:s23+$0x10870]  }
0x315: {  	v39 =	vld [tilespmem:s23+$0xF870]  }
0x316: {  	v26 =	vld [tilespmem:s23+$0x15800]  }
0x317: {  	v28 =	vld [tilespmem:s23+$0x14820]  }
0x318: {  	v50 =	vld [tilespmem:s23+$0x12840]  }
0x319: {  	v51 =	vld [tilespmem:s23+$0x11850]  }
0x31a: {  	v52 =	vld [tilespmem:s23+$0x10860]  }
0x31b: {  	v53 =	vld [tilespmem:s23+$0xF860]  }
0x31c: {  	v31 =	vld [tilespmem:s23+$0x14800]  }
0x31d: {  	v32 =	vld [tilespmem:s23+$0x13820]  }
0x31e: {  	v54 =	vld [tilespmem:s23+$0x11840]  }
0x31f: {  	v55 =	vld [tilespmem:s23+$0x10850]  }
0x320: {  	v56 =	vld [tilespmem:s23+$0xF850]  }
0x321: {  	v57 =	vld [tilespmem:s23+$0x10840]  }
0x322: {  	v58 =	vld [tilespmem:s23+$0xF840]  }
0x323: {  	v35 =	vld [tilespmem:s23+$0x13800]  }
0x324: {  	v52 =	vadd.f32 v52, v53;
	v53 =	vadd.f32 v38, v39;
	v36 =	vld [tilespmem:s23+$0x12820]  }
0x325: {  	v38 =	vld [tilespmem:s23+$0x12800];
	v55 =	vadd.f32 v55, v56  }
0x326: {  	v52 =	vadd.f32 v41, v52;
	v53 =	vadd.f32 v40, v53;
	v39 =	vld [tilespmem:s23+$0x11820]  }
0x327: {  	v40 =	vld [tilespmem:s23+$0x10830];
	v56 =	vadd.f32 v57, v58;
	v51 =	vadd.f32 v51, v55  }
.Ltmp2:
0x328: {  	v52 =	vadd.f32 v43, v52;
	v53 =	vadd.f32 v42, v53;
	v41 =	vld [tilespmem:s23+$0x11800];
	(pc) =	sbr.rel @p0 .LBB2_7-.Ltmp2, $4  }
0x329: {  	v42 =	vld [tilespmem:s23+$0x10820];
	v54 =	vadd.f32 v54, v56;
	v51 =	vadd.f32 v46, v51  }
0x32a: {  	v52 =	vadd.f32 v45, v52;
	v53 =	vadd.f32 v44, v53;
	v43 =	vld [tilespmem:s23+$0x10800]  }
0x32b: {  	v44 =	vld [tilespmem:s23+$0xF800];
	v46 =	vadd.f32 v50, v54;
	v47 =	vadd.f32 v47, v51  }
0x32c: {  	s24 =	sadd.s32 $0x200, s24;
	v48 =	vadd.f32 v48, v52;
	v49 =	vadd.f32 v49, v53;
	v45 =	vld [tilespmem:s23+$0x10810]  }
0x32d: {  	v50 =	vld [tilespmem:s23+$0xF810]  }
0x32e: {  	v37 =	vadd.f32 v37, v46;
	v33 =	vadd.f32 v33, v47;
	v63 =	vld [tilespmem:s23+$0xF820]  }
0x32f: {  	v51 =	vld [tilespmem:s23+$0xF830];
	v27 =	vadd.f32 v27, v48;
	v25 =	vadd.f32 v25, v49  }
0x330: {  	v49 =	vld [tilespmem:s23+$0x11810];
	v34 =	vadd.f32 v34, v37;
	v29 =	vadd.f32 v29, v33  }
0x331: {  	v22 =	vadd.f32 v22, v27;
	v20 =	vadd.f32 v20, v25  }
0x332: {  	v52 =	vld [tilespmem:s23+$0x12810];
	v54 =	vadd.f32 v43, v44;
	v53 =	vadd.f32 v30, v34  }
0x333: {  	v56 =	vld [tilespmem:s23+$0x11830];
	v23 =	vadd.f32 v23, v29;
	v55 =	vadd.f32 v45, v50  }
0x334: {  	v57 =	vld [tilespmem:s23+$0x13810];
	v42 =	vadd.f32 v42, v63;
	v58 =	vadd.f32 v41, v54  }
0x335: {  	v60 =	vld [tilespmem:s23+$0x12830];
	v33 =	vadd.f32 v40, v51;
	v59 =	vadd.f32 v49, v55  }
0x336: {  	v61 =	vld [tilespmem:s23+$0x14810];
	v24 =	vadd.f32 v24, v53;
	v39 =	vadd.f32 v39, v42  }
0x337: {  	v62 =	vld [tilespmem:s23+$0x13830];
	v27 =	vadd.f32 v38, v58;
	v25 =	vadd.f32 v52, v59  }
0x338: {  	v63 =	vld [tilespmem:s23+$0x15810];
	v33 =	vadd.f32 v56, v33;
	v36 =	vadd.f32 v36, v39  }
0x339: {  	v37 =	vld [tilespmem:s23+$0x14830];
	v27 =	vadd.f32 v35, v27;
	v25 =	vadd.f32 v57, v25  }
0x33a: {  	v39 =	vld [tilespmem:s23+$0x16810];
	v30 =	vadd.f32 v60, v33;
	v32 =	vadd.f32 v32, v36  }
0x33b: {  	v40 =	vld [tilespmem:s23+$0x15830];
	v27 =	vadd.f32 v31, v27;
	v25 =	vadd.f32 v61, v25  }
0x33c: {  	v41 =	vld [tilespmem:s23+$0x17810];
	v29 =	vadd.f32 v62, v30;
	v28 =	vadd.f32 v28, v32  }
0x33d: {  	v42 =	vld [tilespmem:s23+$0x16830];
	v26 =	vadd.f32 v26, v27;
	v25 =	vadd.f32 v63, v25  }
0x33e: {  	v43 =	vld [tilespmem:s23+$0x2800];
	v44 =	vadd.f32 v37, v29;
	v21 =	vadd.f32 v21, v28  }
0x33f: {  	v45 =	vld [tilespmem:s23+$0x2810];
	v19 =	vadd.f32 v19, v26;
	v25 =	vadd.f32 v39, v25  }
0x340: {  	v46 =	vld [tilespmem:s23+$0x18820];
	v28 =	vadd.f32 v40, v44;
	v18 =	vadd.f32 v18, v21  }
0x341: {  	v48 =	vld [tilespmem:s23+$0x2820];
	v17 =	vadd.f32 v17, v19;
	v47 =	vadd.f32 v41, v25  }
0x342: {  	v50 =	vld [tilespmem:s23+$0x18830];
	v49 =	vadd.f32 v42, v28;
	v16 =	vadd.f32 v16, v18  }
0x343: {  	v51 =	vld [tilespmem:s23+$0x2830];
	v14 =	vadd.f32 v14, v17;
	v15 =	vadd.f32 v15, v47  }
0x344: {  	v12 =	vmul.f32 v12, v43;
	v52 =	vld [tilespmem:s23+$0x18840];
	v13 =	vmul.f32 v13, v45;
	v11 =	vadd.f32 v11, v49  }
0x345: {  	v53 =	vld [tilespmem:s23+$0x2840];
	v14 =	vmul.f32 v14, v43;
	v16 =	vadd.f32 v46, v16;
	v15 =	vmul.f32 v15, v45  }
0x346: {  	v54 =	vld [tilespmem:s23+$0x18850];
	v10 =	vmul.f32 v10, v48;
	v9 =	vadd.f32 v9, v24;
	v12 =	vadd.f32 v13, v12  }
0x347: {  	v56 =	vld [tilespmem:s23+$0x2850];
	v11 =	vadd.f32 v50, v11;
	v55 =	vmul.f32 v16, v48;
	v14 =	vadd.f32 v15, v14  }
0x348: {  	v7 =	vadd.f32 v7, v23;
	v8 =	vmul.f32 v8, v51;
	v57 =	vld [tilespmem:s23+$0x18860];
	v10 =	vadd.f32 v10, v12  }
0x349: {  	v58 =	vld [tilespmem:s23+$0x2860];
	v9 =	vadd.f32 v52, v9;
	v11 =	vmul.f32 v11, v51;
	v14 =	vadd.f32 v55, v14  }
0x34a: {  	v5 =	vadd.f32 v5, v22;
	v59 =	vld [tilespmem:s23+$0x18870];
	v6 =	vmul.f32 v6, v53;
	v8 =	vadd.f32 v8, v10  }
0x34b: {  	v60 =	vld [tilespmem:s23+$0x2870];
	v7 =	vadd.f32 v54, v7;
	v9 =	vmul.f32 v9, v53;
	v11 =	vadd.f32 v11, v14  }
0x34c: {  	v3 =	vadd.f32 v3, v20;
	v4 =	vmul.f32 v4, v56;
	v6 =	vadd.f32 v6, v8  }
0x34d: {  	v7 =	vmul.f32 v7, v56;
	v5 =	vadd.f32 v57, v5;
	v61 =	vadd.f32 v9, v11  }
0x34e: {  	v2 =	vmul.f32 v2, v58;
	v4 =	vadd.f32 v4, v6  }
0x34f: {  	v3 =	vadd.f32 v59, v3;
	v5 =	vmul.f32 v5, v58;
	v62 =	vadd.f32 v7, v61  }
0x350: {  	v1 =	vmul.f32 v1, v60;
	v2 =	vadd.f32 v2, v4  }
0x351: {  	v3 =	vmul.f32 v3, v60;
	v63 =	vadd.f32 v5, v62  }
0x352: {  	v1 =	vadd.f32 v1, v2  }
0x353: {  	s10 =	sadd.s32 $0x10, s10;
	v2 =	vadd.f32 v3, v63  }
0x354: {  	s24 =	sadd.s32 $0x10, s18;
	[tilespmem:s10+$0x0] =	vst v1  }
0x355: {  	p0 =	por $0x1, $0x1;
	[tilespmem:s24+$0x0] =	vst v2  }
.LBB2_9:
0x356: {  	v1 =	vmov s20  }
0x357: {  	v1 =	vshll.u32 v1, $0x4  }
0x358: {  	v1 =	vor.u32 v0, v1;
	_ =	sdelay $0x1  }
0x359: {  	v2 =	vor.u32 $0x1, v1;
	_ =	sdelay $0x1  }
0x35a: {  	v3 =	vor.u32 $0x2, v1  }
0x35b: {  	v4 =	vld.idx.msk [tilespmem:v1+s12+$0x0], $0xffff  }
0x35c: {  	v6 =	vor.u32 $0x3, v1;
	v5 =	vld.idx.msk [tilespmem:v1+s13+$0x0], $0xffff  }
0x35d: {  	v7 =	vld.idx.msk [tilespmem:v2+s12+$0x0], $0xffff  }
0x35e: {  	v8 =	vor.u32 $0x4, v1;
	v2 =	vld.idx.msk [tilespmem:v2+s13+$0x0], $0xffff  }
0x35f: {  	v9 =	vld.idx.msk [tilespmem:v3+s12+$0x0], $0xffff  }
0x360: {  	v10 =	vor.u32 $0x5, v1;
	v3 =	vld.idx.msk [tilespmem:v3+s13+$0x0], $0xffff  }
0x361: {  	v11 =	vld.idx.msk [tilespmem:v6+s12+$0x0], $0xffff  }
0x362: {  	v37 =	vor.u32 $0x6, v1;
	v6 =	vld.idx.msk [tilespmem:v6+s13+$0x0], $0xffff;
	v4 =	vadd.f32 v7, v4  }
0x363: {  	v38 =	vld.idx.msk [tilespmem:v8+s12+$0x0], $0xffff;
	v2 =	vadd.f32 v2, v5  }
0x364: {  	v39 =	vor.u32 $0x7, v1;
	v8 =	vld.idx.msk [tilespmem:v8+s13+$0x0], $0xffff;
	v4 =	vadd.f32 v9, v4  }
0x365: {  	v2 =	vadd.f32 v3, v2;
	v3 =	vld.idx.msk [tilespmem:v10+s12+$0x0], $0xffff  }
0x366: {  	v40 =	vor.u32 $0x8, v1;
	v10 =	vld.idx.msk [tilespmem:v10+s13+$0x0], $0xffff;
	v4 =	vadd.f32 v11, v4  }
0x367: {  	v41 =	vld.idx.msk [tilespmem:v37+s12+$0x0], $0xffff;
	v2 =	vadd.f32 v6, v2  }
0x368: {  	v43 =	vor.u32 $0x9, v1;
	v42 =	vld.idx.msk [tilespmem:v37+s13+$0x0], $0xffff;
	v4 =	vadd.f32 v38, v4  }
0x369: {  	v44 =	vld.idx.msk [tilespmem:v39+s12+$0x0], $0xffff;
	v2 =	vadd.f32 v8, v2  }
0x36a: {  	v46 =	vor.u32 $0xA, v1;
	v45 =	vld.idx.msk [tilespmem:v39+s13+$0x0], $0xffff;
	v3 =	vadd.f32 v3, v4  }
0x36b: {  	v47 =	vld.idx.msk [tilespmem:v40+s12+$0x0], $0xffff;
	v2 =	vadd.f32 v10, v2  }
0x36c: {  	v49 =	vor.u32 $0xB, v1;
	v48 =	vld.idx.msk [tilespmem:v40+s13+$0x0], $0xffff;
	v3 =	vadd.f32 v41, v3  }
0x36d: {  	v50 =	vld.idx.msk [tilespmem:v43+s12+$0x0], $0xffff;
	v2 =	vadd.f32 v42, v2  }
0x36e: {  	v51 =	vor.u32 $0xC, v1;
	v7 =	vld.idx.msk [tilespmem:v43+s13+$0x0], $0xffff;
	v3 =	vadd.f32 v44, v3  }
0x36f: {  	v52 =	vld.idx.msk [tilespmem:v46+s12+$0x0], $0xffff;
	v2 =	vadd.f32 v45, v2  }
0x370: {  	v53 =	vor.u32 $0xD, v1;
	v9 =	vld.idx.msk [tilespmem:v46+s13+$0x0], $0xffff;
	v3 =	vadd.f32 v47, v3  }
0x371: {  	v54 =	vld.idx.msk [tilespmem:v49+s12+$0x0], $0xffff;
	v2 =	vadd.f32 v48, v2  }
0x372: {  	v56 =	vor.u32 $0xE, v1;
	v55 =	vld.idx.msk [tilespmem:v49+s13+$0x0], $0xffff;
	v3 =	vadd.f32 v50, v3  }
0x373: {  	v57 =	vld.idx.msk [tilespmem:v51+s12+$0x0], $0xffff;
	v2 =	vadd.f32 v7, v2  }
0x374: {  	v1 =	vor.u32 $0xF, v1;
	v58 =	vld.idx.msk [tilespmem:v51+s13+$0x0], $0xffff;
	v3 =	vadd.f32 v52, v3  }
0x375: {  	v59 =	vld.idx.msk [tilespmem:v53+s12+$0x0], $0xffff;
	v2 =	vadd.f32 v9, v2  }
0x376: {  	v60 =	vld.idx.msk [tilespmem:v53+s13+$0x0], $0xffff;
	v3 =	vadd.f32 v54, v3  }
0x377: {  	v61 =	vld.idx.msk [tilespmem:v56+s12+$0x0], $0xffff;
	v2 =	vadd.f32 v55, v2  }
0x378: {  	v62 =	vld.idx.msk [tilespmem:v56+s13+$0x0], $0xffff;
	v3 =	vadd.f32 v57, v3  }
0x379: {  	v63 =	vld.idx.msk [tilespmem:v1+s12+$0x0], $0xffff;
	v2 =	vadd.f32 v58, v2  }
0x37a: {  	v1 =	vld.idx.msk [tilespmem:v1+s13+$0x0], $0xffff;
	v3 =	vadd.f32 v59, v3  }
0x37b: {  	v2 =	vadd.f32 v60, v2  }
0x37c: {  	p1 =	por p0, p0;
	v3 =	vadd.f32 v61, v3  }
.Ltmp3:
0x37d: {  	v2 =	vadd.f32 v62, v2;
	(pc) =	sbr.rel @p1 .LBB2_9-.Ltmp3, $4  }
0x37e: {  	v3 =	vadd.f32 v63, v3  }
0x37f: {  	v1 =	vadd.f32 v1, v2  }
0x380: {  	[tilespmem:s20+$0x19C00] =	vst v3  }
0x381: {  	p0 =	por $0x0, $0x0;
	[tilespmem:s20+$0x19C20] =	vst v1;
	s20 =	simm.s32 $0x10  }
0x382: {  	s10 =	sor.u32 $0x4, s19  }
0x383: {  	s18 =	sadd.s32 s6, s10  }
0x384: {  	[hbm4b:s18+s4] =	stream.linear.scatter [tilespmem:s14], [sflag:$0x3], $0x20, $0x38;
	[tilespmem:$0x19C40] =	vst v63  }
0x385: {  	s17 =	sadd.s32 $0x1, s17;
	_ =	swait.ge [sflag:s21], $0x20  }
0x386: {  	p0 =	sne.s32 s17, $0x8;
	[sflag:s21] =	ssyncset.done $0x0  }
.Ltmp4:
0x387: {  	s10 =	sadd.s32 s7, s10;
	[sflag:s21] =	ssyncadd.s32 $0xFFFFFFE0;
	(pc) =	sbr.rel @p0 .LBB2_2-.Ltmp4, $4  }
0x388: {  	[hbm4b:s10+s4] =	stream.linear.scatter [tilespmem:s15], [sflag:$0x3], $0x20, $0x38;
	[tilespmem:$0x19C40] =	vst v63  }
0x389: {  	_ =	swait.ge [sflag:s21], $0x20  }
0x38a: {  	[sflag:s21] =	ssyncset.done $0x0  }
0x38b: {  	[sflag:s21] =	ssyncadd.s32 $0xFFFFFFE0  }
0x38c: {  	_ =	swait.ge [sflag:s11], $0x1000  }
0x38d: {  	[sflag:s11] =	ssyncset.done $0x0  }
0x38e: {  	[sflag:s11] =	ssyncadd.s32 $0xFFFFF000  }
0x38f: {  	_ =	swait.ge [sflag:s11], $0x1000  }
0x390: {  	[sflag:s11] =	ssyncset.done $0x0  }
0x391: {  	[sflag:s11] =	ssyncadd.s32 $0xFFFFF000  }
0x392: {  	_ =	swait.ge [sflag:s11], $0xA000  }
0x393: {  	s0 =	rddreg [dreg:$0x13]  }
0x394: {  	s10 =	rddreg [dreg:$0x12];
	s0 =	sadd.s32 $0x1, s0  }
0x395: {  	p0 =	sne.s32 s0, s10  }
.Ltmp5:
0x396: {  	_ = 	snop;
	(pc) =	sbr.rel @p0 .LBB2_1-.Ltmp5, $3  }
0x397: {  	_ =	sdelay $0x1  }
0x398: {  	[sflag:s11] =	ssyncset.done $0x0  }
0x399: {  	[sflag:s11] =	ssyncadd.s32 $0xFFFF6000  }
0x39a: {  	_ =	sfence.sel $0x180000  }
0x39b: {  	[bflag:$0x0] =	sbarrier.arrive $0xFFFF  }
0x39c: {  	_ =	strace $0x90000047  }
0x39d: {  	s0 =	stileid.u32;
	[bflag:$0x2] =	sbarrier.arrive $0xFFFF  }
0x39e: {  	p0 =	sne.s32 s0, $0x0;
	s0 =	rddreg [dreg:$0x5]  }
0x39f: {  	s0 =	sadd.s32 @!p0 $0x100000, s0  }
0x3a0: {  	[sflag:s0] =	ssyncadd.tile.s32 @!p0 $0x1;
	_ =	shalt  }
.Lfunc_end2:
_tile_overlayer_lowered:
.L_overlay_start_2:
0x3a1: {  	(tag) =	ssettag $0x2  }
0x3a2: {  	s0 =	rddreg [dreg:$0x0];
	s2 =	stileid.u32  }
0x3a3: {  	s1 =	rddreg [dreg:$0x1];
	p0 =	sne.s32 s2, $0x0  }
0x3a4: {  	s3 =	rddreg [dreg:$0x2];
	[bflag:$0x3] =	sbarrier.arrive $0xFFFF;
	s2 =	simm.s32 @!p0 $0x1C03  }
0x3a5: {  	[timem:s3], [sflag:s2] =	dma.local @!p0 [hbm:s0], s1  }
0x3a6: {  	s0 =	simm.s32 @!p0 $0x3  }
0x3a7: {  	_ =	swait.ge @!p0 [sflag:s0], s1  }
0x3a8: {  	s1 =	ssub.s32 @!p0 $0x0, s1;
	[sflag:s0] =	ssyncset.done @!p0 $0x0  }
0x3a9: {  	[sflag:s0] =	ssyncadd.s32 @!p0 s1  }
0x3aa: {  	[bflag:$0x3] =	sbarrier.arrive $0xFFFF  }
0x3ab: {  	_ =	shalt  }

</sc_bundles>
